<compile_context>
chip_gen: v7x
topology: tpu7x:2x2x1
jax: 0.10.2.dev20260603
libtpu: 0.0.44.dev20260713+nightly
codegen_flags: <defaults>
</compile_context>

<pallas_src>
import functools

import numpy as np
import jax
import jax.numpy as jnp
from jax import lax
from jax.experimental import pallas as pl
from jax.experimental.pallas import tpu as pltpu
from jax.experimental.pallas import tpu_sc as plsc

_SEED = 1024
_HWS = 4194304
_BATCH = 16384
_DIM = 64
_r = np.random.RandomState(_SEED)
_rn = np.concatenate([np.array([2038074743]), _r.randint(0, 2038074743, (10,))]).astype(np.int64)
_P, _A, _B, _R = int(_rn[0]), int(_rn[1]), int(_rn[2]), int(_rn[3])
_S = (_R << 10) % _P
_THI = ((np.arange(1024, dtype=np.int64) * _S) % _P).astype(np.int32)
_TLO = (((np.arange(1024, dtype=np.int64) * _R) % _P) - _P).astype(np.int32)
_CPR = (((np.arange(_DIM, dtype=np.int64) * _B + _A) % _P) - _P).astype(np.int32)
_CPR_LIST = [int(x) for x in _CPR]
_MASK = _HWS - 1

_NW = 32
_IPW = _BATCH // _NW
_EPW = _IPW * _DIM
_ROWS = _EPW // 128
_NG = _IPW // 16
_RPG = 16 * _DIM // 128


def _make_sc_kernel():
    mesh = plsc.VectorSubcoreMesh(core_axis_name="c", subcore_axis_name="s")

    @functools.partial(
        pl.kernel,
        mesh=mesh,
        compiler_params=pltpu.CompilerParams(needs_layout_passes=False),
        out_type=jax.ShapeDtypeStruct((_BATCH, 128), jnp.float32),
        scratch_types=[
            pltpu.VMEM((_IPW,), jnp.int32),
            pltpu.VMEM((1024,), jnp.int32),
            pltpu.VMEM((1024,), jnp.int32),
            pltpu.VMEM((_ROWS, 128), jnp.int32),
            pltpu.VMEM((_IPW, 128), jnp.float32),
            pltpu.SemaphoreType.DMA,
            pltpu.SemaphoreType.DMA,
        ],
    )
    def robez(idx_hbm, hw_hbm, thi_hbm, tlo_hbm, out_hbm,
              idx_v, thi_v, tlo_v, hidx_v, vals_v, sem, sem_in):
        wid = (lax.axis_index("s") * jnp.int32(2)
               + lax.axis_index("c")).astype(jnp.int32)
        base = wid * jnp.int32(_IPW)

        cp_idx = pltpu.make_async_copy(
            idx_hbm.at[pl.ds(base, _IPW)], idx_v, sem_in)
        cp_thi = pltpu.make_async_copy(thi_hbm, thi_v, sem_in)
        cp_tlo = pltpu.make_async_copy(tlo_hbm, tlo_v, sem_in)
        cp_idx.start()
        cp_thi.start()
        cp_tlo.start()
        cp_idx.wait()
        cp_thi.wait()
        cp_tlo.wait()

        c10 = jnp.int32(10)
        c31 = jnp.int32(31)
        c1023 = jnp.int32(1023)
        cP = jnp.int32(_P)
        cMask = jnp.int32(_MASK)
        lane = lax.iota(jnp.int32, 16)
        row0 = lax.shift_right_logical(lane, jnp.int32(1))
        col0 = lax.bitwise_and(lane, jnp.int32(1)) * jnp.int32(64)

        def gbody(g, _):
            iv = idx_v[pl.ds(g * jnp.int32(16), 16)]
            a = lax.shift_right_logical(iv, c10)
            b = lax.bitwise_and(iv, c1023)
            v = plsc.load_gather(thi_v, [a]) + plsc.load_gather(tlo_v, [b])
            f = v + lax.bitwise_and(cP, lax.shift_right_arithmetic(v, c31))
            rowg = row0 + g * jnp.int32(_RPG)
            for d in range(_DIM):
                w = f + jnp.int32(_CPR_LIST[d])
                m = w + lax.bitwise_and(cP, lax.shift_right_arithmetic(w, c31))
                h = lax.bitwise_and(m, cMask)
                plsc.store_scatter(hidx_v, [rowg, col0 + jnp.int32(d)], h)
            g8 = g * jnp.int32(_RPG)
            g16 = g * jnp.int32(16)
            for k in range(16):
                row = g8 + jnp.int32(k >> 1)
                cb = (k & 1) * 64
                pltpu.make_async_copy(
                    hw_hbm.at[hidx_v.at[row, pl.ds(cb, 64)]],
                    vals_v.at[g16 + jnp.int32(k), pl.ds(0, 64)],
                    sem).start()
            return _
        lax.fori_loop(jnp.int32(0), jnp.int32(_NG), gbody, None)

        pltpu.make_async_copy(
            out_hbm.at[pl.ds(0, _ROWS)], vals_v.at[pl.ds(0, _ROWS)], sem).wait()

        pltpu.sync_copy(vals_v, out_hbm.at[pl.ds(base, _IPW)])

    return robez


_sc_kernel = _make_sc_kernel()


def kernel(indices, hashed_weights):
    idx32 = indices.astype(jnp.int32)
    out = _sc_kernel(idx32, hashed_weights,
                     jnp.asarray(_THI), jnp.asarray(_TLO))
    return out[:, :_DIM]

# --- scband reference (transcript-rebuilt; emitter-appended) ---
"""Pipeline reference for scband-robez-embedding-15633680957696 (READ-ONLY COPY).

The authoritative reference and input builder live on the scoring server;
editing this copy changes nothing except your own understanding.
"""

import jax, jax.numpy as jnp
import numpy as np

jax.config.update("jax_enable_x64", True)

NUM_EMBEDDINGS = 1000000
EMBEDDING_DIM = 64
HASHED_WEIGHTS_SIZE = 4194304
VAL_OFFSET = 0
ROBEZ_CHUNK_SIZE = 1
SEED = 1024
BATCH = 16384


def _robez_constants():
    r = np.random.RandomState(SEED)
    random_numbers = np.concatenate([np.array([2038074743]), r.randint(0, 2038074743, (10,))]).astype(np.int64)
    helper_Eidx_base = (np.arange(EMBEDDING_DIM) // ROBEZ_CHUNK_SIZE).astype(np.int64)
    helper_Eidx_offset = (np.arange(EMBEDDING_DIM) % ROBEZ_CHUNK_SIZE).astype(np.int64)
    helper_E1sR = (np.ones(EMBEDDING_DIM, dtype=np.int64) * int(random_numbers[3])).astype(np.int64)
    return random_numbers, helper_Eidx_base, helper_Eidx_offset, helper_E1sR


def setup_inputs(seed: int = 0) -> dict:
    key = jax.random.key(seed)
    k1, k2 = jax.random.split(key)
    indices = jax.random.randint(k1, (BATCH,), 0, NUM_EMBEDDINGS, dtype=jnp.int64)
    hashed_weights = (jax.random.normal(k2, (HASHED_WEIGHTS_SIZE,), dtype=jnp.float32) * 0.01)
    return {"indices": indices, "hashed_weights": hashed_weights}


def reference(indices, hashed_weights):
    rn, base_np, off_np, e1sr_np = _robez_constants()
    P = jnp.int64(rn[0])
    A = jnp.int64(rn[1])
    B = jnp.int64(rn[2])
    helper_E1sR = jnp.asarray(e1sr_np, dtype=jnp.int64)
    helper_Eidx_base = jnp.asarray(base_np, dtype=jnp.int64)
    helper_Eidx_offset = jnp.asarray(off_np, dtype=jnp.int64)
    idx = indices.astype(jnp.int64)
    hashed_idx = ((idx.reshape(-1, 1) + VAL_OFFSET) * helper_E1sR + helper_Eidx_base * B + A) % P % (HASHED_WEIGHTS_SIZE - ROBEZ_CHUNK_SIZE + 1) + helper_Eidx_offset
    output = jnp.take(hashed_weights, hashed_idx, axis=0)
    return output

if __name__ == "__main__":
    import jax
    _d = setup_inputs()
    print(jax.jit(kernel)(*tuple(_d.values())))

</pallas_src>

<mosaic_0001>
#map = affine_map<(d0, d1) -> (0)>
#map1 = affine_map<(d0, d1) -> (0, 0)>
module attributes {stable_mosaic.version = 14 : i64} {
  func.func @robez(%arg0: i32, %arg1: i32, %arg2: memref<16384xi32, #tpu.memory_space<hbm>>, %arg3: memref<4194304xf32, #tpu.memory_space<hbm>>, %arg4: memref<1024xi32, #tpu.memory_space<hbm>>, %arg5: memref<1024xi32, #tpu.memory_space<hbm>>, %arg6: memref<16384x128xf32, #tpu.memory_space<hbm>>, %arg7: memref<512xi32, #tpu.memory_space<vmem>>, %arg8: memref<1024xi32, #tpu.memory_space<vmem>>, %arg9: memref<1024xi32, #tpu.memory_space<vmem>>, %arg10: memref<256x128xi32, #tpu.memory_space<vmem>>, %arg11: memref<512x128xf32, #tpu.memory_space<vmem>>, %arg12: memref<!tpu.dma_semaphore, #tpu.memory_space<semaphore_mem>>, %arg13: memref<!tpu.dma_semaphore, #tpu.memory_space<semaphore_mem>>) attributes {dimension_semantics = [#tpu.dimension_semantics<core_parallel>, #tpu.dimension_semantics<subcore_parallel>], iteration_bounds = array<i64: 2, 16>, scalar_prefetch = 0 : i64, scratch_operands = 7 : i64, tpu.core_type = #tpu.core_type<sc_vector_subcore>, window_params = [{transform_indices = #map}, {transform_indices = #map}, {transform_indices = #map}, {transform_indices = #map}, {transform_indices = #map1}]} {
    %mul3A = arith.constant 2 : i32
    %mul3A_0 = arith.muli %arg1, %mul3A : i32
    %add3A = arith.addi %mul3A_0, %arg0 : i32
    %mul3A_1 = arith.constant 512 : i32
    %mul3A_2 = arith.muli %add3A, %mul3A_1 : i32
    %dma_start3A = tpu.memref_slice %arg2[%mul3A_2] : memref<16384xi32, #tpu.memory_space<hbm>> -> memref<512xi32, #tpu.memory_space<hbm>>
    %dma_start3A_3 = tpu.memref_slice %arg2[%mul3A_2] : memref<16384xi32, #tpu.memory_space<hbm>> -> memref<512xi32, #tpu.memory_space<hbm>>
    tpu.enqueue_dma source(%dma_start3A_3 : memref<512xi32, #tpu.memory_space<hbm>>) target(%arg7 : memref<512xi32, #tpu.memory_space<vmem>>) target_semaphore(%arg13 : memref<!tpu.dma_semaphore, #tpu.memory_space<semaphore_mem>>)
    tpu.enqueue_dma source(%arg4 : memref<1024xi32, #tpu.memory_space<hbm>>) target(%arg8 : memref<1024xi32, #tpu.memory_space<vmem>>) target_semaphore(%arg13 : memref<!tpu.dma_semaphore, #tpu.memory_space<semaphore_mem>>)
    tpu.enqueue_dma source(%arg5 : memref<1024xi32, #tpu.memory_space<hbm>>) target(%arg9 : memref<1024xi32, #tpu.memory_space<vmem>>) target_semaphore(%arg13 : memref<!tpu.dma_semaphore, #tpu.memory_space<semaphore_mem>>)
    %dma_wait3A = tpu.memref_slice %arg2[%mul3A_2] : memref<16384xi32, #tpu.memory_space<hbm>> -> memref<512xi32, #tpu.memory_space<hbm>>
    %dma_wait3A_4 = tpu.memref_slice %arg2[%mul3A_2] : memref<16384xi32, #tpu.memory_space<hbm>> -> memref<512xi32, #tpu.memory_space<hbm>>
    tpu.wait_dma2 semaphore(%arg13 : memref<!tpu.dma_semaphore, #tpu.memory_space<semaphore_mem>>) src(%dma_wait3A_4 : memref<512xi32, #tpu.memory_space<hbm>>) dst(%arg7 : memref<512xi32, #tpu.memory_space<vmem>>)
    tpu.wait_dma2 semaphore(%arg13 : memref<!tpu.dma_semaphore, #tpu.memory_space<semaphore_mem>>) src(%arg4 : memref<1024xi32, #tpu.memory_space<hbm>>) dst(%arg8 : memref<1024xi32, #tpu.memory_space<vmem>>)
    tpu.wait_dma2 semaphore(%arg13 : memref<!tpu.dma_semaphore, #tpu.memory_space<semaphore_mem>>) src(%arg5 : memref<1024xi32, #tpu.memory_space<hbm>>) dst(%arg9 : memref<1024xi32, #tpu.memory_space<vmem>>)
    %iota3A = tpu.iota {dimensions = array<i32: 0>} : vector<16xi32>
    %shift_right_logical3A = arith.constant 1 : i32
    %shift_right_logical3A_5 = vector.broadcast %shift_right_logical3A : i32 to vector<16xi32>
    %shift_right_logical3A_6 = arith.shrui %iota3A, %shift_right_logical3A_5 : vector<16xi32>
    %and3A = arith.constant 1 : i32
    %and3A_7 = vector.broadcast %and3A : i32 to vector<16xi32>
    %and3A_8 = arith.andi %iota3A, %and3A_7 : vector<16xi32>
    %mul3A_9 = arith.constant 64 : i32
    %mul3A_10 = vector.broadcast %mul3A_9 : i32 to vector<16xi32>
    %mul3A_11 = arith.muli %and3A_8, %mul3A_10 : vector<16xi32>
    %while3A = arith.constant 10 : i32
    %while3A_12 = arith.constant 1023 : i32
    %while3A_13 = arith.constant 31 : i32
    %while3A_14 = arith.constant 2038074743 : i32
    %while3A_15 = arith.constant 4194303 : i32
    %while3A_16 = arith.constant 0 : i32
    %while3A_17 = arith.constant 32 : i32
    %while3A_18 = arith.subi %while3A_17, %while3A_16 : i32
    %while3A_19 = arith.addi %while3A_16, %while3A_18 : i32
    %while3A_20 = arith.constant 1 : i32
    %while3A_21 = arith.divsi %while3A_18, %while3A_20 : i32
    %while3A_22 = arith.muli %while3A_21, %while3A_20 : i32
    %while3A_23 = arith.addi %while3A_16, %while3A_22 : i32
    %while3A_24 = arith.constant 1 : i32
    scf.for %while3A_38 = %while3A_16 to %while3A_23 step %while3A_24  : i32 {
      %mul3A_39 = arith.constant 16 : i32
      %mul3A_40 = arith.muli %while3A_38, %mul3A_39 : i32
      %get3A = arith.index_cast %mul3A_40 : i32 to index
      %get3A_41 = tpu.vector_load %arg7[%get3A] {strides = array<i32>} : memref<512xi32, #tpu.memory_space<vmem>>, vector<16xi32>,
      %shift_right_logical3A_42 = vector.broadcast %while3A : i32 to vector<16xi32>
      %shift_right_logical3A_43 = arith.shrui %get3A_41, %shift_right_logical3A_42 : vector<16xi32>
      %and3A_44 = vector.broadcast %while3A_12 : i32 to vector<16xi32>
      %and3A_45 = arith.andi %get3A_41, %and3A_44 : vector<16xi32>
      %gather3A = tpu.vector_load_idx %arg8[%shift_right_logical3A_43] : memref<1024xi32, #tpu.memory_space<vmem>>[vector<16xi32>], vector<16xi32>,
      %gather3A_46 = tpu.vector_load_idx %arg9[%and3A_45] : memref<1024xi32, #tpu.memory_space<vmem>>[vector<16xi32>], vector<16xi32>,
      %add3A_47 = arith.addi %gather3A, %gather3A_46 : vector<16xi32>
      %shift_right_arithmetic3A = vector.broadcast %while3A_13 : i32 to vector<16xi32>
      %shift_right_arithmetic3A_48 = arith.shrsi %add3A_47, %shift_right_arithmetic3A : vector<16xi32>
      %and3A_49 = vector.broadcast %while3A_14 : i32 to vector<16xi32>
      %and3A_50 = arith.andi %and3A_49, %shift_right_arithmetic3A_48 : vector<16xi32>
      %add3A_51 = arith.addi %add3A_47, %and3A_50 : vector<16xi32>
      %mul3A_52 = arith.constant 8 : i32
      %mul3A_53 = arith.muli %while3A_38, %mul3A_52 : i32
      %add3A_54 = vector.broadcast %mul3A_53 : i32 to vector<16xi32>
      %add3A_55 = arith.addi %shift_right_logical3A_6, %add3A_54 : vector<16xi32>
      %add3A_56 = arith.constant -1403745724 : i32
      %add3A_57 = vector.broadcast %add3A_56 : i32 to vector<16xi32>
      %add3A_58 = arith.addi %add3A_51, %add3A_57 : vector<16xi32>
      %shift_right_arithmetic3A_59 = vector.broadcast %while3A_13 : i32 to vector<16xi32>
      %shift_right_arithmetic3A_60 = arith.shrsi %add3A_58, %shift_right_arithmetic3A_59 : vector<16xi32>
      %and3A_61 = vector.broadcast %while3A_14 : i32 to vector<16xi32>
      %and3A_62 = arith.andi %and3A_61, %shift_right_arithmetic3A_60 : vector<16xi32>
      %add3A_63 = arith.addi %add3A_58, %and3A_62 : vector<16xi32>
      %and3A_64 = vector.broadcast %while3A_15 : i32 to vector<16xi32>
      %and3A_65 = arith.andi %add3A_63, %and3A_64 : vector<16xi32>
      %add3A_66 = arith.constant 0 : i32
      %add3A_67 = vector.broadcast %add3A_66 : i32 to vector<16xi32>
      %add3A_68 = arith.addi %mul3A_11, %add3A_67 : vector<16xi32>
      tpu.vector_store_idx %arg10[%add3A_55, %add3A_68], %and3A_65 : memref<256x128xi32, #tpu.memory_space<vmem>>[vector<16xi32>, vector<16xi32>], vector<16xi32>,
      %add3A_69 = arith.constant -1616568226 : i32
      %add3A_70 = vector.broadcast %add3A_69 : i32 to vector<16xi32>
      %add3A_71 = arith.addi %add3A_51, %add3A_70 : vector<16xi32>
      %shift_right_arithmetic3A_72 = vector.broadcast %while3A_13 : i32 to vector<16xi32>
      %shift_right_arithmetic3A_73 = arith.shrsi %add3A_71, %shift_right_arithmetic3A_72 : vector<16xi32>
      %and3A_74 = vector.broadcast %while3A_14 : i32 to vector<16xi32>
      %and3A_75 = arith.andi %and3A_74, %shift_right_arithmetic3A_73 : vector<16xi32>
      %add3A_76 = arith.addi %add3A_71, %and3A_75 : vector<16xi32>
      %and3A_77 = vector.broadcast %while3A_15 : i32 to vector<16xi32>
      %and3A_78 = arith.andi %add3A_76, %and3A_77 : vector<16xi32>
      %add3A_79 = arith.constant 1 : i32
      %add3A_80 = vector.broadcast %add3A_79 : i32 to vector<16xi32>
      %add3A_81 = arith.addi %mul3A_11, %add3A_80 : vector<16xi32>
      tpu.vector_store_idx %arg10[%add3A_55, %add3A_81], %and3A_78 : memref<256x128xi32, #tpu.memory_space<vmem>>[vector<16xi32>, vector<16xi32>], vector<16xi32>,
      %add3A_82 = arith.constant -1829390728 : i32
      %add3A_83 = vector.broadcast %add3A_82 : i32 to vector<16xi32>
      %add3A_84 = arith.addi %add3A_51, %add3A_83 : vector<16xi32>
      %shift_right_arithmetic3A_85 = vector.broadcast %while3A_13 : i32 to vector<16xi32>
      %shift_right_arithmetic3A_86 = arith.shrsi %add3A_84, %shift_right_arithmetic3A_85 : vector<16xi32>
      %and3A_87 = vector.broadcast %while3A_14 : i32 to vector<16xi32>
      %and3A_88 = arith.andi %and3A_87, %shift_right_arithmetic3A_86 : vector<16xi32>
      %add3A_89 = arith.addi %add3A_84, %and3A_88 : vector<16xi32>
      %and3A_90 = vector.broadcast %while3A_15 : i32 to vector<16xi32>
      %and3A_91 = arith.andi %add3A_89, %and3A_90 : vector<16xi32>
      %add3A_92 = arith.constant 2 : i32
      %add3A_93 = vector.broadcast %add3A_92 : i32 to vector<16xi32>
      %add3A_94 = arith.addi %mul3A_11, %add3A_93 : vector<16xi32>
      tpu.vector_store_idx %arg10[%add3A_55, %add3A_94], %and3A_91 : memref<256x128xi32, #tpu.memory_space<vmem>>[vector<16xi32>, vector<16xi32>], vector<16xi32>,
      %add3A_95 = arith.constant -4138487 : i32
      %add3A_96 = vector.broadcast %add3A_95 : i32 to vector<16xi32>
      %add3A_97 = arith.addi %add3A_51, %add3A_96 : vector<16xi32>
      %shift_right_arithmetic3A_98 = vector.broadcast %while3A_13 : i32 to vector<16xi32>
      %shift_right_arithmetic3A_99 = arith.shrsi %add3A_97, %shift_right_arithmetic3A_98 : vector<16xi32>
      %and3A_100 = vector.broadcast %while3A_14 : i32 to vector<16xi32>
      %and3A_101 = arith.andi %and3A_100, %shift_right_arithmetic3A_99 : vector<16xi32>
      %add3A_102 = arith.addi %add3A_97, %and3A_101 : vector<16xi32>
      %and3A_103 = vector.broadcast %while3A_15 : i32 to vector<16xi32>
      %and3A_104 = arith.andi %add3A_102, %and3A_103 : vector<16xi32>
      %add3A_105 = arith.constant 3 : i32
      %add3A_106 = vector.broadcast %add3A_105 : i32 to vector<16xi32>
      %add3A_107 = arith.addi %mul3A_11, %add3A_106 : vector<16xi32>
      tpu.vector_store_idx %arg10[%add3A_55, %add3A_107], %and3A_104 : memref<256x128xi32, #tpu.memory_space<vmem>>[vector<16xi32>, vector<16xi32>], vector<16xi32>,
      %add3A_108 = arith.constant -216960989 : i32
      %add3A_109 = vector.broadcast %add3A_108 : i32 to vector<16xi32>
      %add3A_110 = arith.addi %add3A_51, %add3A_109 : vector<16xi32>
      %shift_right_arithmetic3A_111 = vector.broadcast %while3A_13 : i32 to vector<16xi32>
      %shift_right_arithmetic3A_112 = arith.shrsi %add3A_110, %shift_right_arithmetic3A_111 : vector<16xi32>
      %and3A_113 = vector.broadcast %while3A_14 : i32 to vector<16xi32>
      %and3A_114 = arith.andi %and3A_113, %shift_right_arithmetic3A_112 : vector<16xi32>
      %add3A_115 = arith.addi %add3A_110, %and3A_114 : vector<16xi32>
      %and3A_116 = vector.broadcast %while3A_15 : i32 to vector<16xi32>
      %and3A_117 = arith.andi %add3A_115, %and3A_116 : vector<16xi32>
      %add3A_118 = arith.constant 4 : i32
      %add3A_119 = vector.broadcast %add3A_118 : i32 to vector<16xi32>
      %add3A_120 = arith.addi %mul3A_11, %add3A_119 : vector<16xi32>
      tpu.vector_store_idx %arg10[%add3A_55, %add3A_120], %and3A_117 : memref<256x128xi32, #tpu.memory_space<vmem>>[vector<16xi32>, vector<16xi32>], vector<16xi32>,
      %add3A_121 = arith.constant -429783491 : i32
      %add3A_122 = vector.broadcast %add3A_121 : i32 to vector<16xi32>
      %add3A_123 = arith.addi %add3A_51, %add3A_122 : vector<16xi32>
      %shift_right_arithmetic3A_124 = vector.broadcast %while3A_13 : i32 to vector<16xi32>
      %shift_right_arithmetic3A_125 = arith.shrsi %add3A_123, %shift_right_arithmetic3A_124 : vector<16xi32>
      %and3A_126 = vector.broadcast %while3A_14 : i32 to vector<16xi32>
      %and3A_127 = arith.andi %and3A_126, %shift_right_arithmetic3A_125 : vector<16xi32>
      %add3A_128 = arith.addi %add3A_123, %and3A_127 : vector<16xi32>
      %and3A_129 = vector.broadcast %while3A_15 : i32 to vector<16xi32>
      %and3A_130 = arith.andi %add3A_128, %and3A_129 : vector<16xi32>
      %add3A_131 = arith.constant 5 : i32
      %add3A_132 = vector.broadcast %add3A_131 : i32 to vector<16xi32>
      %add3A_133 = arith.addi %mul3A_11, %add3A_132 : vector<16xi32>
      tpu.vector_store_idx %arg10[%add3A_55, %add3A_133], %and3A_130 : memref<256x128xi32, #tpu.memory_space<vmem>>[vector<16xi32>, vector<16xi32>], vector<16xi32>,
      %add3A_134 = arith.constant -642605993 : i32
      %add3A_135 = vector.broadcast %add3A_134 : i32 to vector<16xi32>
      %add3A_136 = arith.addi %add3A_51, %add3A_135 : vector<16xi32>
      %shift_right_arithmetic3A_137 = vector.broadcast %while3A_13 : i32 to vector<16xi32>
      %shift_right_arithmetic3A_138 = arith.shrsi %add3A_136, %shift_right_arithmetic3A_137 : vector<16xi32>
      %and3A_139 = vector.broadcast %while3A_14 : i32 to vector<16xi32>
      %and3A_140 = arith.andi %and3A_139, %shift_right_arithmetic3A_138 : vector<16xi32>
      %add3A_141 = arith.addi %add3A_136, %and3A_140 : vector<16xi32>
      %and3A_142 = vector.broadcast %while3A_15 : i32 to vector<16xi32>
      %and3A_143 = arith.andi %add3A_141, %and3A_142 : vector<16xi32>
      %add3A_144 = arith.constant 6 : i32
      %add3A_145 = vector.broadcast %add3A_144 : i32 to vector<16xi32>
      %add3A_146 = arith.addi %mul3A_11, %add3A_145 : vector<16xi32>
      tpu.vector_store_idx %arg10[%add3A_55, %add3A_146], %and3A_143 : memref<256x128xi32, #tpu.memory_space<vmem>>[vector<16xi32>, vector<16xi32>], vector<16xi32>,
      %add3A_147 = arith.constant -855428495 : i32
      %add3A_148 = vector.broadcast %add3A_147 : i32 to vector<16xi32>
      %add3A_149 = arith.addi %add3A_51, %add3A_148 : vector<16xi32>
      %shift_right_arithmetic3A_150 = vector.broadcast %while3A_13 : i32 to vector<16xi32>
      %shift_right_arithmetic3A_151 = arith.shrsi %add3A_149, %shift_right_arithmetic3A_150 : vector<16xi32>
      %and3A_152 = vector.broadcast %while3A_14 : i32 to vector<16xi32>
      %and3A_153 = arith.andi %and3A_152, %shift_right_arithmetic3A_151 : vector<16xi32>
      %add3A_154 = arith.addi %add3A_149, %and3A_153 : vector<16xi32>
      %and3A_155 = vector.broadcast %while3A_15 : i32 to vector<16xi32>
      %and3A_156 = arith.andi %add3A_154, %and3A_155 : vector<16xi32>
      %add3A_157 = arith.constant 7 : i32
      %add3A_158 = vector.broadcast %add3A_157 : i32 to vector<16xi32>
      %add3A_159 = arith.addi %mul3A_11, %add3A_158 : vector<16xi32>
      tpu.vector_store_idx %arg10[%add3A_55, %add3A_159], %and3A_156 : memref<256x128xi32, #tpu.memory_space<vmem>>[vector<16xi32>, vector<16xi32>], vector<16xi32>,
      %add3A_160 = arith.constant -1068250997 : i32
      %add3A_161 = vector.broadcast %add3A_160 : i32 to vector<16xi32>
      %add3A_162 = arith.addi %add3A_51, %add3A_161 : vector<16xi32>
      %shift_right_arithmetic3A_163 = vector.broadcast %while3A_13 : i32 to vector<16xi32>
      %shift_right_arithmetic3A_164 = arith.shrsi %add3A_162, %shift_right_arithmetic3A_163 : vector<16xi32>
      %and3A_165 = vector.broadcast %while3A_14 : i32 to vector<16xi32>
      %and3A_166 = arith.andi %and3A_165, %shift_right_arithmetic3A_164 : vector<16xi32>
      %add3A_167 = arith.addi %add3A_162, %and3A_166 : vector<16xi32>
      %and3A_168 = vector.broadcast %while3A_15 : i32 to vector<16xi32>
      %and3A_169 = arith.andi %add3A_167, %and3A_168 : vector<16xi32>
      %add3A_170 = arith.constant 8 : i32
      %add3A_171 = vector.broadcast %add3A_170 : i32 to vector<16xi32>
      %add3A_172 = arith.addi %mul3A_11, %add3A_171 : vector<16xi32>
      tpu.vector_store_idx %arg10[%add3A_55, %add3A_172], %and3A_169 : memref<256x128xi32, #tpu.memory_space<vmem>>[vector<16xi32>, vector<16xi32>], vector<16xi32>,
      %add3A_173 = arith.constant -1281073499 : i32
      %add3A_174 = vector.broadcast %add3A_173 : i32 to vector<16xi32>
      %add3A_175 = arith.addi %add3A_51, %add3A_174 : vector<16xi32>
      %shift_right_arithmetic3A_176 = vector.broadcast %while3A_13 : i32 to vector<16xi32>
      %shift_right_arithmetic3A_177 = arith.shrsi %add3A_175, %shift_right_arithmetic3A_176 : vector<16xi32>
      %and3A_178 = vector.broadcast %while3A_14 : i32 to vector<16xi32>
      %and3A_179 = arith.andi %and3A_178, %shift_right_arithmetic3A_177 : vector<16xi32>
      %add3A_180 = arith.addi %add3A_175, %and3A_179 : vector<16xi32>
      %and3A_181 = vector.broadcast %while3A_15 : i32 to vector<16xi32>
      %and3A_182 = arith.andi %add3A_180, %and3A_181 : vector<16xi32>
      %add3A_183 = arith.constant 9 : i32
      %add3A_184 = vector.broadcast %add3A_183 : i32 to vector<16xi32>
      %add3A_185 = arith.addi %mul3A_11, %add3A_184 : vector<16xi32>
      tpu.vector_store_idx %arg10[%add3A_55, %add3A_185], %and3A_182 : memref<256x128xi32, #tpu.memory_space<vmem>>[vector<16xi32>, vector<16xi32>], vector<16xi32>,
      %add3A_186 = arith.constant -1493896001 : i32
      %add3A_187 = vector.broadcast %add3A_186 : i32 to vector<16xi32>
      %add3A_188 = arith.addi %add3A_51, %add3A_187 : vector<16xi32>
      %shift_right_arithmetic3A_189 = vector.broadcast %while3A_13 : i32 to vector<16xi32>
      %shift_right_arithmetic3A_190 = arith.shrsi %add3A_188, %shift_right_arithmetic3A_189 : vector<16xi32>
      %and3A_191 = vector.broadcast %while3A_14 : i32 to vector<16xi32>
      %and3A_192 = arith.andi %and3A_191, %shift_right_arithmetic3A_190 : vector<16xi32>
      %add3A_193 = arith.addi %add3A_188, %and3A_192 : vector<16xi32>
      %and3A_194 = vector.broadcast %while3A_15 : i32 to vector<16xi32>
      %and3A_195 = arith.andi %add3A_193, %and3A_194 : vector<16xi32>
      %add3A_196 = arith.constant 10 : i32
      %add3A_197 = vector.broadcast %add3A_196 : i32 to vector<16xi32>
      %add3A_198 = arith.addi %mul3A_11, %add3A_197 : vector<16xi32>
      tpu.vector_store_idx %arg10[%add3A_55, %add3A_198], %and3A_195 : memref<256x128xi32, #tpu.memory_space<vmem>>[vector<16xi32>, vector<16xi32>], vector<16xi32>,
      %add3A_199 = arith.constant -1706718503 : i32
      %add3A_200 = vector.broadcast %add3A_199 : i32 to vector<16xi32>
      %add3A_201 = arith.addi %add3A_51, %add3A_200 : vector<16xi32>
      %shift_right_arithmetic3A_202 = vector.broadcast %while3A_13 : i32 to vector<16xi32>
      %shift_right_arithmetic3A_203 = arith.shrsi %add3A_201, %shift_right_arithmetic3A_202 : vector<16xi32>
      %and3A_204 = vector.broadcast %while3A_14 : i32 to vector<16xi32>
      %and3A_205 = arith.andi %and3A_204, %shift_right_arithmetic3A_203 : vector<16xi32>
      %add3A_206 = arith.addi %add3A_201, %and3A_205 : vector<16xi32>
      %and3A_207 = vector.broadcast %while3A_15 : i32 to vector<16xi32>
      %and3A_208 = arith.andi %add3A_206, %and3A_207 : vector<16xi32>
      %add3A_209 = arith.constant 11 : i32
      %add3A_210 = vector.broadcast %add3A_209 : i32 to vector<16xi32>
      %add3A_211 = arith.addi %mul3A_11, %add3A_210 : vector<16xi32>
      tpu.vector_store_idx %arg10[%add3A_55, %add3A_211], %and3A_208 : memref<256x128xi32, #tpu.memory_space<vmem>>[vector<16xi32>, vector<16xi32>], vector<16xi32>,
      %add3A_212 = arith.constant -1919541005 : i32
      %add3A_213 = vector.broadcast %add3A_212 : i32 to vector<16xi32>
      %add3A_214 = arith.addi %add3A_51, %add3A_213 : vector<16xi32>
      %shift_right_arithmetic3A_215 = vector.broadcast %while3A_13 : i32 to vector<16xi32>
      %shift_right_arithmetic3A_216 = arith.shrsi %add3A_214, %shift_right_arithmetic3A_215 : vector<16xi32>
      %and3A_217 = vector.broadcast %while3A_14 : i32 to vector<16xi32>
      %and3A_218 = arith.andi %and3A_217, %shift_right_arithmetic3A_216 : vector<16xi32>
      %add3A_219 = arith.addi %add3A_214, %and3A_218 : vector<16xi32>
      %and3A_220 = vector.broadcast %while3A_15 : i32 to vector<16xi32>
      %and3A_221 = arith.andi %add3A_219, %and3A_220 : vector<16xi32>
      %add3A_222 = arith.constant 12 : i32
      %add3A_223 = vector.broadcast %add3A_222 : i32 to vector<16xi32>
      %add3A_224 = arith.addi %mul3A_11, %add3A_223 : vector<16xi32>
      tpu.vector_store_idx %arg10[%add3A_55, %add3A_224], %and3A_221 : memref<256x128xi32, #tpu.memory_space<vmem>>[vector<16xi32>, vector<16xi32>], vector<16xi32>,
      %add3A_225 = arith.constant -94288764 : i32
      %add3A_226 = vector.broadcast %add3A_225 : i32 to vector<16xi32>
      %add3A_227 = arith.addi %add3A_51, %add3A_226 : vector<16xi32>
      %shift_right_arithmetic3A_228 = vector.broadcast %while3A_13 : i32 to vector<16xi32>
      %shift_right_arithmetic3A_229 = arith.shrsi %add3A_227, %shift_right_arithmetic3A_228 : vector<16xi32>
      %and3A_230 = vector.broadcast %while3A_14 : i32 to vector<16xi32>
      %and3A_231 = arith.andi %and3A_230, %shift_right_arithmetic3A_229 : vector<16xi32>
      %add3A_232 = arith.addi %add3A_227, %and3A_231 : vector<16xi32>
      %and3A_233 = vector.broadcast %while3A_15 : i32 to vector<16xi32>
      %and3A_234 = arith.andi %add3A_232, %and3A_233 : vector<16xi32>
      %add3A_235 = arith.constant 13 : i32
      %add3A_236 = vector.broadcast %add3A_235 : i32 to vector<16xi32>
      %add3A_237 = arith.addi %mul3A_11, %add3A_236 : vector<16xi32>
      tpu.vector_store_idx %arg10[%add3A_55, %add3A_237], %and3A_234 : memref<256x128xi32, #tpu.memory_space<vmem>>[vector<16xi32>, vector<16xi32>], vector<16xi32>,
      %add3A_238 = arith.constant -307111266 : i32
      %add3A_239 = vector.broadcast %add3A_238 : i32 to vector<16xi32>
      %add3A_240 = arith.addi %add3A_51, %add3A_239 : vector<16xi32>
      %shift_right_arithmetic3A_241 = vector.broadcast %while3A_13 : i32 to vector<16xi32>
      %shift_right_arithmetic3A_242 = arith.shrsi %add3A_240, %shift_right_arithmetic3A_241 : vector<16xi32>
      %and3A_243 = vector.broadcast %while3A_14 : i32 to vector<16xi32>
      %and3A_244 = arith.andi %and3A_243, %shift_right_arithmetic3A_242 : vector<16xi32>
      %add3A_245 = arith.addi %add3A_240, %and3A_244 : vector<16xi32>
      %and3A_246 = vector.broadcast %while3A_15 : i32 to vector<16xi32>
      %and3A_247 = arith.andi %add3A_245, %and3A_246 : vector<16xi32>
      %add3A_248 = arith.constant 14 : i32
      %add3A_249 = vector.broadcast %add3A_248 : i32 to vector<16xi32>
      %add3A_250 = arith.addi %mul3A_11, %add3A_249 : vector<16xi32>
      tpu.vector_store_idx %arg10[%add3A_55, %add3A_250], %and3A_247 : memref<256x128xi32, #tpu.memory_space<vmem>>[vector<16xi32>, vector<16xi32>], vector<16xi32>,
      %add3A_251 = arith.constant -519933768 : i32
      %add3A_252 = vector.broadcast %add3A_251 : i32 to vector<16xi32>
      %add3A_253 = arith.addi %add3A_51, %add3A_252 : vector<16xi32>
      %shift_right_arithmetic3A_254 = vector.broadcast %while3A_13 : i32 to vector<16xi32>
      %shift_right_arithmetic3A_255 = arith.shrsi %add3A_253, %shift_right_arithmetic3A_254 : vector<16xi32>
      %and3A_256 = vector.broadcast %while3A_14 : i32 to vector<16xi32>
      %and3A_257 = arith.andi %and3A_256, %shift_right_arithmetic3A_255 : vector<16xi32>
      %add3A_258 = arith.addi %add3A_253, %and3A_257 : vector<16xi32>
      %and3A_259 = vector.broadcast %while3A_15 : i32 to vector<16xi32>
      %and3A_260 = arith.andi %add3A_258, %and3A_259 : vector<16xi32>
      %add3A_261 = arith.constant 15 : i32
      %add3A_262 = vector.broadcast %add3A_261 : i32 to vector<16xi32>
      %add3A_263 = arith.addi %mul3A_11, %add3A_262 : vector<16xi32>
      tpu.vector_store_idx %arg10[%add3A_55, %add3A_263], %and3A_260 : memref<256x128xi32, #tpu.memory_space<vmem>>[vector<16xi32>, vector<16xi32>], vector<16xi32>,
      %add3A_264 = arith.constant -732756270 : i32
      %add3A_265 = vector.broadcast %add3A_264 : i32 to vector<16xi32>
      %add3A_266 = arith.addi %add3A_51, %add3A_265 : vector<16xi32>
      %shift_right_arithmetic3A_267 = vector.broadcast %while3A_13 : i32 to vector<16xi32>
      %shift_right_arithmetic3A_268 = arith.shrsi %add3A_266, %shift_right_arithmetic3A_267 : vector<16xi32>
      %and3A_269 = vector.broadcast %while3A_14 : i32 to vector<16xi32>
      %and3A_270 = arith.andi %and3A_269, %shift_right_arithmetic3A_268 : vector<16xi32>
      %add3A_271 = arith.addi %add3A_266, %and3A_270 : vector<16xi32>
      %and3A_272 = vector.broadcast %while3A_15 : i32 to vector<16xi32>
      %and3A_273 = arith.andi %add3A_271, %and3A_272 : vector<16xi32>
      %add3A_274 = arith.constant 16 : i32
      %add3A_275 = vector.broadcast %add3A_274 : i32 to vector<16xi32>
      %add3A_276 = arith.addi %mul3A_11, %add3A_275 : vector<16xi32>
      tpu.vector_store_idx %arg10[%add3A_55, %add3A_276], %and3A_273 : memref<256x128xi32, #tpu.memory_space<vmem>>[vector<16xi32>, vector<16xi32>], vector<16xi32>,
      %add3A_277 = arith.constant -945578772 : i32
      %add3A_278 = vector.broadcast %add3A_277 : i32 to vector<16xi32>
      %add3A_279 = arith.addi %add3A_51, %add3A_278 : vector<16xi32>
      %shift_right_arithmetic3A_280 = vector.broadcast %while3A_13 : i32 to vector<16xi32>
      %shift_right_arithmetic3A_281 = arith.shrsi %add3A_279, %shift_right_arithmetic3A_280 : vector<16xi32>
      %and3A_282 = vector.broadcast %while3A_14 : i32 to vector<16xi32>
      %and3A_283 = arith.andi %and3A_282, %shift_right_arithmetic3A_281 : vector<16xi32>
      %add3A_284 = arith.addi %add3A_279, %and3A_283 : vector<16xi32>
      %and3A_285 = vector.broadcast %while3A_15 : i32 to vector<16xi32>
      %and3A_286 = arith.andi %add3A_284, %and3A_285 : vector<16xi32>
      %add3A_287 = arith.constant 17 : i32
      %add3A_288 = vector.broadcast %add3A_287 : i32 to vector<16xi32>
      %add3A_289 = arith.addi %mul3A_11, %add3A_288 : vector<16xi32>
      tpu.vector_store_idx %arg10[%add3A_55, %add3A_289], %and3A_286 : memref<256x128xi32, #tpu.memory_space<vmem>>[vector<16xi32>, vector<16xi32>], vector<16xi32>,
      %add3A_290 = arith.constant -1158401274 : i32
      %add3A_291 = vector.broadcast %add3A_290 : i32 to vector<16xi32>
      %add3A_292 = arith.addi %add3A_51, %add3A_291 : vector<16xi32>
      %shift_right_arithmetic3A_293 = vector.broadcast %while3A_13 : i32 to vector<16xi32>
      %shift_right_arithmetic3A_294 = arith.shrsi %add3A_292, %shift_right_arithmetic3A_293 : vector<16xi32>
      %and3A_295 = vector.broadcast %while3A_14 : i32 to vector<16xi32>
      %and3A_296 = arith.andi %and3A_295, %shift_right_arithmetic3A_294 : vector<16xi32>
      %add3A_297 = arith.addi %add3A_292, %and3A_296 : vector<16xi32>
      %and3A_298 = vector.broadcast %while3A_15 : i32 to vector<16xi32>
      %and3A_299 = arith.andi %add3A_297, %and3A_298 : vector<16xi32>
      %add3A_300 = arith.constant 18 : i32
      %add3A_301 = vector.broadcast %add3A_300 : i32 to vector<16xi32>
      %add3A_302 = arith.addi %mul3A_11, %add3A_301 : vector<16xi32>
      tpu.vector_store_idx %arg10[%add3A_55, %add3A_302], %and3A_299 : memref<256x128xi32, #tpu.memory_space<vmem>>[vector<16xi32>, vector<16xi32>], vector<16xi32>,
      %add3A_303 = arith.constant -1371223776 : i32
      %add3A_304 = vector.broadcast %add3A_303 : i32 to vector<16xi32>
      %add3A_305 = arith.addi %add3A_51, %add3A_304 : vector<16xi32>
      %shift_right_arithmetic3A_306 = vector.broadcast %while3A_13 : i32 to vector<16xi32>
      %shift_right_arithmetic3A_307 = arith.shrsi %add3A_305, %shift_right_arithmetic3A_306 : vector<16xi32>
      %and3A_308 = vector.broadcast %while3A_14 : i32 to vector<16xi32>
      %and3A_309 = arith.andi %and3A_308, %shift_right_arithmetic3A_307 : vector<16xi32>
      %add3A_310 = arith.addi %add3A_305, %and3A_309 : vector<16xi32>
      %and3A_311 = vector.broadcast %while3A_15 : i32 to vector<16xi32>
      %and3A_312 = arith.andi %add3A_310, %and3A_311 : vector<16xi32>
      %add3A_313 = arith.constant 19 : i32
      %add3A_314 = vector.broadcast %add3A_313 : i32 to vector<16xi32>
      %add3A_315 = arith.addi %mul3A_11, %add3A_314 : vector<16xi32>
      tpu.vector_store_idx %arg10[%add3A_55, %add3A_315], %and3A_312 : memref<256x128xi32, #tpu.memory_space<vmem>>[vector<16xi32>, vector<16xi32>], vector<16xi32>,
      %add3A_316 = arith.constant -1584046278 : i32
      %add3A_317 = vector.broadcast %add3A_316 : i32 to vector<16xi32>
      %add3A_318 = arith.addi %add3A_51, %add3A_317 : vector<16xi32>
      %shift_right_arithmetic3A_319 = vector.broadcast %while3A_13 : i32 to vector<16xi32>
      %shift_right_arithmetic3A_320 = arith.shrsi %add3A_318, %shift_right_arithmetic3A_319 : vector<16xi32>
      %and3A_321 = vector.broadcast %while3A_14 : i32 to vector<16xi32>
      %and3A_322 = arith.andi %and3A_321, %shift_right_arithmetic3A_320 : vector<16xi32>
      %add3A_323 = arith.addi %add3A_318, %and3A_322 : vector<16xi32>
      %and3A_324 = vector.broadcast %while3A_15 : i32 to vector<16xi32>
      %and3A_325 = arith.andi %add3A_323, %and3A_324 : vector<16xi32>
      %add3A_326 = arith.constant 20 : i32
      %add3A_327 = vector.broadcast %add3A_326 : i32 to vector<16xi32>
      %add3A_328 = arith.addi %mul3A_11, %add3A_327 : vector<16xi32>
      tpu.vector_store_idx %arg10[%add3A_55, %add3A_328], %and3A_325 : memref<256x128xi32, #tpu.memory_space<vmem>>[vector<16xi32>, vector<16xi32>], vector<16xi32>,
      %add3A_329 = arith.constant -1796868780 : i32
      %add3A_330 = vector.broadcast %add3A_329 : i32 to vector<16xi32>
      %add3A_331 = arith.addi %add3A_51, %add3A_330 : vector<16xi32>
      %shift_right_arithmetic3A_332 = vector.broadcast %while3A_13 : i32 to vector<16xi32>
      %shift_right_arithmetic3A_333 = arith.shrsi %add3A_331, %shift_right_arithmetic3A_332 : vector<16xi32>
      %and3A_334 = vector.broadcast %while3A_14 : i32 to vector<16xi32>
      %and3A_335 = arith.andi %and3A_334, %shift_right_arithmetic3A_333 : vector<16xi32>
      %add3A_336 = arith.addi %add3A_331, %and3A_335 : vector<16xi32>
      %and3A_337 = vector.broadcast %while3A_15 : i32 to vector<16xi32>
      %and3A_338 = arith.andi %add3A_336, %and3A_337 : vector<16xi32>
      %add3A_339 = arith.constant 21 : i32
      %add3A_340 = vector.broadcast %add3A_339 : i32 to vector<16xi32>
      %add3A_341 = arith.addi %mul3A_11, %add3A_340 : vector<16xi32>
      tpu.vector_store_idx %arg10[%add3A_55, %add3A_341], %and3A_338 : memref<256x128xi32, #tpu.memory_space<vmem>>[vector<16xi32>, vector<16xi32>], vector<16xi32>,
      %add3A_342 = arith.constant -2009691282 : i32
      %add3A_343 = vector.broadcast %add3A_342 : i32 to vector<16xi32>
      %add3A_344 = arith.addi %add3A_51, %add3A_343 : vector<16xi32>
      %shift_right_arithmetic3A_345 = vector.broadcast %while3A_13 : i32 to vector<16xi32>
      %shift_right_arithmetic3A_346 = arith.shrsi %add3A_344, %shift_right_arithmetic3A_345 : vector<16xi32>
      %and3A_347 = vector.broadcast %while3A_14 : i32 to vector<16xi32>
      %and3A_348 = arith.andi %and3A_347, %shift_right_arithmetic3A_346 : vector<16xi32>
      %add3A_349 = arith.addi %add3A_344, %and3A_348 : vector<16xi32>
      %and3A_350 = vector.broadcast %while3A_15 : i32 to vector<16xi32>
      %and3A_351 = arith.andi %add3A_349, %and3A_350 : vector<16xi32>
      %add3A_352 = arith.constant 22 : i32
      %add3A_353 = vector.broadcast %add3A_352 : i32 to vector<16xi32>
      %add3A_354 = arith.addi %mul3A_11, %add3A_353 : vector<16xi32>
      tpu.vector_store_idx %arg10[%add3A_55, %add3A_354], %and3A_351 : memref<256x128xi32, #tpu.memory_space<vmem>>[vector<16xi32>, vector<16xi32>], vector<16xi32>,
      %add3A_355 = arith.constant -184439041 : i32
      %add3A_356 = vector.broadcast %add3A_355 : i32 to vector<16xi32>
      %add3A_357 = arith.addi %add3A_51, %add3A_356 : vector<16xi32>
      %shift_right_arithmetic3A_358 = vector.broadcast %while3A_13 : i32 to vector<16xi32>
      %shift_right_arithmetic3A_359 = arith.shrsi %add3A_357, %shift_right_arithmetic3A_358 : vector<16xi32>
      %and3A_360 = vector.broadcast %while3A_14 : i32 to vector<16xi32>
      %and3A_361 = arith.andi %and3A_360, %shift_right_arithmetic3A_359 : vector<16xi32>
      %add3A_362 = arith.addi %add3A_357, %and3A_361 : vector<16xi32>
      %and3A_363 = vector.broadcast %while3A_15 : i32 to vector<16xi32>
      %and3A_364 = arith.andi %add3A_362, %and3A_363 : vector<16xi32>
      %add3A_365 = arith.constant 23 : i32
      %add3A_366 = vector.broadcast %add3A_365 : i32 to vector<16xi32>
      %add3A_367 = arith.addi %mul3A_11, %add3A_366 : vector<16xi32>
      tpu.vector_store_idx %arg10[%add3A_55, %add3A_367], %and3A_364 : memref<256x128xi32, #tpu.memory_space<vmem>>[vector<16xi32>, vector<16xi32>], vector<16xi32>,
      %add3A_368 = arith.constant -397261543 : i32
      %add3A_369 = vector.broadcast %add3A_368 : i32 to vector<16xi32>
      %add3A_370 = arith.addi %add3A_51, %add3A_369 : vector<16xi32>
      %shift_right_arithmetic3A_371 = vector.broadcast %while3A_13 : i32 to vector<16xi32>
      %shift_right_arithmetic3A_372 = arith.shrsi %add3A_370, %shift_right_arithmetic3A_371 : vector<16xi32>
      %and3A_373 = vector.broadcast %while3A_14 : i32 to vector<16xi32>
      %and3A_374 = arith.andi %and3A_373, %shift_right_arithmetic3A_372 : vector<16xi32>
      %add3A_375 = arith.addi %add3A_370, %and3A_374 : vector<16xi32>
      %and3A_376 = vector.broadcast %while3A_15 : i32 to vector<16xi32>
      %and3A_377 = arith.andi %add3A_375, %and3A_376 : vector<16xi32>
      %add3A_378 = arith.constant 24 : i32
      %add3A_379 = vector.broadcast %add3A_378 : i32 to vector<16xi32>
      %add3A_380 = arith.addi %mul3A_11, %add3A_379 : vector<16xi32>
      tpu.vector_store_idx %arg10[%add3A_55, %add3A_380], %and3A_377 : memref<256x128xi32, #tpu.memory_space<vmem>>[vector<16xi32>, vector<16xi32>], vector<16xi32>,
      %add3A_381 = arith.constant -610084045 : i32
      %add3A_382 = vector.broadcast %add3A_381 : i32 to vector<16xi32>
      %add3A_383 = arith.addi %add3A_51, %add3A_382 : vector<16xi32>
      %shift_right_arithmetic3A_384 = vector.broadcast %while3A_13 : i32 to vector<16xi32>
      %shift_right_arithmetic3A_385 = arith.shrsi %add3A_383, %shift_right_arithmetic3A_384 : vector<16xi32>
      %and3A_386 = vector.broadcast %while3A_14 : i32 to vector<16xi32>
      %and3A_387 = arith.andi %and3A_386, %shift_right_arithmetic3A_385 : vector<16xi32>
      %add3A_388 = arith.addi %add3A_383, %and3A_387 : vector<16xi32>
      %and3A_389 = vector.broadcast %while3A_15 : i32 to vector<16xi32>
      %and3A_390 = arith.andi %add3A_388, %and3A_389 : vector<16xi32>
      %add3A_391 = arith.constant 25 : i32
      %add3A_392 = vector.broadcast %add3A_391 : i32 to vector<16xi32>
      %add3A_393 = arith.addi %mul3A_11, %add3A_392 : vector<16xi32>
      tpu.vector_store_idx %arg10[%add3A_55, %add3A_393], %and3A_390 : memref<256x128xi32, #tpu.memory_space<vmem>>[vector<16xi32>, vector<16xi32>], vector<16xi32>,
      %add3A_394 = arith.constant -822906547 : i32
      %add3A_395 = vector.broadcast %add3A_394 : i32 to vector<16xi32>
      %add3A_396 = arith.addi %add3A_51, %add3A_395 : vector<16xi32>
      %shift_right_arithmetic3A_397 = vector.broadcast %while3A_13 : i32 to vector<16xi32>
      %shift_right_arithmetic3A_398 = arith.shrsi %add3A_396, %shift_right_arithmetic3A_397 : vector<16xi32>
      %and3A_399 = vector.broadcast %while3A_14 : i32 to vector<16xi32>
      %and3A_400 = arith.andi %and3A_399, %shift_right_arithmetic3A_398 : vector<16xi32>
      %add3A_401 = arith.addi %add3A_396, %and3A_400 : vector<16xi32>
      %and3A_402 = vector.broadcast %while3A_15 : i32 to vector<16xi32>
      %and3A_403 = arith.andi %add3A_401, %and3A_402 : vector<16xi32>
      %add3A_404 = arith.constant 26 : i32
      %add3A_405 = vector.broadcast %add3A_404 : i32 to vector<16xi32>
      %add3A_406 = arith.addi %mul3A_11, %add3A_405 : vector<16xi32>
      tpu.vector_store_idx %arg10[%add3A_55, %add3A_406], %and3A_403 : memref<256x128xi32, #tpu.memory_space<vmem>>[vector<16xi32>, vector<16xi32>], vector<16xi32>,
      %add3A_407 = arith.constant -1035729049 : i32
      %add3A_408 = vector.broadcast %add3A_407 : i32 to vector<16xi32>
      %add3A_409 = arith.addi %add3A_51, %add3A_408 : vector<16xi32>
      %shift_right_arithmetic3A_410 = vector.broadcast %while3A_13 : i32 to vector<16xi32>
      %shift_right_arithmetic3A_411 = arith.shrsi %add3A_409, %shift_right_arithmetic3A_410 : vector<16xi32>
      %and3A_412 = vector.broadcast %while3A_14 : i32 to vector<16xi32>
      %and3A_413 = arith.andi %and3A_412, %shift_right_arithmetic3A_411 : vector<16xi32>
      %add3A_414 = arith.addi %add3A_409, %and3A_413 : vector<16xi32>
      %and3A_415 = vector.broadcast %while3A_15 : i32 to vector<16xi32>
      %and3A_416 = arith.andi %add3A_414, %and3A_415 : vector<16xi32>
      %add3A_417 = arith.constant 27 : i32
      %add3A_418 = vector.broadcast %add3A_417 : i32 to vector<16xi32>
      %add3A_419 = arith.addi %mul3A_11, %add3A_418 : vector<16xi32>
      tpu.vector_store_idx %arg10[%add3A_55, %add3A_419], %and3A_416 : memref<256x128xi32, #tpu.memory_space<vmem>>[vector<16xi32>, vector<16xi32>], vector<16xi32>,
      %add3A_420 = arith.constant -1248551551 : i32
      %add3A_421 = vector.broadcast %add3A_420 : i32 to vector<16xi32>
      %add3A_422 = arith.addi %add3A_51, %add3A_421 : vector<16xi32>
      %shift_right_arithmetic3A_423 = vector.broadcast %while3A_13 : i32 to vector<16xi32>
      %shift_right_arithmetic3A_424 = arith.shrsi %add3A_422, %shift_right_arithmetic3A_423 : vector<16xi32>
      %and3A_425 = vector.broadcast %while3A_14 : i32 to vector<16xi32>
      %and3A_426 = arith.andi %and3A_425, %shift_right_arithmetic3A_424 : vector<16xi32>
      %add3A_427 = arith.addi %add3A_422, %and3A_426 : vector<16xi32>
      %and3A_428 = vector.broadcast %while3A_15 : i32 to vector<16xi32>
      %and3A_429 = arith.andi %add3A_427, %and3A_428 : vector<16xi32>
      %add3A_430 = arith.constant 28 : i32
      %add3A_431 = vector.broadcast %add3A_430 : i32 to vector<16xi32>
      %add3A_432 = arith.addi %mul3A_11, %add3A_431 : vector<16xi32>
      tpu.vector_store_idx %arg10[%add3A_55, %add3A_432], %and3A_429 : memref<256x128xi32, #tpu.memory_space<vmem>>[vector<16xi32>, vector<16xi32>], vector<16xi32>,
      %add3A_433 = arith.constant -1461374053 : i32
      %add3A_434 = vector.broadcast %add3A_433 : i32 to vector<16xi32>
      %add3A_435 = arith.addi %add3A_51, %add3A_434 : vector<16xi32>
      %shift_right_arithmetic3A_436 = vector.broadcast %while3A_13 : i32 to vector<16xi32>
      %shift_right_arithmetic3A_437 = arith.shrsi %add3A_435, %shift_right_arithmetic3A_436 : vector<16xi32>
      %and3A_438 = vector.broadcast %while3A_14 : i32 to vector<16xi32>
      %and3A_439 = arith.andi %and3A_438, %shift_right_arithmetic3A_437 : vector<16xi32>
      %add3A_440 = arith.addi %add3A_435, %and3A_439 : vector<16xi32>
      %and3A_441 = vector.broadcast %while3A_15 : i32 to vector<16xi32>
      %and3A_442 = arith.andi %add3A_440, %and3A_441 : vector<16xi32>
      %add3A_443 = arith.constant 29 : i32
      %add3A_444 = vector.broadcast %add3A_443 : i32 to vector<16xi32>
      %add3A_445 = arith.addi %mul3A_11, %add3A_444 : vector<16xi32>
      tpu.vector_store_idx %arg10[%add3A_55, %add3A_445], %and3A_442 : memref<256x128xi32, #tpu.memory_space<vmem>>[vector<16xi32>, vector<16xi32>], vector<16xi32>,
      %add3A_446 = arith.constant -1674196555 : i32
      %add3A_447 = vector.broadcast %add3A_446 : i32 to vector<16xi32>
      %add3A_448 = arith.addi %add3A_51, %add3A_447 : vector<16xi32>
      %shift_right_arithmetic3A_449 = vector.broadcast %while3A_13 : i32 to vector<16xi32>
      %shift_right_arithmetic3A_450 = arith.shrsi %add3A_448, %shift_right_arithmetic3A_449 : vector<16xi32>
      %and3A_451 = vector.broadcast %while3A_14 : i32 to vector<16xi32>
      %and3A_452 = arith.andi %and3A_451, %shift_right_arithmetic3A_450 : vector<16xi32>
      %add3A_453 = arith.addi %add3A_448, %and3A_452 : vector<16xi32>
      %and3A_454 = vector.broadcast %while3A_15 : i32 to vector<16xi32>
      %and3A_455 = arith.andi %add3A_453, %and3A_454 : vector<16xi32>
      %add3A_456 = arith.constant 30 : i32
      %add3A_457 = vector.broadcast %add3A_456 : i32 to vector<16xi32>
      %add3A_458 = arith.addi %mul3A_11, %add3A_457 : vector<16xi32>
      tpu.vector_store_idx %arg10[%add3A_55, %add3A_458], %and3A_455 : memref<256x128xi32, #tpu.memory_space<vmem>>[vector<16xi32>, vector<16xi32>], vector<16xi32>,
      %add3A_459 = arith.constant -1887019057 : i32
      %add3A_460 = vector.broadcast %add3A_459 : i32 to vector<16xi32>
      %add3A_461 = arith.addi %add3A_51, %add3A_460 : vector<16xi32>
      %shift_right_arithmetic3A_462 = vector.broadcast %while3A_13 : i32 to vector<16xi32>
      %shift_right_arithmetic3A_463 = arith.shrsi %add3A_461, %shift_right_arithmetic3A_462 : vector<16xi32>
      %and3A_464 = vector.broadcast %while3A_14 : i32 to vector<16xi32>
      %and3A_465 = arith.andi %and3A_464, %shift_right_arithmetic3A_463 : vector<16xi32>
      %add3A_466 = arith.addi %add3A_461, %and3A_465 : vector<16xi32>
      %and3A_467 = vector.broadcast %while3A_15 : i32 to vector<16xi32>
      %and3A_468 = arith.andi %add3A_466, %and3A_467 : vector<16xi32>
      %add3A_469 = arith.constant 31 : i32
      %add3A_470 = vector.broadcast %add3A_469 : i32 to vector<16xi32>
      %add3A_471 = arith.addi %mul3A_11, %add3A_470 : vector<16xi32>
      tpu.vector_store_idx %arg10[%add3A_55, %add3A_471], %and3A_468 : memref<256x128xi32, #tpu.memory_space<vmem>>[vector<16xi32>, vector<16xi32>], vector<16xi32>,
      %add3A_472 = arith.constant -61766816 : i32
      %add3A_473 = vector.broadcast %add3A_472 : i32 to vector<16xi32>
      %add3A_474 = arith.addi %add3A_51, %add3A_473 : vector<16xi32>
      %shift_right_arithmetic3A_475 = vector.broadcast %while3A_13 : i32 to vector<16xi32>
      %shift_right_arithmetic3A_476 = arith.shrsi %add3A_474, %shift_right_arithmetic3A_475 : vector<16xi32>
      %and3A_477 = vector.broadcast %while3A_14 : i32 to vector<16xi32>
      %and3A_478 = arith.andi %and3A_477, %shift_right_arithmetic3A_476 : vector<16xi32>
      %add3A_479 = arith.addi %add3A_474, %and3A_478 : vector<16xi32>
      %and3A_480 = vector.broadcast %while3A_15 : i32 to vector<16xi32>
      %and3A_481 = arith.andi %add3A_479, %and3A_480 : vector<16xi32>
      %add3A_482 = arith.constant 32 : i32
      %add3A_483 = vector.broadcast %add3A_482 : i32 to vector<16xi32>
      %add3A_484 = arith.addi %mul3A_11, %add3A_483 : vector<16xi32>
      tpu.vector_store_idx %arg10[%add3A_55, %add3A_484], %and3A_481 : memref<256x128xi32, #tpu.memory_space<vmem>>[vector<16xi32>, vector<16xi32>], vector<16xi32>,
      %add3A_485 = arith.constant -274589318 : i32
      %add3A_486 = vector.broadcast %add3A_485 : i32 to vector<16xi32>
      %add3A_487 = arith.addi %add3A_51, %add3A_486 : vector<16xi32>
      %shift_right_arithmetic3A_488 = vector.broadcast %while3A_13 : i32 to vector<16xi32>
      %shift_right_arithmetic3A_489 = arith.shrsi %add3A_487, %shift_right_arithmetic3A_488 : vector<16xi32>
      %and3A_490 = vector.broadcast %while3A_14 : i32 to vector<16xi32>
      %and3A_491 = arith.andi %and3A_490, %shift_right_arithmetic3A_489 : vector<16xi32>
      %add3A_492 = arith.addi %add3A_487, %and3A_491 : vector<16xi32>
      %and3A_493 = vector.broadcast %while3A_15 : i32 to vector<16xi32>
      %and3A_494 = arith.andi %add3A_492, %and3A_493 : vector<16xi32>
      %add3A_495 = arith.constant 33 : i32
      %add3A_496 = vector.broadcast %add3A_495 : i32 to vector<16xi32>
      %add3A_497 = arith.addi %mul3A_11, %add3A_496 : vector<16xi32>
      tpu.vector_store_idx %arg10[%add3A_55, %add3A_497], %and3A_494 : memref<256x128xi32, #tpu.memory_space<vmem>>[vector<16xi32>, vector<16xi32>], vector<16xi32>,
      %add3A_498 = arith.constant -487411820 : i32
      %add3A_499 = vector.broadcast %add3A_498 : i32 to vector<16xi32>
      %add3A_500 = arith.addi %add3A_51, %add3A_499 : vector<16xi32>
      %shift_right_arithmetic3A_501 = vector.broadcast %while3A_13 : i32 to vector<16xi32>
      %shift_right_arithmetic3A_502 = arith.shrsi %add3A_500, %shift_right_arithmetic3A_501 : vector<16xi32>
      %and3A_503 = vector.broadcast %while3A_14 : i32 to vector<16xi32>
      %and3A_504 = arith.andi %and3A_503, %shift_right_arithmetic3A_502 : vector<16xi32>
      %add3A_505 = arith.addi %add3A_500, %and3A_504 : vector<16xi32>
      %and3A_506 = vector.broadcast %while3A_15 : i32 to vector<16xi32>
      %and3A_507 = arith.andi %add3A_505, %and3A_506 : vector<16xi32>
      %add3A_508 = arith.constant 34 : i32
      %add3A_509 = vector.broadcast %add3A_508 : i32 to vector<16xi32>
      %add3A_510 = arith.addi %mul3A_11, %add3A_509 : vector<16xi32>
      tpu.vector_store_idx %arg10[%add3A_55, %add3A_510], %and3A_507 : memref<256x128xi32, #tpu.memory_space<vmem>>[vector<16xi32>, vector<16xi32>], vector<16xi32>,
      %add3A_511 = arith.constant -700234322 : i32
      %add3A_512 = vector.broadcast %add3A_511 : i32 to vector<16xi32>
      %add3A_513 = arith.addi %add3A_51, %add3A_512 : vector<16xi32>
      %shift_right_arithmetic3A_514 = vector.broadcast %while3A_13 : i32 to vector<16xi32>
      %shift_right_arithmetic3A_515 = arith.shrsi %add3A_513, %shift_right_arithmetic3A_514 : vector<16xi32>
      %and3A_516 = vector.broadcast %while3A_14 : i32 to vector<16xi32>
      %and3A_517 = arith.andi %and3A_516, %shift_right_arithmetic3A_515 : vector<16xi32>
      %add3A_518 = arith.addi %add3A_513, %and3A_517 : vector<16xi32>
      %and3A_519 = vector.broadcast %while3A_15 : i32 to vector<16xi32>
      %and3A_520 = arith.andi %add3A_518, %and3A_519 : vector<16xi32>
      %add3A_521 = arith.constant 35 : i32
      %add3A_522 = vector.broadcast %add3A_521 : i32 to vector<16xi32>
      %add3A_523 = arith.addi %mul3A_11, %add3A_522 : vector<16xi32>
      tpu.vector_store_idx %arg10[%add3A_55, %add3A_523], %and3A_520 : memref<256x128xi32, #tpu.memory_space<vmem>>[vector<16xi32>, vector<16xi32>], vector<16xi32>,
      %add3A_524 = arith.constant -913056824 : i32
      %add3A_525 = vector.broadcast %add3A_524 : i32 to vector<16xi32>
      %add3A_526 = arith.addi %add3A_51, %add3A_525 : vector<16xi32>
      %shift_right_arithmetic3A_527 = vector.broadcast %while3A_13 : i32 to vector<16xi32>
      %shift_right_arithmetic3A_528 = arith.shrsi %add3A_526, %shift_right_arithmetic3A_527 : vector<16xi32>
      %and3A_529 = vector.broadcast %while3A_14 : i32 to vector<16xi32>
      %and3A_530 = arith.andi %and3A_529, %shift_right_arithmetic3A_528 : vector<16xi32>
      %add3A_531 = arith.addi %add3A_526, %and3A_530 : vector<16xi32>
      %and3A_532 = vector.broadcast %while3A_15 : i32 to vector<16xi32>
      %and3A_533 = arith.andi %add3A_531, %and3A_532 : vector<16xi32>
      %add3A_534 = arith.constant 36 : i32
      %add3A_535 = vector.broadcast %add3A_534 : i32 to vector<16xi32>
      %add3A_536 = arith.addi %mul3A_11, %add3A_535 : vector<16xi32>
      tpu.vector_store_idx %arg10[%add3A_55, %add3A_536], %and3A_533 : memref<256x128xi32, #tpu.memory_space<vmem>>[vector<16xi32>, vector<16xi32>], vector<16xi32>,
      %add3A_537 = arith.constant -1125879326 : i32
      %add3A_538 = vector.broadcast %add3A_537 : i32 to vector<16xi32>
      %add3A_539 = arith.addi %add3A_51, %add3A_538 : vector<16xi32>
      %shift_right_arithmetic3A_540 = vector.broadcast %while3A_13 : i32 to vector<16xi32>
      %shift_right_arithmetic3A_541 = arith.shrsi %add3A_539, %shift_right_arithmetic3A_540 : vector<16xi32>
      %and3A_542 = vector.broadcast %while3A_14 : i32 to vector<16xi32>
      %and3A_543 = arith.andi %and3A_542, %shift_right_arithmetic3A_541 : vector<16xi32>
      %add3A_544 = arith.addi %add3A_539, %and3A_543 : vector<16xi32>
      %and3A_545 = vector.broadcast %while3A_15 : i32 to vector<16xi32>
      %and3A_546 = arith.andi %add3A_544, %and3A_545 : vector<16xi32>
      %add3A_547 = arith.constant 37 : i32
      %add3A_548 = vector.broadcast %add3A_547 : i32 to vector<16xi32>
      %add3A_549 = arith.addi %mul3A_11, %add3A_548 : vector<16xi32>
      tpu.vector_store_idx %arg10[%add3A_55, %add3A_549], %and3A_546 : memref<256x128xi32, #tpu.memory_space<vmem>>[vector<16xi32>, vector<16xi32>], vector<16xi32>,
      %add3A_550 = arith.constant -1338701828 : i32
      %add3A_551 = vector.broadcast %add3A_550 : i32 to vector<16xi32>
      %add3A_552 = arith.addi %add3A_51, %add3A_551 : vector<16xi32>
      %shift_right_arithmetic3A_553 = vector.broadcast %while3A_13 : i32 to vector<16xi32>
      %shift_right_arithmetic3A_554 = arith.shrsi %add3A_552, %shift_right_arithmetic3A_553 : vector<16xi32>
      %and3A_555 = vector.broadcast %while3A_14 : i32 to vector<16xi32>
      %and3A_556 = arith.andi %and3A_555, %shift_right_arithmetic3A_554 : vector<16xi32>
      %add3A_557 = arith.addi %add3A_552, %and3A_556 : vector<16xi32>
      %and3A_558 = vector.broadcast %while3A_15 : i32 to vector<16xi32>
      %and3A_559 = arith.andi %add3A_557, %and3A_558 : vector<16xi32>
      %add3A_560 = arith.constant 38 : i32
      %add3A_561 = vector.broadcast %add3A_560 : i32 to vector<16xi32>
      %add3A_562 = arith.addi %mul3A_11, %add3A_561 : vector<16xi32>
      tpu.vector_store_idx %arg10[%add3A_55, %add3A_562], %and3A_559 : memref<256x128xi32, #tpu.memory_space<vmem>>[vector<16xi32>, vector<16xi32>], vector<16xi32>,
      %add3A_563 = arith.constant -1551524330 : i32
      %add3A_564 = vector.broadcast %add3A_563 : i32 to vector<16xi32>
      %add3A_565 = arith.addi %add3A_51, %add3A_564 : vector<16xi32>
      %shift_right_arithmetic3A_566 = vector.broadcast %while3A_13 : i32 to vector<16xi32>
      %shift_right_arithmetic3A_567 = arith.shrsi %add3A_565, %shift_right_arithmetic3A_566 : vector<16xi32>
      %and3A_568 = vector.broadcast %while3A_14 : i32 to vector<16xi32>
      %and3A_569 = arith.andi %and3A_568, %shift_right_arithmetic3A_567 : vector<16xi32>
      %add3A_570 = arith.addi %add3A_565, %and3A_569 : vector<16xi32>
      %and3A_571 = vector.broadcast %while3A_15 : i32 to vector<16xi32>
      %and3A_572 = arith.andi %add3A_570, %and3A_571 : vector<16xi32>
      %add3A_573 = arith.constant 39 : i32
      %add3A_574 = vector.broadcast %add3A_573 : i32 to vector<16xi32>
      %add3A_575 = arith.addi %mul3A_11, %add3A_574 : vector<16xi32>
      tpu.vector_store_idx %arg10[%add3A_55, %add3A_575], %and3A_572 : memref<256x128xi32, #tpu.memory_space<vmem>>[vector<16xi32>, vector<16xi32>], vector<16xi32>,
      %add3A_576 = arith.constant -1764346832 : i32
      %add3A_577 = vector.broadcast %add3A_576 : i32 to vector<16xi32>
      %add3A_578 = arith.addi %add3A_51, %add3A_577 : vector<16xi32>
      %shift_right_arithmetic3A_579 = vector.broadcast %while3A_13 : i32 to vector<16xi32>
      %shift_right_arithmetic3A_580 = arith.shrsi %add3A_578, %shift_right_arithmetic3A_579 : vector<16xi32>
      %and3A_581 = vector.broadcast %while3A_14 : i32 to vector<16xi32>
      %and3A_582 = arith.andi %and3A_581, %shift_right_arithmetic3A_580 : vector<16xi32>
      %add3A_583 = arith.addi %add3A_578, %and3A_582 : vector<16xi32>
      %and3A_584 = vector.broadcast %while3A_15 : i32 to vector<16xi32>
      %and3A_585 = arith.andi %add3A_583, %and3A_584 : vector<16xi32>
      %add3A_586 = arith.constant 40 : i32
      %add3A_587 = vector.broadcast %add3A_586 : i32 to vector<16xi32>
      %add3A_588 = arith.addi %mul3A_11, %add3A_587 : vector<16xi32>
      tpu.vector_store_idx %arg10[%add3A_55, %add3A_588], %and3A_585 : memref<256x128xi32, #tpu.memory_space<vmem>>[vector<16xi32>, vector<16xi32>], vector<16xi32>,
      %add3A_589 = arith.constant -1977169334 : i32
      %add3A_590 = vector.broadcast %add3A_589 : i32 to vector<16xi32>
      %add3A_591 = arith.addi %add3A_51, %add3A_590 : vector<16xi32>
      %shift_right_arithmetic3A_592 = vector.broadcast %while3A_13 : i32 to vector<16xi32>
      %shift_right_arithmetic3A_593 = arith.shrsi %add3A_591, %shift_right_arithmetic3A_592 : vector<16xi32>
      %and3A_594 = vector.broadcast %while3A_14 : i32 to vector<16xi32>
      %and3A_595 = arith.andi %and3A_594, %shift_right_arithmetic3A_593 : vector<16xi32>
      %add3A_596 = arith.addi %add3A_591, %and3A_595 : vector<16xi32>
      %and3A_597 = vector.broadcast %while3A_15 : i32 to vector<16xi32>
      %and3A_598 = arith.andi %add3A_596, %and3A_597 : vector<16xi32>
      %add3A_599 = arith.constant 41 : i32
      %add3A_600 = vector.broadcast %add3A_599 : i32 to vector<16xi32>
      %add3A_601 = arith.addi %mul3A_11, %add3A_600 : vector<16xi32>
      tpu.vector_store_idx %arg10[%add3A_55, %add3A_601], %and3A_598 : memref<256x128xi32, #tpu.memory_space<vmem>>[vector<16xi32>, vector<16xi32>], vector<16xi32>,
      %add3A_602 = arith.constant -151917093 : i32
      %add3A_603 = vector.broadcast %add3A_602 : i32 to vector<16xi32>
      %add3A_604 = arith.addi %add3A_51, %add3A_603 : vector<16xi32>
      %shift_right_arithmetic3A_605 = vector.broadcast %while3A_13 : i32 to vector<16xi32>
      %shift_right_arithmetic3A_606 = arith.shrsi %add3A_604, %shift_right_arithmetic3A_605 : vector<16xi32>
      %and3A_607 = vector.broadcast %while3A_14 : i32 to vector<16xi32>
      %and3A_608 = arith.andi %and3A_607, %shift_right_arithmetic3A_606 : vector<16xi32>
      %add3A_609 = arith.addi %add3A_604, %and3A_608 : vector<16xi32>
      %and3A_610 = vector.broadcast %while3A_15 : i32 to vector<16xi32>
      %and3A_611 = arith.andi %add3A_609, %and3A_610 : vector<16xi32>
      %add3A_612 = arith.constant 42 : i32
      %add3A_613 = vector.broadcast %add3A_612 : i32 to vector<16xi32>
      %add3A_614 = arith.addi %mul3A_11, %add3A_613 : vector<16xi32>
      tpu.vector_store_idx %arg10[%add3A_55, %add3A_614], %and3A_611 : memref<256x128xi32, #tpu.memory_space<vmem>>[vector<16xi32>, vector<16xi32>], vector<16xi32>,
      %add3A_615 = arith.constant -364739595 : i32
      %add3A_616 = vector.broadcast %add3A_615 : i32 to vector<16xi32>
      %add3A_617 = arith.addi %add3A_51, %add3A_616 : vector<16xi32>
      %shift_right_arithmetic3A_618 = vector.broadcast %while3A_13 : i32 to vector<16xi32>
      %shift_right_arithmetic3A_619 = arith.shrsi %add3A_617, %shift_right_arithmetic3A_618 : vector<16xi32>
      %and3A_620 = vector.broadcast %while3A_14 : i32 to vector<16xi32>
      %and3A_621 = arith.andi %and3A_620, %shift_right_arithmetic3A_619 : vector<16xi32>
      %add3A_622 = arith.addi %add3A_617, %and3A_621 : vector<16xi32>
      %and3A_623 = vector.broadcast %while3A_15 : i32 to vector<16xi32>
      %and3A_624 = arith.andi %add3A_622, %and3A_623 : vector<16xi32>
      %add3A_625 = arith.constant 43 : i32
      %add3A_626 = vector.broadcast %add3A_625 : i32 to vector<16xi32>
      %add3A_627 = arith.addi %mul3A_11, %add3A_626 : vector<16xi32>
      tpu.vector_store_idx %arg10[%add3A_55, %add3A_627], %and3A_624 : memref<256x128xi32, #tpu.memory_space<vmem>>[vector<16xi32>, vector<16xi32>], vector<16xi32>,
      %add3A_628 = arith.constant -577562097 : i32
      %add3A_629 = vector.broadcast %add3A_628 : i32 to vector<16xi32>
      %add3A_630 = arith.addi %add3A_51, %add3A_629 : vector<16xi32>
      %shift_right_arithmetic3A_631 = vector.broadcast %while3A_13 : i32 to vector<16xi32>
      %shift_right_arithmetic3A_632 = arith.shrsi %add3A_630, %shift_right_arithmetic3A_631 : vector<16xi32>
      %and3A_633 = vector.broadcast %while3A_14 : i32 to vector<16xi32>
      %and3A_634 = arith.andi %and3A_633, %shift_right_arithmetic3A_632 : vector<16xi32>
      %add3A_635 = arith.addi %add3A_630, %and3A_634 : vector<16xi32>
      %and3A_636 = vector.broadcast %while3A_15 : i32 to vector<16xi32>
      %and3A_637 = arith.andi %add3A_635, %and3A_636 : vector<16xi32>
      %add3A_638 = arith.constant 44 : i32
      %add3A_639 = vector.broadcast %add3A_638 : i32 to vector<16xi32>
      %add3A_640 = arith.addi %mul3A_11, %add3A_639 : vector<16xi32>
      tpu.vector_store_idx %arg10[%add3A_55, %add3A_640], %and3A_637 : memref<256x128xi32, #tpu.memory_space<vmem>>[vector<16xi32>, vector<16xi32>], vector<16xi32>,
      %add3A_641 = arith.constant -790384599 : i32
      %add3A_642 = vector.broadcast %add3A_641 : i32 to vector<16xi32>
      %add3A_643 = arith.addi %add3A_51, %add3A_642 : vector<16xi32>
      %shift_right_arithmetic3A_644 = vector.broadcast %while3A_13 : i32 to vector<16xi32>
      %shift_right_arithmetic3A_645 = arith.shrsi %add3A_643, %shift_right_arithmetic3A_644 : vector<16xi32>
      %and3A_646 = vector.broadcast %while3A_14 : i32 to vector<16xi32>
      %and3A_647 = arith.andi %and3A_646, %shift_right_arithmetic3A_645 : vector<16xi32>
      %add3A_648 = arith.addi %add3A_643, %and3A_647 : vector<16xi32>
      %and3A_649 = vector.broadcast %while3A_15 : i32 to vector<16xi32>
      %and3A_650 = arith.andi %add3A_648, %and3A_649 : vector<16xi32>
      %add3A_651 = arith.constant 45 : i32
      %add3A_652 = vector.broadcast %add3A_651 : i32 to vector<16xi32>
      %add3A_653 = arith.addi %mul3A_11, %add3A_652 : vector<16xi32>
      tpu.vector_store_idx %arg10[%add3A_55, %add3A_653], %and3A_650 : memref<256x128xi32, #tpu.memory_space<vmem>>[vector<16xi32>, vector<16xi32>], vector<16xi32>,
      %add3A_654 = arith.constant -1003207101 : i32
      %add3A_655 = vector.broadcast %add3A_654 : i32 to vector<16xi32>
      %add3A_656 = arith.addi %add3A_51, %add3A_655 : vector<16xi32>
      %shift_right_arithmetic3A_657 = vector.broadcast %while3A_13 : i32 to vector<16xi32>
      %shift_right_arithmetic3A_658 = arith.shrsi %add3A_656, %shift_right_arithmetic3A_657 : vector<16xi32>
      %and3A_659 = vector.broadcast %while3A_14 : i32 to vector<16xi32>
      %and3A_660 = arith.andi %and3A_659, %shift_right_arithmetic3A_658 : vector<16xi32>
      %add3A_661 = arith.addi %add3A_656, %and3A_660 : vector<16xi32>
      %and3A_662 = vector.broadcast %while3A_15 : i32 to vector<16xi32>
      %and3A_663 = arith.andi %add3A_661, %and3A_662 : vector<16xi32>
      %add3A_664 = arith.constant 46 : i32
      %add3A_665 = vector.broadcast %add3A_664 : i32 to vector<16xi32>
      %add3A_666 = arith.addi %mul3A_11, %add3A_665 : vector<16xi32>
      tpu.vector_store_idx %arg10[%add3A_55, %add3A_666], %and3A_663 : memref<256x128xi32, #tpu.memory_space<vmem>>[vector<16xi32>, vector<16xi32>], vector<16xi32>,
      %add3A_667 = arith.constant -1216029603 : i32
      %add3A_668 = vector.broadcast %add3A_667 : i32 to vector<16xi32>
      %add3A_669 = arith.addi %add3A_51, %add3A_668 : vector<16xi32>
      %shift_right_arithmetic3A_670 = vector.broadcast %while3A_13 : i32 to vector<16xi32>
      %shift_right_arithmetic3A_671 = arith.shrsi %add3A_669, %shift_right_arithmetic3A_670 : vector<16xi32>
      %and3A_672 = vector.broadcast %while3A_14 : i32 to vector<16xi32>
      %and3A_673 = arith.andi %and3A_672, %shift_right_arithmetic3A_671 : vector<16xi32>
      %add3A_674 = arith.addi %add3A_669, %and3A_673 : vector<16xi32>
      %and3A_675 = vector.broadcast %while3A_15 : i32 to vector<16xi32>
      %and3A_676 = arith.andi %add3A_674, %and3A_675 : vector<16xi32>
      %add3A_677 = arith.constant 47 : i32
      %add3A_678 = vector.broadcast %add3A_677 : i32 to vector<16xi32>
      %add3A_679 = arith.addi %mul3A_11, %add3A_678 : vector<16xi32>
      tpu.vector_store_idx %arg10[%add3A_55, %add3A_679], %and3A_676 : memref<256x128xi32, #tpu.memory_space<vmem>>[vector<16xi32>, vector<16xi32>], vector<16xi32>,
      %add3A_680 = arith.constant -1428852105 : i32
      %add3A_681 = vector.broadcast %add3A_680 : i32 to vector<16xi32>
      %add3A_682 = arith.addi %add3A_51, %add3A_681 : vector<16xi32>
      %shift_right_arithmetic3A_683 = vector.broadcast %while3A_13 : i32 to vector<16xi32>
      %shift_right_arithmetic3A_684 = arith.shrsi %add3A_682, %shift_right_arithmetic3A_683 : vector<16xi32>
      %and3A_685 = vector.broadcast %while3A_14 : i32 to vector<16xi32>
      %and3A_686 = arith.andi %and3A_685, %shift_right_arithmetic3A_684 : vector<16xi32>
      %add3A_687 = arith.addi %add3A_682, %and3A_686 : vector<16xi32>
      %and3A_688 = vector.broadcast %while3A_15 : i32 to vector<16xi32>
      %and3A_689 = arith.andi %add3A_687, %and3A_688 : vector<16xi32>
      %add3A_690 = arith.constant 48 : i32
      %add3A_691 = vector.broadcast %add3A_690 : i32 to vector<16xi32>
      %add3A_692 = arith.addi %mul3A_11, %add3A_691 : vector<16xi32>
      tpu.vector_store_idx %arg10[%add3A_55, %add3A_692], %and3A_689 : memref<256x128xi32, #tpu.memory_space<vmem>>[vector<16xi32>, vector<16xi32>], vector<16xi32>,
      %add3A_693 = arith.constant -1641674607 : i32
      %add3A_694 = vector.broadcast %add3A_693 : i32 to vector<16xi32>
      %add3A_695 = arith.addi %add3A_51, %add3A_694 : vector<16xi32>
      %shift_right_arithmetic3A_696 = vector.broadcast %while3A_13 : i32 to vector<16xi32>
      %shift_right_arithmetic3A_697 = arith.shrsi %add3A_695, %shift_right_arithmetic3A_696 : vector<16xi32>
      %and3A_698 = vector.broadcast %while3A_14 : i32 to vector<16xi32>
      %and3A_699 = arith.andi %and3A_698, %shift_right_arithmetic3A_697 : vector<16xi32>
      %add3A_700 = arith.addi %add3A_695, %and3A_699 : vector<16xi32>
      %and3A_701 = vector.broadcast %while3A_15 : i32 to vector<16xi32>
      %and3A_702 = arith.andi %add3A_700, %and3A_701 : vector<16xi32>
      %add3A_703 = arith.constant 49 : i32
      %add3A_704 = vector.broadcast %add3A_703 : i32 to vector<16xi32>
      %add3A_705 = arith.addi %mul3A_11, %add3A_704 : vector<16xi32>
      tpu.vector_store_idx %arg10[%add3A_55, %add3A_705], %and3A_702 : memref<256x128xi32, #tpu.memory_space<vmem>>[vector<16xi32>, vector<16xi32>], vector<16xi32>,
      %add3A_706 = arith.constant -1854497109 : i32
      %add3A_707 = vector.broadcast %add3A_706 : i32 to vector<16xi32>
      %add3A_708 = arith.addi %add3A_51, %add3A_707 : vector<16xi32>
      %shift_right_arithmetic3A_709 = vector.broadcast %while3A_13 : i32 to vector<16xi32>
      %shift_right_arithmetic3A_710 = arith.shrsi %add3A_708, %shift_right_arithmetic3A_709 : vector<16xi32>
      %and3A_711 = vector.broadcast %while3A_14 : i32 to vector<16xi32>
      %and3A_712 = arith.andi %and3A_711, %shift_right_arithmetic3A_710 : vector<16xi32>
      %add3A_713 = arith.addi %add3A_708, %and3A_712 : vector<16xi32>
      %and3A_714 = vector.broadcast %while3A_15 : i32 to vector<16xi32>
      %and3A_715 = arith.andi %add3A_713, %and3A_714 : vector<16xi32>
      %add3A_716 = arith.constant 50 : i32
      %add3A_717 = vector.broadcast %add3A_716 : i32 to vector<16xi32>
      %add3A_718 = arith.addi %mul3A_11, %add3A_717 : vector<16xi32>
      tpu.vector_store_idx %arg10[%add3A_55, %add3A_718], %and3A_715 : memref<256x128xi32, #tpu.memory_space<vmem>>[vector<16xi32>, vector<16xi32>], vector<16xi32>,
      %add3A_719 = arith.constant -29244868 : i32
      %add3A_720 = vector.broadcast %add3A_719 : i32 to vector<16xi32>
      %add3A_721 = arith.addi %add3A_51, %add3A_720 : vector<16xi32>
      %shift_right_arithmetic3A_722 = vector.broadcast %while3A_13 : i32 to vector<16xi32>
      %shift_right_arithmetic3A_723 = arith.shrsi %add3A_721, %shift_right_arithmetic3A_722 : vector<16xi32>
      %and3A_724 = vector.broadcast %while3A_14 : i32 to vector<16xi32>
      %and3A_725 = arith.andi %and3A_724, %shift_right_arithmetic3A_723 : vector<16xi32>
      %add3A_726 = arith.addi %add3A_721, %and3A_725 : vector<16xi32>
      %and3A_727 = vector.broadcast %while3A_15 : i32 to vector<16xi32>
      %and3A_728 = arith.andi %add3A_726, %and3A_727 : vector<16xi32>
      %add3A_729 = arith.constant 51 : i32
      %add3A_730 = vector.broadcast %add3A_729 : i32 to vector<16xi32>
      %add3A_731 = arith.addi %mul3A_11, %add3A_730 : vector<16xi32>
      tpu.vector_store_idx %arg10[%add3A_55, %add3A_731], %and3A_728 : memref<256x128xi32, #tpu.memory_space<vmem>>[vector<16xi32>, vector<16xi32>], vector<16xi32>,
      %add3A_732 = arith.constant -242067370 : i32
      %add3A_733 = vector.broadcast %add3A_732 : i32 to vector<16xi32>
      %add3A_734 = arith.addi %add3A_51, %add3A_733 : vector<16xi32>
      %shift_right_arithmetic3A_735 = vector.broadcast %while3A_13 : i32 to vector<16xi32>
      %shift_right_arithmetic3A_736 = arith.shrsi %add3A_734, %shift_right_arithmetic3A_735 : vector<16xi32>
      %and3A_737 = vector.broadcast %while3A_14 : i32 to vector<16xi32>
      %and3A_738 = arith.andi %and3A_737, %shift_right_arithmetic3A_736 : vector<16xi32>
      %add3A_739 = arith.addi %add3A_734, %and3A_738 : vector<16xi32>
      %and3A_740 = vector.broadcast %while3A_15 : i32 to vector<16xi32>
      %and3A_741 = arith.andi %add3A_739, %and3A_740 : vector<16xi32>
      %add3A_742 = arith.constant 52 : i32
      %add3A_743 = vector.broadcast %add3A_742 : i32 to vector<16xi32>
      %add3A_744 = arith.addi %mul3A_11, %add3A_743 : vector<16xi32>
      tpu.vector_store_idx %arg10[%add3A_55, %add3A_744], %and3A_741 : memref<256x128xi32, #tpu.memory_space<vmem>>[vector<16xi32>, vector<16xi32>], vector<16xi32>,
      %add3A_745 = arith.constant -454889872 : i32
      %add3A_746 = vector.broadcast %add3A_745 : i32 to vector<16xi32>
      %add3A_747 = arith.addi %add3A_51, %add3A_746 : vector<16xi32>
      %shift_right_arithmetic3A_748 = vector.broadcast %while3A_13 : i32 to vector<16xi32>
      %shift_right_arithmetic3A_749 = arith.shrsi %add3A_747, %shift_right_arithmetic3A_748 : vector<16xi32>
      %and3A_750 = vector.broadcast %while3A_14 : i32 to vector<16xi32>
      %and3A_751 = arith.andi %and3A_750, %shift_right_arithmetic3A_749 : vector<16xi32>
      %add3A_752 = arith.addi %add3A_747, %and3A_751 : vector<16xi32>
      %and3A_753 = vector.broadcast %while3A_15 : i32 to vector<16xi32>
      %and3A_754 = arith.andi %add3A_752, %and3A_753 : vector<16xi32>
      %add3A_755 = arith.constant 53 : i32
      %add3A_756 = vector.broadcast %add3A_755 : i32 to vector<16xi32>
      %add3A_757 = arith.addi %mul3A_11, %add3A_756 : vector<16xi32>
      tpu.vector_store_idx %arg10[%add3A_55, %add3A_757], %and3A_754 : memref<256x128xi32, #tpu.memory_space<vmem>>[vector<16xi32>, vector<16xi32>], vector<16xi32>,
      %add3A_758 = arith.constant -667712374 : i32
      %add3A_759 = vector.broadcast %add3A_758 : i32 to vector<16xi32>
      %add3A_760 = arith.addi %add3A_51, %add3A_759 : vector<16xi32>
      %shift_right_arithmetic3A_761 = vector.broadcast %while3A_13 : i32 to vector<16xi32>
      %shift_right_arithmetic3A_762 = arith.shrsi %add3A_760, %shift_right_arithmetic3A_761 : vector<16xi32>
      %and3A_763 = vector.broadcast %while3A_14 : i32 to vector<16xi32>
      %and3A_764 = arith.andi %and3A_763, %shift_right_arithmetic3A_762 : vector<16xi32>
      %add3A_765 = arith.addi %add3A_760, %and3A_764 : vector<16xi32>
      %and3A_766 = vector.broadcast %while3A_15 : i32 to vector<16xi32>
      %and3A_767 = arith.andi %add3A_765, %and3A_766 : vector<16xi32>
      %add3A_768 = arith.constant 54 : i32
      %add3A_769 = vector.broadcast %add3A_768 : i32 to vector<16xi32>
      %add3A_770 = arith.addi %mul3A_11, %add3A_769 : vector<16xi32>
      tpu.vector_store_idx %arg10[%add3A_55, %add3A_770], %and3A_767 : memref<256x128xi32, #tpu.memory_space<vmem>>[vector<16xi32>, vector<16xi32>], vector<16xi32>,
      %add3A_771 = arith.constant -880534876 : i32
      %add3A_772 = vector.broadcast %add3A_771 : i32 to vector<16xi32>
      %add3A_773 = arith.addi %add3A_51, %add3A_772 : vector<16xi32>
      %shift_right_arithmetic3A_774 = vector.broadcast %while3A_13 : i32 to vector<16xi32>
      %shift_right_arithmetic3A_775 = arith.shrsi %add3A_773, %shift_right_arithmetic3A_774 : vector<16xi32>
      %and3A_776 = vector.broadcast %while3A_14 : i32 to vector<16xi32>
      %and3A_777 = arith.andi %and3A_776, %shift_right_arithmetic3A_775 : vector<16xi32>
      %add3A_778 = arith.addi %add3A_773, %and3A_777 : vector<16xi32>
      %and3A_779 = vector.broadcast %while3A_15 : i32 to vector<16xi32>
      %and3A_780 = arith.andi %add3A_778, %and3A_779 : vector<16xi32>
      %add3A_781 = arith.constant 55 : i32
      %add3A_782 = vector.broadcast %add3A_781 : i32 to vector<16xi32>
      %add3A_783 = arith.addi %mul3A_11, %add3A_782 : vector<16xi32>
      tpu.vector_store_idx %arg10[%add3A_55, %add3A_783], %and3A_780 : memref<256x128xi32, #tpu.memory_space<vmem>>[vector<16xi32>, vector<16xi32>], vector<16xi32>,
      %add3A_784 = arith.constant -1093357378 : i32
      %add3A_785 = vector.broadcast %add3A_784 : i32 to vector<16xi32>
      %add3A_786 = arith.addi %add3A_51, %add3A_785 : vector<16xi32>
      %shift_right_arithmetic3A_787 = vector.broadcast %while3A_13 : i32 to vector<16xi32>
      %shift_right_arithmetic3A_788 = arith.shrsi %add3A_786, %shift_right_arithmetic3A_787 : vector<16xi32>
      %and3A_789 = vector.broadcast %while3A_14 : i32 to vector<16xi32>
      %and3A_790 = arith.andi %and3A_789, %shift_right_arithmetic3A_788 : vector<16xi32>
      %add3A_791 = arith.addi %add3A_786, %and3A_790 : vector<16xi32>
      %and3A_792 = vector.broadcast %while3A_15 : i32 to vector<16xi32>
      %and3A_793 = arith.andi %add3A_791, %and3A_792 : vector<16xi32>
      %add3A_794 = arith.constant 56 : i32
      %add3A_795 = vector.broadcast %add3A_794 : i32 to vector<16xi32>
      %add3A_796 = arith.addi %mul3A_11, %add3A_795 : vector<16xi32>
      tpu.vector_store_idx %arg10[%add3A_55, %add3A_796], %and3A_793 : memref<256x128xi32, #tpu.memory_space<vmem>>[vector<16xi32>, vector<16xi32>], vector<16xi32>,
      %add3A_797 = arith.constant -1306179880 : i32
      %add3A_798 = vector.broadcast %add3A_797 : i32 to vector<16xi32>
      %add3A_799 = arith.addi %add3A_51, %add3A_798 : vector<16xi32>
      %shift_right_arithmetic3A_800 = vector.broadcast %while3A_13 : i32 to vector<16xi32>
      %shift_right_arithmetic3A_801 = arith.shrsi %add3A_799, %shift_right_arithmetic3A_800 : vector<16xi32>
      %and3A_802 = vector.broadcast %while3A_14 : i32 to vector<16xi32>
      %and3A_803 = arith.andi %and3A_802, %shift_right_arithmetic3A_801 : vector<16xi32>
      %add3A_804 = arith.addi %add3A_799, %and3A_803 : vector<16xi32>
      %and3A_805 = vector.broadcast %while3A_15 : i32 to vector<16xi32>
      %and3A_806 = arith.andi %add3A_804, %and3A_805 : vector<16xi32>
      %add3A_807 = arith.constant 57 : i32
      %add3A_808 = vector.broadcast %add3A_807 : i32 to vector<16xi32>
      %add3A_809 = arith.addi %mul3A_11, %add3A_808 : vector<16xi32>
      tpu.vector_store_idx %arg10[%add3A_55, %add3A_809], %and3A_806 : memref<256x128xi32, #tpu.memory_space<vmem>>[vector<16xi32>, vector<16xi32>], vector<16xi32>,
      %add3A_810 = arith.constant -1519002382 : i32
      %add3A_811 = vector.broadcast %add3A_810 : i32 to vector<16xi32>
      %add3A_812 = arith.addi %add3A_51, %add3A_811 : vector<16xi32>
      %shift_right_arithmetic3A_813 = vector.broadcast %while3A_13 : i32 to vector<16xi32>
      %shift_right_arithmetic3A_814 = arith.shrsi %add3A_812, %shift_right_arithmetic3A_813 : vector<16xi32>
      %and3A_815 = vector.broadcast %while3A_14 : i32 to vector<16xi32>
      %and3A_816 = arith.andi %and3A_815, %shift_right_arithmetic3A_814 : vector<16xi32>
      %add3A_817 = arith.addi %add3A_812, %and3A_816 : vector<16xi32>
      %and3A_818 = vector.broadcast %while3A_15 : i32 to vector<16xi32>
      %and3A_819 = arith.andi %add3A_817, %and3A_818 : vector<16xi32>
      %add3A_820 = arith.constant 58 : i32
      %add3A_821 = vector.broadcast %add3A_820 : i32 to vector<16xi32>
      %add3A_822 = arith.addi %mul3A_11, %add3A_821 : vector<16xi32>
      tpu.vector_store_idx %arg10[%add3A_55, %add3A_822], %and3A_819 : memref<256x128xi32, #tpu.memory_space<vmem>>[vector<16xi32>, vector<16xi32>], vector<16xi32>,
      %add3A_823 = arith.constant -1731824884 : i32
      %add3A_824 = vector.broadcast %add3A_823 : i32 to vector<16xi32>
      %add3A_825 = arith.addi %add3A_51, %add3A_824 : vector<16xi32>
      %shift_right_arithmetic3A_826 = vector.broadcast %while3A_13 : i32 to vector<16xi32>
      %shift_right_arithmetic3A_827 = arith.shrsi %add3A_825, %shift_right_arithmetic3A_826 : vector<16xi32>
      %and3A_828 = vector.broadcast %while3A_14 : i32 to vector<16xi32>
      %and3A_829 = arith.andi %and3A_828, %shift_right_arithmetic3A_827 : vector<16xi32>
      %add3A_830 = arith.addi %add3A_825, %and3A_829 : vector<16xi32>
      %and3A_831 = vector.broadcast %while3A_15 : i32 to vector<16xi32>
      %and3A_832 = arith.andi %add3A_830, %and3A_831 : vector<16xi32>
      %add3A_833 = arith.constant 59 : i32
      %add3A_834 = vector.broadcast %add3A_833 : i32 to vector<16xi32>
      %add3A_835 = arith.addi %mul3A_11, %add3A_834 : vector<16xi32>
      tpu.vector_store_idx %arg10[%add3A_55, %add3A_835], %and3A_832 : memref<256x128xi32, #tpu.memory_space<vmem>>[vector<16xi32>, vector<16xi32>], vector<16xi32>,
      %add3A_836 = arith.constant -1944647386 : i32
      %add3A_837 = vector.broadcast %add3A_836 : i32 to vector<16xi32>
      %add3A_838 = arith.addi %add3A_51, %add3A_837 : vector<16xi32>
      %shift_right_arithmetic3A_839 = vector.broadcast %while3A_13 : i32 to vector<16xi32>
      %shift_right_arithmetic3A_840 = arith.shrsi %add3A_838, %shift_right_arithmetic3A_839 : vector<16xi32>
      %and3A_841 = vector.broadcast %while3A_14 : i32 to vector<16xi32>
      %and3A_842 = arith.andi %and3A_841, %shift_right_arithmetic3A_840 : vector<16xi32>
      %add3A_843 = arith.addi %add3A_838, %and3A_842 : vector<16xi32>
      %and3A_844 = vector.broadcast %while3A_15 : i32 to vector<16xi32>
      %and3A_845 = arith.andi %add3A_843, %and3A_844 : vector<16xi32>
      %add3A_846 = arith.constant 60 : i32
      %add3A_847 = vector.broadcast %add3A_846 : i32 to vector<16xi32>
      %add3A_848 = arith.addi %mul3A_11, %add3A_847 : vector<16xi32>
      tpu.vector_store_idx %arg10[%add3A_55, %add3A_848], %and3A_845 : memref<256x128xi32, #tpu.memory_space<vmem>>[vector<16xi32>, vector<16xi32>], vector<16xi32>,
      %add3A_849 = arith.constant -119395145 : i32
      %add3A_850 = vector.broadcast %add3A_849 : i32 to vector<16xi32>
      %add3A_851 = arith.addi %add3A_51, %add3A_850 : vector<16xi32>
      %shift_right_arithmetic3A_852 = vector.broadcast %while3A_13 : i32 to vector<16xi32>
      %shift_right_arithmetic3A_853 = arith.shrsi %add3A_851, %shift_right_arithmetic3A_852 : vector<16xi32>
      %and3A_854 = vector.broadcast %while3A_14 : i32 to vector<16xi32>
      %and3A_855 = arith.andi %and3A_854, %shift_right_arithmetic3A_853 : vector<16xi32>
      %add3A_856 = arith.addi %add3A_851, %and3A_855 : vector<16xi32>
      %and3A_857 = vector.broadcast %while3A_15 : i32 to vector<16xi32>
      %and3A_858 = arith.andi %add3A_856, %and3A_857 : vector<16xi32>
      %add3A_859 = arith.constant 61 : i32
      %add3A_860 = vector.broadcast %add3A_859 : i32 to vector<16xi32>
      %add3A_861 = arith.addi %mul3A_11, %add3A_860 : vector<16xi32>
      tpu.vector_store_idx %arg10[%add3A_55, %add3A_861], %and3A_858 : memref<256x128xi32, #tpu.memory_space<vmem>>[vector<16xi32>, vector<16xi32>], vector<16xi32>,
      %add3A_862 = arith.constant -332217647 : i32
      %add3A_863 = vector.broadcast %add3A_862 : i32 to vector<16xi32>
      %add3A_864 = arith.addi %add3A_51, %add3A_863 : vector<16xi32>
      %shift_right_arithmetic3A_865 = vector.broadcast %while3A_13 : i32 to vector<16xi32>
      %shift_right_arithmetic3A_866 = arith.shrsi %add3A_864, %shift_right_arithmetic3A_865 : vector<16xi32>
      %and3A_867 = vector.broadcast %while3A_14 : i32 to vector<16xi32>
      %and3A_868 = arith.andi %and3A_867, %shift_right_arithmetic3A_866 : vector<16xi32>
      %add3A_869 = arith.addi %add3A_864, %and3A_868 : vector<16xi32>
      %and3A_870 = vector.broadcast %while3A_15 : i32 to vector<16xi32>
      %and3A_871 = arith.andi %add3A_869, %and3A_870 : vector<16xi32>
      %add3A_872 = arith.constant 62 : i32
      %add3A_873 = vector.broadcast %add3A_872 : i32 to vector<16xi32>
      %add3A_874 = arith.addi %mul3A_11, %add3A_873 : vector<16xi32>
      tpu.vector_store_idx %arg10[%add3A_55, %add3A_874], %and3A_871 : memref<256x128xi32, #tpu.memory_space<vmem>>[vector<16xi32>, vector<16xi32>], vector<16xi32>,
      %add3A_875 = arith.constant -545040149 : i32
      %add3A_876 = vector.broadcast %add3A_875 : i32 to vector<16xi32>
      %add3A_877 = arith.addi %add3A_51, %add3A_876 : vector<16xi32>
      %shift_right_arithmetic3A_878 = vector.broadcast %while3A_13 : i32 to vector<16xi32>
      %shift_right_arithmetic3A_879 = arith.shrsi %add3A_877, %shift_right_arithmetic3A_878 : vector<16xi32>
      %and3A_880 = vector.broadcast %while3A_14 : i32 to vector<16xi32>
      %and3A_881 = arith.andi %and3A_880, %shift_right_arithmetic3A_879 : vector<16xi32>
      %add3A_882 = arith.addi %add3A_877, %and3A_881 : vector<16xi32>
      %and3A_883 = vector.broadcast %while3A_15 : i32 to vector<16xi32>
      %and3A_884 = arith.andi %add3A_882, %and3A_883 : vector<16xi32>
      %add3A_885 = arith.constant 63 : i32
      %add3A_886 = vector.broadcast %add3A_885 : i32 to vector<16xi32>
      %add3A_887 = arith.addi %mul3A_11, %add3A_886 : vector<16xi32>
      tpu.vector_store_idx %arg10[%add3A_55, %add3A_887], %and3A_884 : memref<256x128xi32, #tpu.memory_space<vmem>>[vector<16xi32>, vector<16xi32>], vector<16xi32>,
      %mul3A_888 = arith.constant 8 : i32
      %mul3A_889 = arith.muli %while3A_38, %mul3A_888 : i32
      %mul3A_890 = arith.constant 16 : i32
      %mul3A_891 = arith.muli %while3A_38, %mul3A_890 : i32
      %add3A_892 = arith.constant 0 : i32
      %add3A_893 = arith.addi %mul3A_889, %add3A_892 : i32
      %add3A_894 = arith.constant 0 : i32
      %add3A_895 = arith.addi %mul3A_891, %add3A_894 : i32
      %dma_start3A_896 = arith.constant 0 : i32
      %dma_start3A_897 = tpu.memref_slice %arg11[%add3A_895, %dma_start3A_896] : memref<512x128xf32, #tpu.memory_space<vmem>> -> memref<1x64xf32, #tpu.memory_space<vmem>>
      %dma_start3A_898 = tpu.memref_squeeze %dma_start3A_897 : memref<1x64xf32, #tpu.memory_space<vmem>> -> memref<64xf32, #tpu.memory_space<vmem>>
      %dma_start3A_899 = arith.constant 0 : i32
      %dma_start3A_900 = tpu.memref_slice %arg10[%add3A_893, %dma_start3A_899] : memref<256x128xi32, #tpu.memory_space<vmem>> -> memref<1x64xi32, #tpu.memory_space<vmem>>
      %dma_start3A_901 = tpu.memref_squeeze %dma_start3A_900 : memref<1x64xi32, #tpu.memory_space<vmem>> -> memref<64xi32, #tpu.memory_space<vmem>>
      %dma_start3A_902 = arith.constant 0 : i32
      %dma_start3A_903 = tpu.memref_slice %arg3[%dma_start3A_902] : memref<4194304xf32, #tpu.memory_space<hbm>> -> memref<4194304xf32, #tpu.memory_space<hbm>>
      tpu.enqueue_indirect_dma source(%dma_start3A_903 : memref<4194304xf32, #tpu.memory_space<hbm>>) target(%dma_start3A_898 : memref<64xf32, #tpu.memory_space<vmem>>) offsets(%dma_start3A_901 : memref<64xi32, #tpu.memory_space<vmem>>) semaphore(%arg12 : memref<!tpu.dma_semaphore, #tpu.memory_space<semaphore_mem>>)
      %add3A_904 = arith.constant 0 : i32
      %add3A_905 = arith.addi %mul3A_889, %add3A_904 : i32
      %add3A_906 = arith.constant 1 : i32
      %add3A_907 = arith.addi %mul3A_891, %add3A_906 : i32
      %dma_start3A_908 = arith.constant 0 : i32
      %dma_start3A_909 = tpu.memref_slice %arg11[%add3A_907, %dma_start3A_908] : memref<512x128xf32, #tpu.memory_space<vmem>> -> memref<1x64xf32, #tpu.memory_space<vmem>>
      %dma_start3A_910 = tpu.memref_squeeze %dma_start3A_909 : memref<1x64xf32, #tpu.memory_space<vmem>> -> memref<64xf32, #tpu.memory_space<vmem>>
      %dma_start3A_911 = arith.constant 64 : i32
      %dma_start3A_912 = tpu.memref_slice %arg10[%add3A_905, %dma_start3A_911] : memref<256x128xi32, #tpu.memory_space<vmem>> -> memref<1x64xi32, #tpu.memory_space<vmem>>
      %dma_start3A_913 = tpu.memref_squeeze %dma_start3A_912 : memref<1x64xi32, #tpu.memory_space<vmem>> -> memref<64xi32, #tpu.memory_space<vmem>>
      %dma_start3A_914 = arith.constant 0 : i32
      %dma_start3A_915 = tpu.memref_slice %arg3[%dma_start3A_914] : memref<4194304xf32, #tpu.memory_space<hbm>> -> memref<4194304xf32, #tpu.memory_space<hbm>>
      tpu.enqueue_indirect_dma source(%dma_start3A_915 : memref<4194304xf32, #tpu.memory_space<hbm>>) target(%dma_start3A_910 : memref<64xf32, #tpu.memory_space<vmem>>) offsets(%dma_start3A_913 : memref<64xi32, #tpu.memory_space<vmem>>) semaphore(%arg12 : memref<!tpu.dma_semaphore, #tpu.memory_space<semaphore_mem>>)
      %add3A_916 = arith.constant 1 : i32
      %add3A_917 = arith.addi %mul3A_889, %add3A_916 : i32
      %add3A_918 = arith.constant 2 : i32
      %add3A_919 = arith.addi %mul3A_891, %add3A_918 : i32
      %dma_start3A_920 = arith.constant 0 : i32
      %dma_start3A_921 = tpu.memref_slice %arg11[%add3A_919, %dma_start3A_920] : memref<512x128xf32, #tpu.memory_space<vmem>> -> memref<1x64xf32, #tpu.memory_space<vmem>>
      %dma_start3A_922 = tpu.memref_squeeze %dma_start3A_921 : memref<1x64xf32, #tpu.memory_space<vmem>> -> memref<64xf32, #tpu.memory_space<vmem>>
      %dma_start3A_923 = arith.constant 0 : i32
      %dma_start3A_924 = tpu.memref_slice %arg10[%add3A_917, %dma_start3A_923] : memref<256x128xi32, #tpu.memory_space<vmem>> -> memref<1x64xi32, #tpu.memory_space<vmem>>
      %dma_start3A_925 = tpu.memref_squeeze %dma_start3A_924 : memref<1x64xi32, #tpu.memory_space<vmem>> -> memref<64xi32, #tpu.memory_space<vmem>>
      %dma_start3A_926 = arith.constant 0 : i32
      %dma_start3A_927 = tpu.memref_slice %arg3[%dma_start3A_926] : memref<4194304xf32, #tpu.memory_space<hbm>> -> memref<4194304xf32, #tpu.memory_space<hbm>>
      tpu.enqueue_indirect_dma source(%dma_start3A_927 : memref<4194304xf32, #tpu.memory_space<hbm>>) target(%dma_start3A_922 : memref<64xf32, #tpu.memory_space<vmem>>) offsets(%dma_start3A_925 : memref<64xi32, #tpu.memory_space<vmem>>) semaphore(%arg12 : memref<!tpu.dma_semaphore, #tpu.memory_space<semaphore_mem>>)
      %add3A_928 = arith.constant 1 : i32
      %add3A_929 = arith.addi %mul3A_889, %add3A_928 : i32
      %add3A_930 = arith.constant 3 : i32
      %add3A_931 = arith.addi %mul3A_891, %add3A_930 : i32
      %dma_start3A_932 = arith.constant 0 : i32
      %dma_start3A_933 = tpu.memref_slice %arg11[%add3A_931, %dma_start3A_932] : memref<512x128xf32, #tpu.memory_space<vmem>> -> memref<1x64xf32, #tpu.memory_space<vmem>>
      %dma_start3A_934 = tpu.memref_squeeze %dma_start3A_933 : memref<1x64xf32, #tpu.memory_space<vmem>> -> memref<64xf32, #tpu.memory_space<vmem>>
      %dma_start3A_935 = arith.constant 64 : i32
      %dma_start3A_936 = tpu.memref_slice %arg10[%add3A_929, %dma_start3A_935] : memref<256x128xi32, #tpu.memory_space<vmem>> -> memref<1x64xi32, #tpu.memory_space<vmem>>
      %dma_start3A_937 = tpu.memref_squeeze %dma_start3A_936 : memref<1x64xi32, #tpu.memory_space<vmem>> -> memref<64xi32, #tpu.memory_space<vmem>>
      %dma_start3A_938 = arith.constant 0 : i32
      %dma_start3A_939 = tpu.memref_slice %arg3[%dma_start3A_938] : memref<4194304xf32, #tpu.memory_space<hbm>> -> memref<4194304xf32, #tpu.memory_space<hbm>>
      tpu.enqueue_indirect_dma source(%dma_start3A_939 : memref<4194304xf32, #tpu.memory_space<hbm>>) target(%dma_start3A_934 : memref<64xf32, #tpu.memory_space<vmem>>) offsets(%dma_start3A_937 : memref<64xi32, #tpu.memory_space<vmem>>) semaphore(%arg12 : memref<!tpu.dma_semaphore, #tpu.memory_space<semaphore_mem>>)
      %add3A_940 = arith.constant 2 : i32
      %add3A_941 = arith.addi %mul3A_889, %add3A_940 : i32
      %add3A_942 = arith.constant 4 : i32
      %add3A_943 = arith.addi %mul3A_891, %add3A_942 : i32
      %dma_start3A_944 = arith.constant 0 : i32
      %dma_start3A_945 = tpu.memref_slice %arg11[%add3A_943, %dma_start3A_944] : memref<512x128xf32, #tpu.memory_space<vmem>> -> memref<1x64xf32, #tpu.memory_space<vmem>>
      %dma_start3A_946 = tpu.memref_squeeze %dma_start3A_945 : memref<1x64xf32, #tpu.memory_space<vmem>> -> memref<64xf32, #tpu.memory_space<vmem>>
      %dma_start3A_947 = arith.constant 0 : i32
      %dma_start3A_948 = tpu.memref_slice %arg10[%add3A_941, %dma_start3A_947] : memref<256x128xi32, #tpu.memory_space<vmem>> -> memref<1x64xi32, #tpu.memory_space<vmem>>
      %dma_start3A_949 = tpu.memref_squeeze %dma_start3A_948 : memref<1x64xi32, #tpu.memory_space<vmem>> -> memref<64xi32, #tpu.memory_space<vmem>>
      %dma_start3A_950 = arith.constant 0 : i32
      %dma_start3A_951 = tpu.memref_slice %arg3[%dma_start3A_950] : memref<4194304xf32, #tpu.memory_space<hbm>> -> memref<4194304xf32, #tpu.memory_space<hbm>>
      tpu.enqueue_indirect_dma source(%dma_start3A_951 : memref<4194304xf32, #tpu.memory_space<hbm>>) target(%dma_start3A_946 : memref<64xf32, #tpu.memory_space<vmem>>) offsets(%dma_start3A_949 : memref<64xi32, #tpu.memory_space<vmem>>) semaphore(%arg12 : memref<!tpu.dma_semaphore, #tpu.memory_space<semaphore_mem>>)
      %add3A_952 = arith.constant 2 : i32
      %add3A_953 = arith.addi %mul3A_889, %add3A_952 : i32
      %add3A_954 = arith.constant 5 : i32
      %add3A_955 = arith.addi %mul3A_891, %add3A_954 : i32
      %dma_start3A_956 = arith.constant 0 : i32
      %dma_start3A_957 = tpu.memref_slice %arg11[%add3A_955, %dma_start3A_956] : memref<512x128xf32, #tpu.memory_space<vmem>> -> memref<1x64xf32, #tpu.memory_space<vmem>>
      %dma_start3A_958 = tpu.memref_squeeze %dma_start3A_957 : memref<1x64xf32, #tpu.memory_space<vmem>> -> memref<64xf32, #tpu.memory_space<vmem>>
      %dma_start3A_959 = arith.constant 64 : i32
      %dma_start3A_960 = tpu.memref_slice %arg10[%add3A_953, %dma_start3A_959] : memref<256x128xi32, #tpu.memory_space<vmem>> -> memref<1x64xi32, #tpu.memory_space<vmem>>
      %dma_start3A_961 = tpu.memref_squeeze %dma_start3A_960 : memref<1x64xi32, #tpu.memory_space<vmem>> -> memref<64xi32, #tpu.memory_space<vmem>>
      %dma_start3A_962 = arith.constant 0 : i32
      %dma_start3A_963 = tpu.memref_slice %arg3[%dma_start3A_962] : memref<4194304xf32, #tpu.memory_space<hbm>> -> memref<4194304xf32, #tpu.memory_space<hbm>>
      tpu.enqueue_indirect_dma source(%dma_start3A_963 : memref<4194304xf32, #tpu.memory_space<hbm>>) target(%dma_start3A_958 : memref<64xf32, #tpu.memory_space<vmem>>) offsets(%dma_start3A_961 : memref<64xi32, #tpu.memory_space<vmem>>) semaphore(%arg12 : memref<!tpu.dma_semaphore, #tpu.memory_space<semaphore_mem>>)
      %add3A_964 = arith.constant 3 : i32
      %add3A_965 = arith.addi %mul3A_889, %add3A_964 : i32
      %add3A_966 = arith.constant 6 : i32
      %add3A_967 = arith.addi %mul3A_891, %add3A_966 : i32
      %dma_start3A_968 = arith.constant 0 : i32
      %dma_start3A_969 = tpu.memref_slice %arg11[%add3A_967, %dma_start3A_968] : memref<512x128xf32, #tpu.memory_space<vmem>> -> memref<1x64xf32, #tpu.memory_space<vmem>>
      %dma_start3A_970 = tpu.memref_squeeze %dma_start3A_969 : memref<1x64xf32, #tpu.memory_space<vmem>> -> memref<64xf32, #tpu.memory_space<vmem>>
      %dma_start3A_971 = arith.constant 0 : i32
      %dma_start3A_972 = tpu.memref_slice %arg10[%add3A_965, %dma_start3A_971] : memref<256x128xi32, #tpu.memory_space<vmem>> -> memref<1x64xi32, #tpu.memory_space<vmem>>
      %dma_start3A_973 = tpu.memref_squeeze %dma_start3A_972 : memref<1x64xi32, #tpu.memory_space<vmem>> -> memref<64xi32, #tpu.memory_space<vmem>>
      %dma_start3A_974 = arith.constant 0 : i32
      %dma_start3A_975 = tpu.memref_slice %arg3[%dma_start3A_974] : memref<4194304xf32, #tpu.memory_space<hbm>> -> memref<4194304xf32, #tpu.memory_space<hbm>>
      tpu.enqueue_indirect_dma source(%dma_start3A_975 : memref<4194304xf32, #tpu.memory_space<hbm>>) target(%dma_start3A_970 : memref<64xf32, #tpu.memory_space<vmem>>) offsets(%dma_start3A_973 : memref<64xi32, #tpu.memory_space<vmem>>) semaphore(%arg12 : memref<!tpu.dma_semaphore, #tpu.memory_space<semaphore_mem>>)
      %add3A_976 = arith.constant 3 : i32
      %add3A_977 = arith.addi %mul3A_889, %add3A_976 : i32
      %add3A_978 = arith.constant 7 : i32
      %add3A_979 = arith.addi %mul3A_891, %add3A_978 : i32
      %dma_start3A_980 = arith.constant 0 : i32
      %dma_start3A_981 = tpu.memref_slice %arg11[%add3A_979, %dma_start3A_980] : memref<512x128xf32, #tpu.memory_space<vmem>> -> memref<1x64xf32, #tpu.memory_space<vmem>>
      %dma_start3A_982 = tpu.memref_squeeze %dma_start3A_981 : memref<1x64xf32, #tpu.memory_space<vmem>> -> memref<64xf32, #tpu.memory_space<vmem>>
      %dma_start3A_983 = arith.constant 64 : i32
      %dma_start3A_984 = tpu.memref_slice %arg10[%add3A_977, %dma_start3A_983] : memref<256x128xi32, #tpu.memory_space<vmem>> -> memref<1x64xi32, #tpu.memory_space<vmem>>
      %dma_start3A_985 = tpu.memref_squeeze %dma_start3A_984 : memref<1x64xi32, #tpu.memory_space<vmem>> -> memref<64xi32, #tpu.memory_space<vmem>>
      %dma_start3A_986 = arith.constant 0 : i32
      %dma_start3A_987 = tpu.memref_slice %arg3[%dma_start3A_986] : memref<4194304xf32, #tpu.memory_space<hbm>> -> memref<4194304xf32, #tpu.memory_space<hbm>>
      tpu.enqueue_indirect_dma source(%dma_start3A_987 : memref<4194304xf32, #tpu.memory_space<hbm>>) target(%dma_start3A_982 : memref<64xf32, #tpu.memory_space<vmem>>) offsets(%dma_start3A_985 : memref<64xi32, #tpu.memory_space<vmem>>) semaphore(%arg12 : memref<!tpu.dma_semaphore, #tpu.memory_space<semaphore_mem>>)
      %add3A_988 = arith.constant 4 : i32
      %add3A_989 = arith.addi %mul3A_889, %add3A_988 : i32
      %add3A_990 = arith.constant 8 : i32
      %add3A_991 = arith.addi %mul3A_891, %add3A_990 : i32
      %dma_start3A_992 = arith.constant 0 : i32
      %dma_start3A_993 = tpu.memref_slice %arg11[%add3A_991, %dma_start3A_992] : memref<512x128xf32, #tpu.memory_space<vmem>> -> memref<1x64xf32, #tpu.memory_space<vmem>>
      %dma_start3A_994 = tpu.memref_squeeze %dma_start3A_993 : memref<1x64xf32, #tpu.memory_space<vmem>> -> memref<64xf32, #tpu.memory_space<vmem>>
      %dma_start3A_995 = arith.constant 0 : i32
      %dma_start3A_996 = tpu.memref_slice %arg10[%add3A_989, %dma_start3A_995] : memref<256x128xi32, #tpu.memory_space<vmem>> -> memref<1x64xi32, #tpu.memory_space<vmem>>
      %dma_start3A_997 = tpu.memref_squeeze %dma_start3A_996 : memref<1x64xi32, #tpu.memory_space<vmem>> -> memref<64xi32, #tpu.memory_space<vmem>>
      %dma_start3A_998 = arith.constant 0 : i32
      %dma_start3A_999 = tpu.memref_slice %arg3[%dma_start3A_998] : memref<4194304xf32, #tpu.memory_space<hbm>> -> memref<4194304xf32, #tpu.memory_space<hbm>>
      tpu.enqueue_indirect_dma source(%dma_start3A_999 : memref<4194304xf32, #tpu.memory_space<hbm>>) target(%dma_start3A_994 : memref<64xf32, #tpu.memory_space<vmem>>) offsets(%dma_start3A_997 : memref<64xi32, #tpu.memory_space<vmem>>) semaphore(%arg12 : memref<!tpu.dma_semaphore, #tpu.memory_space<semaphore_mem>>)
      %add3A_1000 = arith.constant 4 : i32
      %add3A_1001 = arith.addi %mul3A_889, %add3A_1000 : i32
      %add3A_1002 = arith.constant 9 : i32
      %add3A_1003 = arith.addi %mul3A_891, %add3A_1002 : i32
      %dma_start3A_1004 = arith.constant 0 : i32
      %dma_start3A_1005 = tpu.memref_slice %arg11[%add3A_1003, %dma_start3A_1004] : memref<512x128xf32, #tpu.memory_space<vmem>> -> memref<1x64xf32, #tpu.memory_space<vmem>>
      %dma_start3A_1006 = tpu.memref_squeeze %dma_start3A_1005 : memref<1x64xf32, #tpu.memory_space<vmem>> -> memref<64xf32, #tpu.memory_space<vmem>>
      %dma_start3A_1007 = arith.constant 64 : i32
      %dma_start3A_1008 = tpu.memref_slice %arg10[%add3A_1001, %dma_start3A_1007] : memref<256x128xi32, #tpu.memory_space<vmem>> -> memref<1x64xi32, #tpu.memory_space<vmem>>
      %dma_start3A_1009 = tpu.memref_squeeze %dma_start3A_1008 : memref<1x64xi32, #tpu.memory_space<vmem>> -> memref<64xi32, #tpu.memory_space<vmem>>
      %dma_start3A_1010 = arith.constant 0 : i32
      %dma_start3A_1011 = tpu.memref_slice %arg3[%dma_start3A_1010] : memref<4194304xf32, #tpu.memory_space<hbm>> -> memref<4194304xf32, #tpu.memory_space<hbm>>
      tpu.enqueue_indirect_dma source(%dma_start3A_1011 : memref<4194304xf32, #tpu.memory_space<hbm>>) target(%dma_start3A_1006 : memref<64xf32, #tpu.memory_space<vmem>>) offsets(%dma_start3A_1009 : memref<64xi32, #tpu.memory_space<vmem>>) semaphore(%arg12 : memref<!tpu.dma_semaphore, #tpu.memory_space<semaphore_mem>>)
      %add3A_1012 = arith.constant 5 : i32
      %add3A_1013 = arith.addi %mul3A_889, %add3A_1012 : i32
      %add3A_1014 = arith.constant 10 : i32
      %add3A_1015 = arith.addi %mul3A_891, %add3A_1014 : i32
      %dma_start3A_1016 = arith.constant 0 : i32
      %dma_start3A_1017 = tpu.memref_slice %arg11[%add3A_1015, %dma_start3A_1016] : memref<512x128xf32, #tpu.memory_space<vmem>> -> memref<1x64xf32, #tpu.memory_space<vmem>>
      %dma_start3A_1018 = tpu.memref_squeeze %dma_start3A_1017 : memref<1x64xf32, #tpu.memory_space<vmem>> -> memref<64xf32, #tpu.memory_space<vmem>>
      %dma_start3A_1019 = arith.constant 0 : i32
      %dma_start3A_1020 = tpu.memref_slice %arg10[%add3A_1013, %dma_start3A_1019] : memref<256x128xi32, #tpu.memory_space<vmem>> -> memref<1x64xi32, #tpu.memory_space<vmem>>
      %dma_start3A_1021 = tpu.memref_squeeze %dma_start3A_1020 : memref<1x64xi32, #tpu.memory_space<vmem>> -> memref<64xi32, #tpu.memory_space<vmem>>
      %dma_start3A_1022 = arith.constant 0 : i32
      %dma_start3A_1023 = tpu.memref_slice %arg3[%dma_start3A_1022] : memref<4194304xf32, #tpu.memory_space<hbm>> -> memref<4194304xf32, #tpu.memory_space<hbm>>
      tpu.enqueue_indirect_dma source(%dma_start3A_1023 : memref<4194304xf32, #tpu.memory_space<hbm>>) target(%dma_start3A_1018 : memref<64xf32, #tpu.memory_space<vmem>>) offsets(%dma_start3A_1021 : memref<64xi32, #tpu.memory_space<vmem>>) semaphore(%arg12 : memref<!tpu.dma_semaphore, #tpu.memory_space<semaphore_mem>>)
      %add3A_1024 = arith.constant 5 : i32
      %add3A_1025 = arith.addi %mul3A_889, %add3A_1024 : i32
      %add3A_1026 = arith.constant 11 : i32
      %add3A_1027 = arith.addi %mul3A_891, %add3A_1026 : i32
      %dma_start3A_1028 = arith.constant 0 : i32
      %dma_start3A_1029 = tpu.memref_slice %arg11[%add3A_1027, %dma_start3A_1028] : memref<512x128xf32, #tpu.memory_space<vmem>> -> memref<1x64xf32, #tpu.memory_space<vmem>>
      %dma_start3A_1030 = tpu.memref_squeeze %dma_start3A_1029 : memref<1x64xf32, #tpu.memory_space<vmem>> -> memref<64xf32, #tpu.memory_space<vmem>>
      %dma_start3A_1031 = arith.constant 64 : i32
      %dma_start3A_1032 = tpu.memref_slice %arg10[%add3A_1025, %dma_start3A_1031] : memref<256x128xi32, #tpu.memory_space<vmem>> -> memref<1x64xi32, #tpu.memory_space<vmem>>
      %dma_start3A_1033 = tpu.memref_squeeze %dma_start3A_1032 : memref<1x64xi32, #tpu.memory_space<vmem>> -> memref<64xi32, #tpu.memory_space<vmem>>
      %dma_start3A_1034 = arith.constant 0 : i32
      %dma_start3A_1035 = tpu.memref_slice %arg3[%dma_start3A_1034] : memref<4194304xf32, #tpu.memory_space<hbm>> -> memref<4194304xf32, #tpu.memory_space<hbm>>
      tpu.enqueue_indirect_dma source(%dma_start3A_1035 : memref<4194304xf32, #tpu.memory_space<hbm>>) target(%dma_start3A_1030 : memref<64xf32, #tpu.memory_space<vmem>>) offsets(%dma_start3A_1033 : memref<64xi32, #tpu.memory_space<vmem>>) semaphore(%arg12 : memref<!tpu.dma_semaphore, #tpu.memory_space<semaphore_mem>>)
      %add3A_1036 = arith.constant 6 : i32
      %add3A_1037 = arith.addi %mul3A_889, %add3A_1036 : i32
      %add3A_1038 = arith.constant 12 : i32
      %add3A_1039 = arith.addi %mul3A_891, %add3A_1038 : i32
      %dma_start3A_1040 = arith.constant 0 : i32
      %dma_start3A_1041 = tpu.memref_slice %arg11[%add3A_1039, %dma_start3A_1040] : memref<512x128xf32, #tpu.memory_space<vmem>> -> memref<1x64xf32, #tpu.memory_space<vmem>>
      %dma_start3A_1042 = tpu.memref_squeeze %dma_start3A_1041 : memref<1x64xf32, #tpu.memory_space<vmem>> -> memref<64xf32, #tpu.memory_space<vmem>>
      %dma_start3A_1043 = arith.constant 0 : i32
      %dma_start3A_1044 = tpu.memref_slice %arg10[%add3A_1037, %dma_start3A_1043] : memref<256x128xi32, #tpu.memory_space<vmem>> -> memref<1x64xi32, #tpu.memory_space<vmem>>
      %dma_start3A_1045 = tpu.memref_squeeze %dma_start3A_1044 : memref<1x64xi32, #tpu.memory_space<vmem>> -> memref<64xi32, #tpu.memory_space<vmem>>
      %dma_start3A_1046 = arith.constant 0 : i32
      %dma_start3A_1047 = tpu.memref_slice %arg3[%dma_start3A_1046] : memref<4194304xf32, #tpu.memory_space<hbm>> -> memref<4194304xf32, #tpu.memory_space<hbm>>
      tpu.enqueue_indirect_dma source(%dma_start3A_1047 : memref<4194304xf32, #tpu.memory_space<hbm>>) target(%dma_start3A_1042 : memref<64xf32, #tpu.memory_space<vmem>>) offsets(%dma_start3A_1045 : memref<64xi32, #tpu.memory_space<vmem>>) semaphore(%arg12 : memref<!tpu.dma_semaphore, #tpu.memory_space<semaphore_mem>>)
      %add3A_1048 = arith.constant 6 : i32
      %add3A_1049 = arith.addi %mul3A_889, %add3A_1048 : i32
      %add3A_1050 = arith.constant 13 : i32
      %add3A_1051 = arith.addi %mul3A_891, %add3A_1050 : i32
      %dma_start3A_1052 = arith.constant 0 : i32
      %dma_start3A_1053 = tpu.memref_slice %arg11[%add3A_1051, %dma_start3A_1052] : memref<512x128xf32, #tpu.memory_space<vmem>> -> memref<1x64xf32, #tpu.memory_space<vmem>>
      %dma_start3A_1054 = tpu.memref_squeeze %dma_start3A_1053 : memref<1x64xf32, #tpu.memory_space<vmem>> -> memref<64xf32, #tpu.memory_space<vmem>>
      %dma_start3A_1055 = arith.constant 64 : i32
      %dma_start3A_1056 = tpu.memref_slice %arg10[%add3A_1049, %dma_start3A_1055] : memref<256x128xi32, #tpu.memory_space<vmem>> -> memref<1x64xi32, #tpu.memory_space<vmem>>
      %dma_start3A_1057 = tpu.memref_squeeze %dma_start3A_1056 : memref<1x64xi32, #tpu.memory_space<vmem>> -> memref<64xi32, #tpu.memory_space<vmem>>
      %dma_start3A_1058 = arith.constant 0 : i32
      %dma_start3A_1059 = tpu.memref_slice %arg3[%dma_start3A_1058] : memref<4194304xf32, #tpu.memory_space<hbm>> -> memref<4194304xf32, #tpu.memory_space<hbm>>
      tpu.enqueue_indirect_dma source(%dma_start3A_1059 : memref<4194304xf32, #tpu.memory_space<hbm>>) target(%dma_start3A_1054 : memref<64xf32, #tpu.memory_space<vmem>>) offsets(%dma_start3A_1057 : memref<64xi32, #tpu.memory_space<vmem>>) semaphore(%arg12 : memref<!tpu.dma_semaphore, #tpu.memory_space<semaphore_mem>>)
      %add3A_1060 = arith.constant 7 : i32
      %add3A_1061 = arith.addi %mul3A_889, %add3A_1060 : i32
      %add3A_1062 = arith.constant 14 : i32
      %add3A_1063 = arith.addi %mul3A_891, %add3A_1062 : i32
      %dma_start3A_1064 = arith.constant 0 : i32
      %dma_start3A_1065 = tpu.memref_slice %arg11[%add3A_1063, %dma_start3A_1064] : memref<512x128xf32, #tpu.memory_space<vmem>> -> memref<1x64xf32, #tpu.memory_space<vmem>>
      %dma_start3A_1066 = tpu.memref_squeeze %dma_start3A_1065 : memref<1x64xf32, #tpu.memory_space<vmem>> -> memref<64xf32, #tpu.memory_space<vmem>>
      %dma_start3A_1067 = arith.constant 0 : i32
      %dma_start3A_1068 = tpu.memref_slice %arg10[%add3A_1061, %dma_start3A_1067] : memref<256x128xi32, #tpu.memory_space<vmem>> -> memref<1x64xi32, #tpu.memory_space<vmem>>
      %dma_start3A_1069 = tpu.memref_squeeze %dma_start3A_1068 : memref<1x64xi32, #tpu.memory_space<vmem>> -> memref<64xi32, #tpu.memory_space<vmem>>
      %dma_start3A_1070 = arith.constant 0 : i32
      %dma_start3A_1071 = tpu.memref_slice %arg3[%dma_start3A_1070] : memref<4194304xf32, #tpu.memory_space<hbm>> -> memref<4194304xf32, #tpu.memory_space<hbm>>
      tpu.enqueue_indirect_dma source(%dma_start3A_1071 : memref<4194304xf32, #tpu.memory_space<hbm>>) target(%dma_start3A_1066 : memref<64xf32, #tpu.memory_space<vmem>>) offsets(%dma_start3A_1069 : memref<64xi32, #tpu.memory_space<vmem>>) semaphore(%arg12 : memref<!tpu.dma_semaphore, #tpu.memory_space<semaphore_mem>>)
      %add3A_1072 = arith.constant 7 : i32
      %add3A_1073 = arith.addi %mul3A_889, %add3A_1072 : i32
      %add3A_1074 = arith.constant 15 : i32
      %add3A_1075 = arith.addi %mul3A_891, %add3A_1074 : i32
      %dma_start3A_1076 = arith.constant 0 : i32
      %dma_start3A_1077 = tpu.memref_slice %arg11[%add3A_1075, %dma_start3A_1076] : memref<512x128xf32, #tpu.memory_space<vmem>> -> memref<1x64xf32, #tpu.memory_space<vmem>>
      %dma_start3A_1078 = tpu.memref_squeeze %dma_start3A_1077 : memref<1x64xf32, #tpu.memory_space<vmem>> -> memref<64xf32, #tpu.memory_space<vmem>>
      %dma_start3A_1079 = arith.constant 64 : i32
      %dma_start3A_1080 = tpu.memref_slice %arg10[%add3A_1073, %dma_start3A_1079] : memref<256x128xi32, #tpu.memory_space<vmem>> -> memref<1x64xi32, #tpu.memory_space<vmem>>
      %dma_start3A_1081 = tpu.memref_squeeze %dma_start3A_1080 : memref<1x64xi32, #tpu.memory_space<vmem>> -> memref<64xi32, #tpu.memory_space<vmem>>
      %dma_start3A_1082 = arith.constant 0 : i32
      %dma_start3A_1083 = tpu.memref_slice %arg3[%dma_start3A_1082] : memref<4194304xf32, #tpu.memory_space<hbm>> -> memref<4194304xf32, #tpu.memory_space<hbm>>
      tpu.enqueue_indirect_dma source(%dma_start3A_1083 : memref<4194304xf32, #tpu.memory_space<hbm>>) target(%dma_start3A_1078 : memref<64xf32, #tpu.memory_space<vmem>>) offsets(%dma_start3A_1081 : memref<64xi32, #tpu.memory_space<vmem>>) semaphore(%arg12 : memref<!tpu.dma_semaphore, #tpu.memory_space<semaphore_mem>>)
    }
    %while3A_25 = arith.constant 1 : i32
    scf.for %while3A_38 = %while3A_23 to %while3A_19 step %while3A_25  : i32 {
      %mul3A_39 = arith.constant 16 : i32
      %mul3A_40 = arith.muli %while3A_38, %mul3A_39 : i32
      %get3A = arith.index_cast %mul3A_40 : i32 to index
      %get3A_41 = tpu.vector_load %arg7[%get3A] {strides = array<i32>} : memref<512xi32, #tpu.memory_space<vmem>>, vector<16xi32>,
      %shift_right_logical3A_42 = vector.broadcast %while3A : i32 to vector<16xi32>
      %shift_right_logical3A_43 = arith.shrui %get3A_41, %shift_right_logical3A_42 : vector<16xi32>
      %and3A_44 = vector.broadcast %while3A_12 : i32 to vector<16xi32>
      %and3A_45 = arith.andi %get3A_41, %and3A_44 : vector<16xi32>
      %gather3A = tpu.vector_load_idx %arg8[%shift_right_logical3A_43] : memref<1024xi32, #tpu.memory_space<vmem>>[vector<16xi32>], vector<16xi32>,
      %gather3A_46 = tpu.vector_load_idx %arg9[%and3A_45] : memref<1024xi32, #tpu.memory_space<vmem>>[vector<16xi32>], vector<16xi32>,
      %add3A_47 = arith.addi %gather3A, %gather3A_46 : vector<16xi32>
      %shift_right_arithmetic3A = vector.broadcast %while3A_13 : i32 to vector<16xi32>
      %shift_right_arithmetic3A_48 = arith.shrsi %add3A_47, %shift_right_arithmetic3A : vector<16xi32>
      %and3A_49 = vector.broadcast %while3A_14 : i32 to vector<16xi32>
      %and3A_50 = arith.andi %and3A_49, %shift_right_arithmetic3A_48 : vector<16xi32>
      %add3A_51 = arith.addi %add3A_47, %and3A_50 : vector<16xi32>
      %mul3A_52 = arith.constant 8 : i32
      %mul3A_53 = arith.muli %while3A_38, %mul3A_52 : i32
      %add3A_54 = vector.broadcast %mul3A_53 : i32 to vector<16xi32>
      %add3A_55 = arith.addi %shift_right_logical3A_6, %add3A_54 : vector<16xi32>
      %add3A_56 = arith.constant -1403745724 : i32
      %add3A_57 = vector.broadcast %add3A_56 : i32 to vector<16xi32>
      %add3A_58 = arith.addi %add3A_51, %add3A_57 : vector<16xi32>
      %shift_right_arithmetic3A_59 = vector.broadcast %while3A_13 : i32 to vector<16xi32>
      %shift_right_arithmetic3A_60 = arith.shrsi %add3A_58, %shift_right_arithmetic3A_59 : vector<16xi32>
      %and3A_61 = vector.broadcast %while3A_14 : i32 to vector<16xi32>
      %and3A_62 = arith.andi %and3A_61, %shift_right_arithmetic3A_60 : vector<16xi32>
      %add3A_63 = arith.addi %add3A_58, %and3A_62 : vector<16xi32>
      %and3A_64 = vector.broadcast %while3A_15 : i32 to vector<16xi32>
      %and3A_65 = arith.andi %add3A_63, %and3A_64 : vector<16xi32>
      %add3A_66 = arith.constant 0 : i32
      %add3A_67 = vector.broadcast %add3A_66 : i32 to vector<16xi32>
      %add3A_68 = arith.addi %mul3A_11, %add3A_67 : vector<16xi32>
      tpu.vector_store_idx %arg10[%add3A_55, %add3A_68], %and3A_65 : memref<256x128xi32, #tpu.memory_space<vmem>>[vector<16xi32>, vector<16xi32>], vector<16xi32>,
      %add3A_69 = arith.constant -1616568226 : i32
      %add3A_70 = vector.broadcast %add3A_69 : i32 to vector<16xi32>
      %add3A_71 = arith.addi %add3A_51, %add3A_70 : vector<16xi32>
      %shift_right_arithmetic3A_72 = vector.broadcast %while3A_13 : i32 to vector<16xi32>
      %shift_right_arithmetic3A_73 = arith.shrsi %add3A_71, %shift_right_arithmetic3A_72 : vector<16xi32>
      %and3A_74 = vector.broadcast %while3A_14 : i32 to vector<16xi32>
      %and3A_75 = arith.andi %and3A_74, %shift_right_arithmetic3A_73 : vector<16xi32>
      %add3A_76 = arith.addi %add3A_71, %and3A_75 : vector<16xi32>
      %and3A_77 = vector.broadcast %while3A_15 : i32 to vector<16xi32>
      %and3A_78 = arith.andi %add3A_76, %and3A_77 : vector<16xi32>
      %add3A_79 = arith.constant 1 : i32
      %add3A_80 = vector.broadcast %add3A_79 : i32 to vector<16xi32>
      %add3A_81 = arith.addi %mul3A_11, %add3A_80 : vector<16xi32>
      tpu.vector_store_idx %arg10[%add3A_55, %add3A_81], %and3A_78 : memref<256x128xi32, #tpu.memory_space<vmem>>[vector<16xi32>, vector<16xi32>], vector<16xi32>,
      %add3A_82 = arith.constant -1829390728 : i32
      %add3A_83 = vector.broadcast %add3A_82 : i32 to vector<16xi32>
      %add3A_84 = arith.addi %add3A_51, %add3A_83 : vector<16xi32>
      %shift_right_arithmetic3A_85 = vector.broadcast %while3A_13 : i32 to vector<16xi32>
      %shift_right_arithmetic3A_86 = arith.shrsi %add3A_84, %shift_right_arithmetic3A_85 : vector<16xi32>
      %and3A_87 = vector.broadcast %while3A_14 : i32 to vector<16xi32>
      %and3A_88 = arith.andi %and3A_87, %shift_right_arithmetic3A_86 : vector<16xi32>
      %add3A_89 = arith.addi %add3A_84, %and3A_88 : vector<16xi32>
      %and3A_90 = vector.broadcast %while3A_15 : i32 to vector<16xi32>
      %and3A_91 = arith.andi %add3A_89, %and3A_90 : vector<16xi32>
      %add3A_92 = arith.constant 2 : i32
      %add3A_93 = vector.broadcast %add3A_92 : i32 to vector<16xi32>
      %add3A_94 = arith.addi %mul3A_11, %add3A_93 : vector<16xi32>
      tpu.vector_store_idx %arg10[%add3A_55, %add3A_94], %and3A_91 : memref<256x128xi32, #tpu.memory_space<vmem>>[vector<16xi32>, vector<16xi32>], vector<16xi32>,
      %add3A_95 = arith.constant -4138487 : i32
      %add3A_96 = vector.broadcast %add3A_95 : i32 to vector<16xi32>
      %add3A_97 = arith.addi %add3A_51, %add3A_96 : vector<16xi32>
      %shift_right_arithmetic3A_98 = vector.broadcast %while3A_13 : i32 to vector<16xi32>
      %shift_right_arithmetic3A_99 = arith.shrsi %add3A_97, %shift_right_arithmetic3A_98 : vector<16xi32>
      %and3A_100 = vector.broadcast %while3A_14 : i32 to vector<16xi32>
      %and3A_101 = arith.andi %and3A_100, %shift_right_arithmetic3A_99 : vector<16xi32>
      %add3A_102 = arith.addi %add3A_97, %and3A_101 : vector<16xi32>
      %and3A_103 = vector.broadcast %while3A_15 : i32 to vector<16xi32>
      %and3A_104 = arith.andi %add3A_102, %and3A_103 : vector<16xi32>
      %add3A_105 = arith.constant 3 : i32
      %add3A_106 = vector.broadcast %add3A_105 : i32 to vector<16xi32>
      %add3A_107 = arith.addi %mul3A_11, %add3A_106 : vector<16xi32>
      tpu.vector_store_idx %arg10[%add3A_55, %add3A_107], %and3A_104 : memref<256x128xi32, #tpu.memory_space<vmem>>[vector<16xi32>, vector<16xi32>], vector<16xi32>,
      %add3A_108 = arith.constant -216960989 : i32
      %add3A_109 = vector.broadcast %add3A_108 : i32 to vector<16xi32>
      %add3A_110 = arith.addi %add3A_51, %add3A_109 : vector<16xi32>
      %shift_right_arithmetic3A_111 = vector.broadcast %while3A_13 : i32 to vector<16xi32>
      %shift_right_arithmetic3A_112 = arith.shrsi %add3A_110, %shift_right_arithmetic3A_111 : vector<16xi32>
      %and3A_113 = vector.broadcast %while3A_14 : i32 to vector<16xi32>
      %and3A_114 = arith.andi %and3A_113, %shift_right_arithmetic3A_112 : vector<16xi32>
      %add3A_115 = arith.addi %add3A_110, %and3A_114 : vector<16xi32>
      %and3A_116 = vector.broadcast %while3A_15 : i32 to vector<16xi32>
      %and3A_117 = arith.andi %add3A_115, %and3A_116 : vector<16xi32>
      %add3A_118 = arith.constant 4 : i32
      %add3A_119 = vector.broadcast %add3A_118 : i32 to vector<16xi32>
      %add3A_120 = arith.addi %mul3A_11, %add3A_119 : vector<16xi32>
      tpu.vector_store_idx %arg10[%add3A_55, %add3A_120], %and3A_117 : memref<256x128xi32, #tpu.memory_space<vmem>>[vector<16xi32>, vector<16xi32>], vector<16xi32>,
      %add3A_121 = arith.constant -429783491 : i32
      %add3A_122 = vector.broadcast %add3A_121 : i32 to vector<16xi32>
      %add3A_123 = arith.addi %add3A_51, %add3A_122 : vector<16xi32>
      %shift_right_arithmetic3A_124 = vector.broadcast %while3A_13 : i32 to vector<16xi32>
      %shift_right_arithmetic3A_125 = arith.shrsi %add3A_123, %shift_right_arithmetic3A_124 : vector<16xi32>
      %and3A_126 = vector.broadcast %while3A_14 : i32 to vector<16xi32>
      %and3A_127 = arith.andi %and3A_126, %shift_right_arithmetic3A_125 : vector<16xi32>
      %add3A_128 = arith.addi %add3A_123, %and3A_127 : vector<16xi32>
      %and3A_129 = vector.broadcast %while3A_15 : i32 to vector<16xi32>
      %and3A_130 = arith.andi %add3A_128, %and3A_129 : vector<16xi32>
      %add3A_131 = arith.constant 5 : i32
      %add3A_132 = vector.broadcast %add3A_131 : i32 to vector<16xi32>
      %add3A_133 = arith.addi %mul3A_11, %add3A_132 : vector<16xi32>
      tpu.vector_store_idx %arg10[%add3A_55, %add3A_133], %and3A_130 : memref<256x128xi32, #tpu.memory_space<vmem>>[vector<16xi32>, vector<16xi32>], vector<16xi32>,
      %add3A_134 = arith.constant -642605993 : i32
      %add3A_135 = vector.broadcast %add3A_134 : i32 to vector<16xi32>
      %add3A_136 = arith.addi %add3A_51, %add3A_135 : vector<16xi32>
      %shift_right_arithmetic3A_137 = vector.broadcast %while3A_13 : i32 to vector<16xi32>
      %shift_right_arithmetic3A_138 = arith.shrsi %add3A_136, %shift_right_arithmetic3A_137 : vector<16xi32>
      %and3A_139 = vector.broadcast %while3A_14 : i32 to vector<16xi32>
      %and3A_140 = arith.andi %and3A_139, %shift_right_arithmetic3A_138 : vector<16xi32>
      %add3A_141 = arith.addi %add3A_136, %and3A_140 : vector<16xi32>
      %and3A_142 = vector.broadcast %while3A_15 : i32 to vector<16xi32>
      %and3A_143 = arith.andi %add3A_141, %and3A_142 : vector<16xi32>
      %add3A_144 = arith.constant 6 : i32
      %add3A_145 = vector.broadcast %add3A_144 : i32 to vector<16xi32>
      %add3A_146 = arith.addi %mul3A_11, %add3A_145 : vector<16xi32>
      tpu.vector_store_idx %arg10[%add3A_55, %add3A_146], %and3A_143 : memref<256x128xi32, #tpu.memory_space<vmem>>[vector<16xi32>, vector<16xi32>], vector<16xi32>,
      %add3A_147 = arith.constant -855428495 : i32
      %add3A_148 = vector.broadcast %add3A_147 : i32 to vector<16xi32>
      %add3A_149 = arith.addi %add3A_51, %add3A_148 : vector<16xi32>
      %shift_right_arithmetic3A_150 = vector.broadcast %while3A_13 : i32 to vector<16xi32>
      %shift_right_arithmetic3A_151 = arith.shrsi %add3A_149, %shift_right_arithmetic3A_150 : vector<16xi32>
      %and3A_152 = vector.broadcast %while3A_14 : i32 to vector<16xi32>
      %and3A_153 = arith.andi %and3A_152, %shift_right_arithmetic3A_151 : vector<16xi32>
      %add3A_154 = arith.addi %add3A_149, %and3A_153 : vector<16xi32>
      %and3A_155 = vector.broadcast %while3A_15 : i32 to vector<16xi32>
      %and3A_156 = arith.andi %add3A_154, %and3A_155 : vector<16xi32>
      %add3A_157 = arith.constant 7 : i32
      %add3A_158 = vector.broadcast %add3A_157 : i32 to vector<16xi32>
      %add3A_159 = arith.addi %mul3A_11, %add3A_158 : vector<16xi32>
      tpu.vector_store_idx %arg10[%add3A_55, %add3A_159], %and3A_156 : memref<256x128xi32, #tpu.memory_space<vmem>>[vector<16xi32>, vector<16xi32>], vector<16xi32>,
      %add3A_160 = arith.constant -1068250997 : i32
      %add3A_161 = vector.broadcast %add3A_160 : i32 to vector<16xi32>
      %add3A_162 = arith.addi %add3A_51, %add3A_161 : vector<16xi32>
      %shift_right_arithmetic3A_163 = vector.broadcast %while3A_13 : i32 to vector<16xi32>
      %shift_right_arithmetic3A_164 = arith.shrsi %add3A_162, %shift_right_arithmetic3A_163 : vector<16xi32>
      %and3A_165 = vector.broadcast %while3A_14 : i32 to vector<16xi32>
      %and3A_166 = arith.andi %and3A_165, %shift_right_arithmetic3A_164 : vector<16xi32>
      %add3A_167 = arith.addi %add3A_162, %and3A_166 : vector<16xi32>
      %and3A_168 = vector.broadcast %while3A_15 : i32 to vector<16xi32>
      %and3A_169 = arith.andi %add3A_167, %and3A_168 : vector<16xi32>
      %add3A_170 = arith.constant 8 : i32
      %add3A_171 = vector.broadcast %add3A_170 : i32 to vector<16xi32>
      %add3A_172 = arith.addi %mul3A_11, %add3A_171 : vector<16xi32>
      tpu.vector_store_idx %arg10[%add3A_55, %add3A_172], %and3A_169 : memref<256x128xi32, #tpu.memory_space<vmem>>[vector<16xi32>, vector<16xi32>], vector<16xi32>,
      %add3A_173 = arith.constant -1281073499 : i32
      %add3A_174 = vector.broadcast %add3A_173 : i32 to vector<16xi32>
      %add3A_175 = arith.addi %add3A_51, %add3A_174 : vector<16xi32>
      %shift_right_arithmetic3A_176 = vector.broadcast %while3A_13 : i32 to vector<16xi32>
      %shift_right_arithmetic3A_177 = arith.shrsi %add3A_175, %shift_right_arithmetic3A_176 : vector<16xi32>
      %and3A_178 = vector.broadcast %while3A_14 : i32 to vector<16xi32>
      %and3A_179 = arith.andi %and3A_178, %shift_right_arithmetic3A_177 : vector<16xi32>
      %add3A_180 = arith.addi %add3A_175, %and3A_179 : vector<16xi32>
      %and3A_181 = vector.broadcast %while3A_15 : i32 to vector<16xi32>
      %and3A_182 = arith.andi %add3A_180, %and3A_181 : vector<16xi32>
      %add3A_183 = arith.constant 9 : i32
      %add3A_184 = vector.broadcast %add3A_183 : i32 to vector<16xi32>
      %add3A_185 = arith.addi %mul3A_11, %add3A_184 : vector<16xi32>
      tpu.vector_store_idx %arg10[%add3A_55, %add3A_185], %and3A_182 : memref<256x128xi32, #tpu.memory_space<vmem>>[vector<16xi32>, vector<16xi32>], vector<16xi32>,
      %add3A_186 = arith.constant -1493896001 : i32
      %add3A_187 = vector.broadcast %add3A_186 : i32 to vector<16xi32>
      %add3A_188 = arith.addi %add3A_51, %add3A_187 : vector<16xi32>
      %shift_right_arithmetic3A_189 = vector.broadcast %while3A_13 : i32 to vector<16xi32>
      %shift_right_arithmetic3A_190 = arith.shrsi %add3A_188, %shift_right_arithmetic3A_189 : vector<16xi32>
      %and3A_191 = vector.broadcast %while3A_14 : i32 to vector<16xi32>
      %and3A_192 = arith.andi %and3A_191, %shift_right_arithmetic3A_190 : vector<16xi32>
      %add3A_193 = arith.addi %add3A_188, %and3A_192 : vector<16xi32>
      %and3A_194 = vector.broadcast %while3A_15 : i32 to vector<16xi32>
      %and3A_195 = arith.andi %add3A_193, %and3A_194 : vector<16xi32>
      %add3A_196 = arith.constant 10 : i32
      %add3A_197 = vector.broadcast %add3A_196 : i32 to vector<16xi32>
      %add3A_198 = arith.addi %mul3A_11, %add3A_197 : vector<16xi32>
      tpu.vector_store_idx %arg10[%add3A_55, %add3A_198], %and3A_195 : memref<256x128xi32, #tpu.memory_space<vmem>>[vector<16xi32>, vector<16xi32>], vector<16xi32>,
      %add3A_199 = arith.constant -1706718503 : i32
      %add3A_200 = vector.broadcast %add3A_199 : i32 to vector<16xi32>
      %add3A_201 = arith.addi %add3A_51, %add3A_200 : vector<16xi32>
      %shift_right_arithmetic3A_202 = vector.broadcast %while3A_13 : i32 to vector<16xi32>
      %shift_right_arithmetic3A_203 = arith.shrsi %add3A_201, %shift_right_arithmetic3A_202 : vector<16xi32>
      %and3A_204 = vector.broadcast %while3A_14 : i32 to vector<16xi32>
      %and3A_205 = arith.andi %and3A_204, %shift_right_arithmetic3A_203 : vector<16xi32>
      %add3A_206 = arith.addi %add3A_201, %and3A_205 : vector<16xi32>
      %and3A_207 = vector.broadcast %while3A_15 : i32 to vector<16xi32>
      %and3A_208 = arith.andi %add3A_206, %and3A_207 : vector<16xi32>
      %add3A_209 = arith.constant 11 : i32
      %add3A_210 = vector.broadcast %add3A_209 : i32 to vector<16xi32>
      %add3A_211 = arith.addi %mul3A_11, %add3A_210 : vector<16xi32>
      tpu.vector_store_idx %arg10[%add3A_55, %add3A_211], %and3A_208 : memref<256x128xi32, #tpu.memory_space<vmem>>[vector<16xi32>, vector<16xi32>], vector<16xi32>,
      %add3A_212 = arith.constant -1919541005 : i32
      %add3A_213 = vector.broadcast %add3A_212 : i32 to vector<16xi32>
      %add3A_214 = arith.addi %add3A_51, %add3A_213 : vector<16xi32>
      %shift_right_arithmetic3A_215 = vector.broadcast %while3A_13 : i32 to vector<16xi32>
      %shift_right_arithmetic3A_216 = arith.shrsi %add3A_214, %shift_right_arithmetic3A_215 : vector<16xi32>
      %and3A_217 = vector.broadcast %while3A_14 : i32 to vector<16xi32>
      %and3A_218 = arith.andi %and3A_217, %shift_right_arithmetic3A_216 : vector<16xi32>
      %add3A_219 = arith.addi %add3A_214, %and3A_218 : vector<16xi32>
      %and3A_220 = vector.broadcast %while3A_15 : i32 to vector<16xi32>
      %and3A_221 = arith.andi %add3A_219, %and3A_220 : vector<16xi32>
      %add3A_222 = arith.constant 12 : i32
      %add3A_223 = vector.broadcast %add3A_222 : i32 to vector<16xi32>
      %add3A_224 = arith.addi %mul3A_11, %add3A_223 : vector<16xi32>
      tpu.vector_store_idx %arg10[%add3A_55, %add3A_224], %and3A_221 : memref<256x128xi32, #tpu.memory_space<vmem>>[vector<16xi32>, vector<16xi32>], vector<16xi32>,
      %add3A_225 = arith.constant -94288764 : i32
      %add3A_226 = vector.broadcast %add3A_225 : i32 to vector<16xi32>
      %add3A_227 = arith.addi %add3A_51, %add3A_226 : vector<16xi32>
      %shift_right_arithmetic3A_228 = vector.broadcast %while3A_13 : i32 to vector<16xi32>
      %shift_right_arithmetic3A_229 = arith.shrsi %add3A_227, %shift_right_arithmetic3A_228 : vector<16xi32>
      %and3A_230 = vector.broadcast %while3A_14 : i32 to vector<16xi32>
      %and3A_231 = arith.andi %and3A_230, %shift_right_arithmetic3A_229 : vector<16xi32>
      %add3A_232 = arith.addi %add3A_227, %and3A_231 : vector<16xi32>
      %and3A_233 = vector.broadcast %while3A_15 : i32 to vector<16xi32>
      %and3A_234 = arith.andi %add3A_232, %and3A_233 : vector<16xi32>
      %add3A_235 = arith.constant 13 : i32
      %add3A_236 = vector.broadcast %add3A_235 : i32 to vector<16xi32>
      %add3A_237 = arith.addi %mul3A_11, %add3A_236 : vector<16xi32>
      tpu.vector_store_idx %arg10[%add3A_55, %add3A_237], %and3A_234 : memref<256x128xi32, #tpu.memory_space<vmem>>[vector<16xi32>, vector<16xi32>], vector<16xi32>,
      %add3A_238 = arith.constant -307111266 : i32
      %add3A_239 = vector.broadcast %add3A_238 : i32 to vector<16xi32>
      %add3A_240 = arith.addi %add3A_51, %add3A_239 : vector<16xi32>
      %shift_right_arithmetic3A_241 = vector.broadcast %while3A_13 : i32 to vector<16xi32>
      %shift_right_arithmetic3A_242 = arith.shrsi %add3A_240, %shift_right_arithmetic3A_241 : vector<16xi32>
      %and3A_243 = vector.broadcast %while3A_14 : i32 to vector<16xi32>
      %and3A_244 = arith.andi %and3A_243, %shift_right_arithmetic3A_242 : vector<16xi32>
      %add3A_245 = arith.addi %add3A_240, %and3A_244 : vector<16xi32>
      %and3A_246 = vector.broadcast %while3A_15 : i32 to vector<16xi32>
      %and3A_247 = arith.andi %add3A_245, %and3A_246 : vector<16xi32>
      %add3A_248 = arith.constant 14 : i32
      %add3A_249 = vector.broadcast %add3A_248 : i32 to vector<16xi32>
      %add3A_250 = arith.addi %mul3A_11, %add3A_249 : vector<16xi32>
      tpu.vector_store_idx %arg10[%add3A_55, %add3A_250], %and3A_247 : memref<256x128xi32, #tpu.memory_space<vmem>>[vector<16xi32>, vector<16xi32>], vector<16xi32>,
      %add3A_251 = arith.constant -519933768 : i32
      %add3A_252 = vector.broadcast %add3A_251 : i32 to vector<16xi32>
      %add3A_253 = arith.addi %add3A_51, %add3A_252 : vector<16xi32>
      %shift_right_arithmetic3A_254 = vector.broadcast %while3A_13 : i32 to vector<16xi32>
      %shift_right_arithmetic3A_255 = arith.shrsi %add3A_253, %shift_right_arithmetic3A_254 : vector<16xi32>
      %and3A_256 = vector.broadcast %while3A_14 : i32 to vector<16xi32>
      %and3A_257 = arith.andi %and3A_256, %shift_right_arithmetic3A_255 : vector<16xi32>
      %add3A_258 = arith.addi %add3A_253, %and3A_257 : vector<16xi32>
      %and3A_259 = vector.broadcast %while3A_15 : i32 to vector<16xi32>
      %and3A_260 = arith.andi %add3A_258, %and3A_259 : vector<16xi32>
      %add3A_261 = arith.constant 15 : i32
      %add3A_262 = vector.broadcast %add3A_261 : i32 to vector<16xi32>
      %add3A_263 = arith.addi %mul3A_11, %add3A_262 : vector<16xi32>
      tpu.vector_store_idx %arg10[%add3A_55, %add3A_263], %and3A_260 : memref<256x128xi32, #tpu.memory_space<vmem>>[vector<16xi32>, vector<16xi32>], vector<16xi32>,
      %add3A_264 = arith.constant -732756270 : i32
      %add3A_265 = vector.broadcast %add3A_264 : i32 to vector<16xi32>
      %add3A_266 = arith.addi %add3A_51, %add3A_265 : vector<16xi32>
      %shift_right_arithmetic3A_267 = vector.broadcast %while3A_13 : i32 to vector<16xi32>
      %shift_right_arithmetic3A_268 = arith.shrsi %add3A_266, %shift_right_arithmetic3A_267 : vector<16xi32>
      %and3A_269 = vector.broadcast %while3A_14 : i32 to vector<16xi32>
      %and3A_270 = arith.andi %and3A_269, %shift_right_arithmetic3A_268 : vector<16xi32>
      %add3A_271 = arith.addi %add3A_266, %and3A_270 : vector<16xi32>
      %and3A_272 = vector.broadcast %while3A_15 : i32 to vector<16xi32>
      %and3A_273 = arith.andi %add3A_271, %and3A_272 : vector<16xi32>
      %add3A_274 = arith.constant 16 : i32
      %add3A_275 = vector.broadcast %add3A_274 : i32 to vector<16xi32>
      %add3A_276 = arith.addi %mul3A_11, %add3A_275 : vector<16xi32>
      tpu.vector_store_idx %arg10[%add3A_55, %add3A_276], %and3A_273 : memref<256x128xi32, #tpu.memory_space<vmem>>[vector<16xi32>, vector<16xi32>], vector<16xi32>,
      %add3A_277 = arith.constant -945578772 : i32
      %add3A_278 = vector.broadcast %add3A_277 : i32 to vector<16xi32>
      %add3A_279 = arith.addi %add3A_51, %add3A_278 : vector<16xi32>
      %shift_right_arithmetic3A_280 = vector.broadcast %while3A_13 : i32 to vector<16xi32>
      %shift_right_arithmetic3A_281 = arith.shrsi %add3A_279, %shift_right_arithmetic3A_280 : vector<16xi32>
      %and3A_282 = vector.broadcast %while3A_14 : i32 to vector<16xi32>
      %and3A_283 = arith.andi %and3A_282, %shift_right_arithmetic3A_281 : vector<16xi32>
      %add3A_284 = arith.addi %add3A_279, %and3A_283 : vector<16xi32>
      %and3A_285 = vector.broadcast %while3A_15 : i32 to vector<16xi32>
      %and3A_286 = arith.andi %add3A_284, %and3A_285 : vector<16xi32>
      %add3A_287 = arith.constant 17 : i32
      %add3A_288 = vector.broadcast %add3A_287 : i32 to vector<16xi32>
      %add3A_289 = arith.addi %mul3A_11, %add3A_288 : vector<16xi32>
      tpu.vector_store_idx %arg10[%add3A_55, %add3A_289], %and3A_286 : memref<256x128xi32, #tpu.memory_space<vmem>>[vector<16xi32>, vector<16xi32>], vector<16xi32>,
      %add3A_290 = arith.constant -1158401274 : i32
      %add3A_291 = vector.broadcast %add3A_290 : i32 to vector<16xi32>
      %add3A_292 = arith.addi %add3A_51, %add3A_291 : vector<16xi32>
      %shift_right_arithmetic3A_293 = vector.broadcast %while3A_13 : i32 to vector<16xi32>
      %shift_right_arithmetic3A_294 = arith.shrsi %add3A_292, %shift_right_arithmetic3A_293 : vector<16xi32>
      %and3A_295 = vector.broadcast %while3A_14 : i32 to vector<16xi32>
      %and3A_296 = arith.andi %and3A_295, %shift_right_arithmetic3A_294 : vector<16xi32>
      %add3A_297 = arith.addi %add3A_292, %and3A_296 : vector<16xi32>
      %and3A_298 = vector.broadcast %while3A_15 : i32 to vector<16xi32>
      %and3A_299 = arith.andi %add3A_297, %and3A_298 : vector<16xi32>
      %add3A_300 = arith.constant 18 : i32
      %add3A_301 = vector.broadcast %add3A_300 : i32 to vector<16xi32>
      %add3A_302 = arith.addi %mul3A_11, %add3A_301 : vector<16xi32>
      tpu.vector_store_idx %arg10[%add3A_55, %add3A_302], %and3A_299 : memref<256x128xi32, #tpu.memory_space<vmem>>[vector<16xi32>, vector<16xi32>], vector<16xi32>,
      %add3A_303 = arith.constant -1371223776 : i32
      %add3A_304 = vector.broadcast %add3A_303 : i32 to vector<16xi32>
      %add3A_305 = arith.addi %add3A_51, %add3A_304 : vector<16xi32>
      %shift_right_arithmetic3A_306 = vector.broadcast %while3A_13 : i32 to vector<16xi32>
      %shift_right_arithmetic3A_307 = arith.shrsi %add3A_305, %shift_right_arithmetic3A_306 : vector<16xi32>
      %and3A_308 = vector.broadcast %while3A_14 : i32 to vector<16xi32>
      %and3A_309 = arith.andi %and3A_308, %shift_right_arithmetic3A_307 : vector<16xi32>
      %add3A_310 = arith.addi %add3A_305, %and3A_309 : vector<16xi32>
      %and3A_311 = vector.broadcast %while3A_15 : i32 to vector<16xi32>
      %and3A_312 = arith.andi %add3A_310, %and3A_311 : vector<16xi32>
      %add3A_313 = arith.constant 19 : i32
      %add3A_314 = vector.broadcast %add3A_313 : i32 to vector<16xi32>
      %add3A_315 = arith.addi %mul3A_11, %add3A_314 : vector<16xi32>
      tpu.vector_store_idx %arg10[%add3A_55, %add3A_315], %and3A_312 : memref<256x128xi32, #tpu.memory_space<vmem>>[vector<16xi32>, vector<16xi32>], vector<16xi32>,
      %add3A_316 = arith.constant -1584046278 : i32
      %add3A_317 = vector.broadcast %add3A_316 : i32 to vector<16xi32>
      %add3A_318 = arith.addi %add3A_51, %add3A_317 : vector<16xi32>
      %shift_right_arithmetic3A_319 = vector.broadcast %while3A_13 : i32 to vector<16xi32>
      %shift_right_arithmetic3A_320 = arith.shrsi %add3A_318, %shift_right_arithmetic3A_319 : vector<16xi32>
      %and3A_321 = vector.broadcast %while3A_14 : i32 to vector<16xi32>
      %and3A_322 = arith.andi %and3A_321, %shift_right_arithmetic3A_320 : vector<16xi32>
      %add3A_323 = arith.addi %add3A_318, %and3A_322 : vector<16xi32>
      %and3A_324 = vector.broadcast %while3A_15 : i32 to vector<16xi32>
      %and3A_325 = arith.andi %add3A_323, %and3A_324 : vector<16xi32>
      %add3A_326 = arith.constant 20 : i32
      %add3A_327 = vector.broadcast %add3A_326 : i32 to vector<16xi32>
      %add3A_328 = arith.addi %mul3A_11, %add3A_327 : vector<16xi32>
      tpu.vector_store_idx %arg10[%add3A_55, %add3A_328], %and3A_325 : memref<256x128xi32, #tpu.memory_space<vmem>>[vector<16xi32>, vector<16xi32>], vector<16xi32>,
      %add3A_329 = arith.constant -1796868780 : i32
      %add3A_330 = vector.broadcast %add3A_329 : i32 to vector<16xi32>
      %add3A_331 = arith.addi %add3A_51, %add3A_330 : vector<16xi32>
      %shift_right_arithmetic3A_332 = vector.broadcast %while3A_13 : i32 to vector<16xi32>
      %shift_right_arithmetic3A_333 = arith.shrsi %add3A_331, %shift_right_arithmetic3A_332 : vector<16xi32>
      %and3A_334 = vector.broadcast %while3A_14 : i32 to vector<16xi32>
      %and3A_335 = arith.andi %and3A_334, %shift_right_arithmetic3A_333 : vector<16xi32>
      %add3A_336 = arith.addi %add3A_331, %and3A_335 : vector<16xi32>
      %and3A_337 = vector.broadcast %while3A_15 : i32 to vector<16xi32>
      %and3A_338 = arith.andi %add3A_336, %and3A_337 : vector<16xi32>
      %add3A_339 = arith.constant 21 : i32
      %add3A_340 = vector.broadcast %add3A_339 : i32 to vector<16xi32>
      %add3A_341 = arith.addi %mul3A_11, %add3A_340 : vector<16xi32>
      tpu.vector_store_idx %arg10[%add3A_55, %add3A_341], %and3A_338 : memref<256x128xi32, #tpu.memory_space<vmem>>[vector<16xi32>, vector<16xi32>], vector<16xi32>,
      %add3A_342 = arith.constant -2009691282 : i32
      %add3A_343 = vector.broadcast %add3A_342 : i32 to vector<16xi32>
      %add3A_344 = arith.addi %add3A_51, %add3A_343 : vector<16xi32>
      %shift_right_arithmetic3A_345 = vector.broadcast %while3A_13 : i32 to vector<16xi32>
      %shift_right_arithmetic3A_346 = arith.shrsi %add3A_344, %shift_right_arithmetic3A_345 : vector<16xi32>
      %and3A_347 = vector.broadcast %while3A_14 : i32 to vector<16xi32>
      %and3A_348 = arith.andi %and3A_347, %shift_right_arithmetic3A_346 : vector<16xi32>
      %add3A_349 = arith.addi %add3A_344, %and3A_348 : vector<16xi32>
      %and3A_350 = vector.broadcast %while3A_15 : i32 to vector<16xi32>
      %and3A_351 = arith.andi %add3A_349, %and3A_350 : vector<16xi32>
      %add3A_352 = arith.constant 22 : i32
      %add3A_353 = vector.broadcast %add3A_352 : i32 to vector<16xi32>
      %add3A_354 = arith.addi %mul3A_11, %add3A_353 : vector<16xi32>
      tpu.vector_store_idx %arg10[%add3A_55, %add3A_354], %and3A_351 : memref<256x128xi32, #tpu.memory_space<vmem>>[vector<16xi32>, vector<16xi32>], vector<16xi32>,
      %add3A_355 = arith.constant -184439041 : i32
      %add3A_356 = vector.broadcast %add3A_355 : i32 to vector<16xi32>
      %add3A_357 = arith.addi %add3A_51, %add3A_356 : vector<16xi32>
      %shift_right_arithmetic3A_358 = vector.broadcast %while3A_13 : i32 to vector<16xi32>
      %shift_right_arithmetic3A_359 = arith.shrsi %add3A_357, %shift_right_arithmetic3A_358 : vector<16xi32>
      %and3A_360 = vector.broadcast %while3A_14 : i32 to vector<16xi32>
      %and3A_361 = arith.andi %and3A_360, %shift_right_arithmetic3A_359 : vector<16xi32>
      %add3A_362 = arith.addi %add3A_357, %and3A_361 : vector<16xi32>
      %and3A_363 = vector.broadcast %while3A_15 : i32 to vector<16xi32>
      %and3A_364 = arith.andi %add3A_362, %and3A_363 : vector<16xi32>
      %add3A_365 = arith.constant 23 : i32
      %add3A_366 = vector.broadcast %add3A_365 : i32 to vector<16xi32>
      %add3A_367 = arith.addi %mul3A_11, %add3A_366 : vector<16xi32>
      tpu.vector_store_idx %arg10[%add3A_55, %add3A_367], %and3A_364 : memref<256x128xi32, #tpu.memory_space<vmem>>[vector<16xi32>, vector<16xi32>], vector<16xi32>,
      %add3A_368 = arith.constant -397261543 : i32
      %add3A_369 = vector.broadcast %add3A_368 : i32 to vector<16xi32>
      %add3A_370 = arith.addi %add3A_51, %add3A_369 : vector<16xi32>
      %shift_right_arithmetic3A_371 = vector.broadcast %while3A_13 : i32 to vector<16xi32>
      %shift_right_arithmetic3A_372 = arith.shrsi %add3A_370, %shift_right_arithmetic3A_371 : vector<16xi32>
      %and3A_373 = vector.broadcast %while3A_14 : i32 to vector<16xi32>
      %and3A_374 = arith.andi %and3A_373, %shift_right_arithmetic3A_372 : vector<16xi32>
      %add3A_375 = arith.addi %add3A_370, %and3A_374 : vector<16xi32>
      %and3A_376 = vector.broadcast %while3A_15 : i32 to vector<16xi32>
      %and3A_377 = arith.andi %add3A_375, %and3A_376 : vector<16xi32>
      %add3A_378 = arith.constant 24 : i32
      %add3A_379 = vector.broadcast %add3A_378 : i32 to vector<16xi32>
      %add3A_380 = arith.addi %mul3A_11, %add3A_379 : vector<16xi32>
      tpu.vector_store_idx %arg10[%add3A_55, %add3A_380], %and3A_377 : memref<256x128xi32, #tpu.memory_space<vmem>>[vector<16xi32>, vector<16xi32>], vector<16xi32>,
      %add3A_381 = arith.constant -610084045 : i32
      %add3A_382 = vector.broadcast %add3A_381 : i32 to vector<16xi32>
      %add3A_383 = arith.addi %add3A_51, %add3A_382 : vector<16xi32>
      %shift_right_arithmetic3A_384 = vector.broadcast %while3A_13 : i32 to vector<16xi32>
      %shift_right_arithmetic3A_385 = arith.shrsi %add3A_383, %shift_right_arithmetic3A_384 : vector<16xi32>
      %and3A_386 = vector.broadcast %while3A_14 : i32 to vector<16xi32>
      %and3A_387 = arith.andi %and3A_386, %shift_right_arithmetic3A_385 : vector<16xi32>
      %add3A_388 = arith.addi %add3A_383, %and3A_387 : vector<16xi32>
      %and3A_389 = vector.broadcast %while3A_15 : i32 to vector<16xi32>
      %and3A_390 = arith.andi %add3A_388, %and3A_389 : vector<16xi32>
      %add3A_391 = arith.constant 25 : i32
      %add3A_392 = vector.broadcast %add3A_391 : i32 to vector<16xi32>
      %add3A_393 = arith.addi %mul3A_11, %add3A_392 : vector<16xi32>
      tpu.vector_store_idx %arg10[%add3A_55, %add3A_393], %and3A_390 : memref<256x128xi32, #tpu.memory_space<vmem>>[vector<16xi32>, vector<16xi32>], vector<16xi32>,
      %add3A_394 = arith.constant -822906547 : i32
      %add3A_395 = vector.broadcast %add3A_394 : i32 to vector<16xi32>
      %add3A_396 = arith.addi %add3A_51, %add3A_395 : vector<16xi32>
      %shift_right_arithmetic3A_397 = vector.broadcast %while3A_13 : i32 to vector<16xi32>
      %shift_right_arithmetic3A_398 = arith.shrsi %add3A_396, %shift_right_arithmetic3A_397 : vector<16xi32>
      %and3A_399 = vector.broadcast %while3A_14 : i32 to vector<16xi32>
      %and3A_400 = arith.andi %and3A_399, %shift_right_arithmetic3A_398 : vector<16xi32>
      %add3A_401 = arith.addi %add3A_396, %and3A_400 : vector<16xi32>
      %and3A_402 = vector.broadcast %while3A_15 : i32 to vector<16xi32>
      %and3A_403 = arith.andi %add3A_401, %and3A_402 : vector<16xi32>
      %add3A_404 = arith.constant 26 : i32
      %add3A_405 = vector.broadcast %add3A_404 : i32 to vector<16xi32>
      %add3A_406 = arith.addi %mul3A_11, %add3A_405 : vector<16xi32>
      tpu.vector_store_idx %arg10[%add3A_55, %add3A_406], %and3A_403 : memref<256x128xi32, #tpu.memory_space<vmem>>[vector<16xi32>, vector<16xi32>], vector<16xi32>,
      %add3A_407 = arith.constant -1035729049 : i32
      %add3A_408 = vector.broadcast %add3A_407 : i32 to vector<16xi32>
      %add3A_409 = arith.addi %add3A_51, %add3A_408 : vector<16xi32>
      %shift_right_arithmetic3A_410 = vector.broadcast %while3A_13 : i32 to vector<16xi32>
      %shift_right_arithmetic3A_411 = arith.shrsi %add3A_409, %shift_right_arithmetic3A_410 : vector<16xi32>
      %and3A_412 = vector.broadcast %while3A_14 : i32 to vector<16xi32>
      %and3A_413 = arith.andi %and3A_412, %shift_right_arithmetic3A_411 : vector<16xi32>
      %add3A_414 = arith.addi %add3A_409, %and3A_413 : vector<16xi32>
      %and3A_415 = vector.broadcast %while3A_15 : i32 to vector<16xi32>
      %and3A_416 = arith.andi %add3A_414, %and3A_415 : vector<16xi32>
      %add3A_417 = arith.constant 27 : i32
      %add3A_418 = vector.broadcast %add3A_417 : i32 to vector<16xi32>
      %add3A_419 = arith.addi %mul3A_11, %add3A_418 : vector<16xi32>
      tpu.vector_store_idx %arg10[%add3A_55, %add3A_419], %and3A_416 : memref<256x128xi32, #tpu.memory_space<vmem>>[vector<16xi32>, vector<16xi32>], vector<16xi32>,
      %add3A_420 = arith.constant -1248551551 : i32
      %add3A_421 = vector.broadcast %add3A_420 : i32 to vector<16xi32>
      %add3A_422 = arith.addi %add3A_51, %add3A_421 : vector<16xi32>
      %shift_right_arithmetic3A_423 = vector.broadcast %while3A_13 : i32 to vector<16xi32>
      %shift_right_arithmetic3A_424 = arith.shrsi %add3A_422, %shift_right_arithmetic3A_423 : vector<16xi32>
      %and3A_425 = vector.broadcast %while3A_14 : i32 to vector<16xi32>
      %and3A_426 = arith.andi %and3A_425, %shift_right_arithmetic3A_424 : vector<16xi32>
      %add3A_427 = arith.addi %add3A_422, %and3A_426 : vector<16xi32>
      %and3A_428 = vector.broadcast %while3A_15 : i32 to vector<16xi32>
      %and3A_429 = arith.andi %add3A_427, %and3A_428 : vector<16xi32>
      %add3A_430 = arith.constant 28 : i32
      %add3A_431 = vector.broadcast %add3A_430 : i32 to vector<16xi32>
      %add3A_432 = arith.addi %mul3A_11, %add3A_431 : vector<16xi32>
      tpu.vector_store_idx %arg10[%add3A_55, %add3A_432], %and3A_429 : memref<256x128xi32, #tpu.memory_space<vmem>>[vector<16xi32>, vector<16xi32>], vector<16xi32>,
      %add3A_433 = arith.constant -1461374053 : i32
      %add3A_434 = vector.broadcast %add3A_433 : i32 to vector<16xi32>
      %add3A_435 = arith.addi %add3A_51, %add3A_434 : vector<16xi32>
      %shift_right_arithmetic3A_436 = vector.broadcast %while3A_13 : i32 to vector<16xi32>
      %shift_right_arithmetic3A_437 = arith.shrsi %add3A_435, %shift_right_arithmetic3A_436 : vector<16xi32>
      %and3A_438 = vector.broadcast %while3A_14 : i32 to vector<16xi32>
      %and3A_439 = arith.andi %and3A_438, %shift_right_arithmetic3A_437 : vector<16xi32>
      %add3A_440 = arith.addi %add3A_435, %and3A_439 : vector<16xi32>
      %and3A_441 = vector.broadcast %while3A_15 : i32 to vector<16xi32>
      %and3A_442 = arith.andi %add3A_440, %and3A_441 : vector<16xi32>
      %add3A_443 = arith.constant 29 : i32
      %add3A_444 = vector.broadcast %add3A_443 : i32 to vector<16xi32>
      %add3A_445 = arith.addi %mul3A_11, %add3A_444 : vector<16xi32>
      tpu.vector_store_idx %arg10[%add3A_55, %add3A_445], %and3A_442 : memref<256x128xi32, #tpu.memory_space<vmem>>[vector<16xi32>, vector<16xi32>], vector<16xi32>,
      %add3A_446 = arith.constant -1674196555 : i32
      %add3A_447 = vector.broadcast %add3A_446 : i32 to vector<16xi32>
      %add3A_448 = arith.addi %add3A_51, %add3A_447 : vector<16xi32>
      %shift_right_arithmetic3A_449 = vector.broadcast %while3A_13 : i32 to vector<16xi32>
      %shift_right_arithmetic3A_450 = arith.shrsi %add3A_448, %shift_right_arithmetic3A_449 : vector<16xi32>
      %and3A_451 = vector.broadcast %while3A_14 : i32 to vector<16xi32>
      %and3A_452 = arith.andi %and3A_451, %shift_right_arithmetic3A_450 : vector<16xi32>
      %add3A_453 = arith.addi %add3A_448, %and3A_452 : vector<16xi32>
      %and3A_454 = vector.broadcast %while3A_15 : i32 to vector<16xi32>
      %and3A_455 = arith.andi %add3A_453, %and3A_454 : vector<16xi32>
      %add3A_456 = arith.constant 30 : i32
      %add3A_457 = vector.broadcast %add3A_456 : i32 to vector<16xi32>
      %add3A_458 = arith.addi %mul3A_11, %add3A_457 : vector<16xi32>
      tpu.vector_store_idx %arg10[%add3A_55, %add3A_458], %and3A_455 : memref<256x128xi32, #tpu.memory_space<vmem>>[vector<16xi32>, vector<16xi32>], vector<16xi32>,
      %add3A_459 = arith.constant -1887019057 : i32
      %add3A_460 = vector.broadcast %add3A_459 : i32 to vector<16xi32>
      %add3A_461 = arith.addi %add3A_51, %add3A_460 : vector<16xi32>
      %shift_right_arithmetic3A_462 = vector.broadcast %while3A_13 : i32 to vector<16xi32>
      %shift_right_arithmetic3A_463 = arith.shrsi %add3A_461, %shift_right_arithmetic3A_462 : vector<16xi32>
      %and3A_464 = vector.broadcast %while3A_14 : i32 to vector<16xi32>
      %and3A_465 = arith.andi %and3A_464, %shift_right_arithmetic3A_463 : vector<16xi32>
      %add3A_466 = arith.addi %add3A_461, %and3A_465 : vector<16xi32>
      %and3A_467 = vector.broadcast %while3A_15 : i32 to vector<16xi32>
      %and3A_468 = arith.andi %add3A_466, %and3A_467 : vector<16xi32>
      %add3A_469 = arith.constant 31 : i32
      %add3A_470 = vector.broadcast %add3A_469 : i32 to vector<16xi32>
      %add3A_471 = arith.addi %mul3A_11, %add3A_470 : vector<16xi32>
      tpu.vector_store_idx %arg10[%add3A_55, %add3A_471], %and3A_468 : memref<256x128xi32, #tpu.memory_space<vmem>>[vector<16xi32>, vector<16xi32>], vector<16xi32>,
      %add3A_472 = arith.constant -61766816 : i32
      %add3A_473 = vector.broadcast %add3A_472 : i32 to vector<16xi32>
      %add3A_474 = arith.addi %add3A_51, %add3A_473 : vector<16xi32>
      %shift_right_arithmetic3A_475 = vector.broadcast %while3A_13 : i32 to vector<16xi32>
      %shift_right_arithmetic3A_476 = arith.shrsi %add3A_474, %shift_right_arithmetic3A_475 : vector<16xi32>
      %and3A_477 = vector.broadcast %while3A_14 : i32 to vector<16xi32>
      %and3A_478 = arith.andi %and3A_477, %shift_right_arithmetic3A_476 : vector<16xi32>
      %add3A_479 = arith.addi %add3A_474, %and3A_478 : vector<16xi32>
      %and3A_480 = vector.broadcast %while3A_15 : i32 to vector<16xi32>
      %and3A_481 = arith.andi %add3A_479, %and3A_480 : vector<16xi32>
      %add3A_482 = arith.constant 32 : i32
      %add3A_483 = vector.broadcast %add3A_482 : i32 to vector<16xi32>
      %add3A_484 = arith.addi %mul3A_11, %add3A_483 : vector<16xi32>
      tpu.vector_store_idx %arg10[%add3A_55, %add3A_484], %and3A_481 : memref<256x128xi32, #tpu.memory_space<vmem>>[vector<16xi32>, vector<16xi32>], vector<16xi32>,
      %add3A_485 = arith.constant -274589318 : i32
      %add3A_486 = vector.broadcast %add3A_485 : i32 to vector<16xi32>
      %add3A_487 = arith.addi %add3A_51, %add3A_486 : vector<16xi32>
      %shift_right_arithmetic3A_488 = vector.broadcast %while3A_13 : i32 to vector<16xi32>
      %shift_right_arithmetic3A_489 = arith.shrsi %add3A_487, %shift_right_arithmetic3A_488 : vector<16xi32>
      %and3A_490 = vector.broadcast %while3A_14 : i32 to vector<16xi32>
      %and3A_491 = arith.andi %and3A_490, %shift_right_arithmetic3A_489 : vector<16xi32>
      %add3A_492 = arith.addi %add3A_487, %and3A_491 : vector<16xi32>
      %and3A_493 = vector.broadcast %while3A_15 : i32 to vector<16xi32>
      %and3A_494 = arith.andi %add3A_492, %and3A_493 : vector<16xi32>
      %add3A_495 = arith.constant 33 : i32
      %add3A_496 = vector.broadcast %add3A_495 : i32 to vector<16xi32>
      %add3A_497 = arith.addi %mul3A_11, %add3A_496 : vector<16xi32>
      tpu.vector_store_idx %arg10[%add3A_55, %add3A_497], %and3A_494 : memref<256x128xi32, #tpu.memory_space<vmem>>[vector<16xi32>, vector<16xi32>], vector<16xi32>,
      %add3A_498 = arith.constant -487411820 : i32
      %add3A_499 = vector.broadcast %add3A_498 : i32 to vector<16xi32>
      %add3A_500 = arith.addi %add3A_51, %add3A_499 : vector<16xi32>
      %shift_right_arithmetic3A_501 = vector.broadcast %while3A_13 : i32 to vector<16xi32>
      %shift_right_arithmetic3A_502 = arith.shrsi %add3A_500, %shift_right_arithmetic3A_501 : vector<16xi32>
      %and3A_503 = vector.broadcast %while3A_14 : i32 to vector<16xi32>
      %and3A_504 = arith.andi %and3A_503, %shift_right_arithmetic3A_502 : vector<16xi32>
      %add3A_505 = arith.addi %add3A_500, %and3A_504 : vector<16xi32>
      %and3A_506 = vector.broadcast %while3A_15 : i32 to vector<16xi32>
      %and3A_507 = arith.andi %add3A_505, %and3A_506 : vector<16xi32>
      %add3A_508 = arith.constant 34 : i32
      %add3A_509 = vector.broadcast %add3A_508 : i32 to vector<16xi32>
      %add3A_510 = arith.addi %mul3A_11, %add3A_509 : vector<16xi32>
      tpu.vector_store_idx %arg10[%add3A_55, %add3A_510], %and3A_507 : memref<256x128xi32, #tpu.memory_space<vmem>>[vector<16xi32>, vector<16xi32>], vector<16xi32>,
      %add3A_511 = arith.constant -700234322 : i32
      %add3A_512 = vector.broadcast %add3A_511 : i32 to vector<16xi32>
      %add3A_513 = arith.addi %add3A_51, %add3A_512 : vector<16xi32>
      %shift_right_arithmetic3A_514 = vector.broadcast %while3A_13 : i32 to vector<16xi32>
      %shift_right_arithmetic3A_515 = arith.shrsi %add3A_513, %shift_right_arithmetic3A_514 : vector<16xi32>
      %and3A_516 = vector.broadcast %while3A_14 : i32 to vector<16xi32>
      %and3A_517 = arith.andi %and3A_516, %shift_right_arithmetic3A_515 : vector<16xi32>
      %add3A_518 = arith.addi %add3A_513, %and3A_517 : vector<16xi32>
      %and3A_519 = vector.broadcast %while3A_15 : i32 to vector<16xi32>
      %and3A_520 = arith.andi %add3A_518, %and3A_519 : vector<16xi32>
      %add3A_521 = arith.constant 35 : i32
      %add3A_522 = vector.broadcast %add3A_521 : i32 to vector<16xi32>
      %add3A_523 = arith.addi %mul3A_11, %add3A_522 : vector<16xi32>
      tpu.vector_store_idx %arg10[%add3A_55, %add3A_523], %and3A_520 : memref<256x128xi32, #tpu.memory_space<vmem>>[vector<16xi32>, vector<16xi32>], vector<16xi32>,
      %add3A_524 = arith.constant -913056824 : i32
      %add3A_525 = vector.broadcast %add3A_524 : i32 to vector<16xi32>
      %add3A_526 = arith.addi %add3A_51, %add3A_525 : vector<16xi32>
      %shift_right_arithmetic3A_527 = vector.broadcast %while3A_13 : i32 to vector<16xi32>
      %shift_right_arithmetic3A_528 = arith.shrsi %add3A_526, %shift_right_arithmetic3A_527 : vector<16xi32>
      %and3A_529 = vector.broadcast %while3A_14 : i32 to vector<16xi32>
      %and3A_530 = arith.andi %and3A_529, %shift_right_arithmetic3A_528 : vector<16xi32>
      %add3A_531 = arith.addi %add3A_526, %and3A_530 : vector<16xi32>
      %and3A_532 = vector.broadcast %while3A_15 : i32 to vector<16xi32>
      %and3A_533 = arith.andi %add3A_531, %and3A_532 : vector<16xi32>
      %add3A_534 = arith.constant 36 : i32
      %add3A_535 = vector.broadcast %add3A_534 : i32 to vector<16xi32>
      %add3A_536 = arith.addi %mul3A_11, %add3A_535 : vector<16xi32>
      tpu.vector_store_idx %arg10[%add3A_55, %add3A_536], %and3A_533 : memref<256x128xi32, #tpu.memory_space<vmem>>[vector<16xi32>, vector<16xi32>], vector<16xi32>,
      %add3A_537 = arith.constant -1125879326 : i32
      %add3A_538 = vector.broadcast %add3A_537 : i32 to vector<16xi32>
      %add3A_539 = arith.addi %add3A_51, %add3A_538 : vector<16xi32>
      %shift_right_arithmetic3A_540 = vector.broadcast %while3A_13 : i32 to vector<16xi32>
      %shift_right_arithmetic3A_541 = arith.shrsi %add3A_539, %shift_right_arithmetic3A_540 : vector<16xi32>
      %and3A_542 = vector.broadcast %while3A_14 : i32 to vector<16xi32>
      %and3A_543 = arith.andi %and3A_542, %shift_right_arithmetic3A_541 : vector<16xi32>
      %add3A_544 = arith.addi %add3A_539, %and3A_543 : vector<16xi32>
      %and3A_545 = vector.broadcast %while3A_15 : i32 to vector<16xi32>
      %and3A_546 = arith.andi %add3A_544, %and3A_545 : vector<16xi32>
      %add3A_547 = arith.constant 37 : i32
      %add3A_548 = vector.broadcast %add3A_547 : i32 to vector<16xi32>
      %add3A_549 = arith.addi %mul3A_11, %add3A_548 : vector<16xi32>
      tpu.vector_store_idx %arg10[%add3A_55, %add3A_549], %and3A_546 : memref<256x128xi32, #tpu.memory_space<vmem>>[vector<16xi32>, vector<16xi32>], vector<16xi32>,
      %add3A_550 = arith.constant -1338701828 : i32
      %add3A_551 = vector.broadcast %add3A_550 : i32 to vector<16xi32>
      %add3A_552 = arith.addi %add3A_51, %add3A_551 : vector<16xi32>
      %shift_right_arithmetic3A_553 = vector.broadcast %while3A_13 : i32 to vector<16xi32>
      %shift_right_arithmetic3A_554 = arith.shrsi %add3A_552, %shift_right_arithmetic3A_553 : vector<16xi32>
      %and3A_555 = vector.broadcast %while3A_14 : i32 to vector<16xi32>
      %and3A_556 = arith.andi %and3A_555, %shift_right_arithmetic3A_554 : vector<16xi32>
      %add3A_557 = arith.addi %add3A_552, %and3A_556 : vector<16xi32>
      %and3A_558 = vector.broadcast %while3A_15 : i32 to vector<16xi32>
      %and3A_559 = arith.andi %add3A_557, %and3A_558 : vector<16xi32>
      %add3A_560 = arith.constant 38 : i32
      %add3A_561 = vector.broadcast %add3A_560 : i32 to vector<16xi32>
      %add3A_562 = arith.addi %mul3A_11, %add3A_561 : vector<16xi32>
      tpu.vector_store_idx %arg10[%add3A_55, %add3A_562], %and3A_559 : memref<256x128xi32, #tpu.memory_space<vmem>>[vector<16xi32>, vector<16xi32>], vector<16xi32>,
      %add3A_563 = arith.constant -1551524330 : i32
      %add3A_564 = vector.broadcast %add3A_563 : i32 to vector<16xi32>
      %add3A_565 = arith.addi %add3A_51, %add3A_564 : vector<16xi32>
      %shift_right_arithmetic3A_566 = vector.broadcast %while3A_13 : i32 to vector<16xi32>
      %shift_right_arithmetic3A_567 = arith.shrsi %add3A_565, %shift_right_arithmetic3A_566 : vector<16xi32>
      %and3A_568 = vector.broadcast %while3A_14 : i32 to vector<16xi32>
      %and3A_569 = arith.andi %and3A_568, %shift_right_arithmetic3A_567 : vector<16xi32>
      %add3A_570 = arith.addi %add3A_565, %and3A_569 : vector<16xi32>
      %and3A_571 = vector.broadcast %while3A_15 : i32 to vector<16xi32>
      %and3A_572 = arith.andi %add3A_570, %and3A_571 : vector<16xi32>
      %add3A_573 = arith.constant 39 : i32
      %add3A_574 = vector.broadcast %add3A_573 : i32 to vector<16xi32>
      %add3A_575 = arith.addi %mul3A_11, %add3A_574 : vector<16xi32>
      tpu.vector_store_idx %arg10[%add3A_55, %add3A_575], %and3A_572 : memref<256x128xi32, #tpu.memory_space<vmem>>[vector<16xi32>, vector<16xi32>], vector<16xi32>,
      %add3A_576 = arith.constant -1764346832 : i32
      %add3A_577 = vector.broadcast %add3A_576 : i32 to vector<16xi32>
      %add3A_578 = arith.addi %add3A_51, %add3A_577 : vector<16xi32>
      %shift_right_arithmetic3A_579 = vector.broadcast %while3A_13 : i32 to vector<16xi32>
      %shift_right_arithmetic3A_580 = arith.shrsi %add3A_578, %shift_right_arithmetic3A_579 : vector<16xi32>
      %and3A_581 = vector.broadcast %while3A_14 : i32 to vector<16xi32>
      %and3A_582 = arith.andi %and3A_581, %shift_right_arithmetic3A_580 : vector<16xi32>
      %add3A_583 = arith.addi %add3A_578, %and3A_582 : vector<16xi32>
      %and3A_584 = vector.broadcast %while3A_15 : i32 to vector<16xi32>
      %and3A_585 = arith.andi %add3A_583, %and3A_584 : vector<16xi32>
      %add3A_586 = arith.constant 40 : i32
      %add3A_587 = vector.broadcast %add3A_586 : i32 to vector<16xi32>
      %add3A_588 = arith.addi %mul3A_11, %add3A_587 : vector<16xi32>
      tpu.vector_store_idx %arg10[%add3A_55, %add3A_588], %and3A_585 : memref<256x128xi32, #tpu.memory_space<vmem>>[vector<16xi32>, vector<16xi32>], vector<16xi32>,
      %add3A_589 = arith.constant -1977169334 : i32
      %add3A_590 = vector.broadcast %add3A_589 : i32 to vector<16xi32>
      %add3A_591 = arith.addi %add3A_51, %add3A_590 : vector<16xi32>
      %shift_right_arithmetic3A_592 = vector.broadcast %while3A_13 : i32 to vector<16xi32>
      %shift_right_arithmetic3A_593 = arith.shrsi %add3A_591, %shift_right_arithmetic3A_592 : vector<16xi32>
      %and3A_594 = vector.broadcast %while3A_14 : i32 to vector<16xi32>
      %and3A_595 = arith.andi %and3A_594, %shift_right_arithmetic3A_593 : vector<16xi32>
      %add3A_596 = arith.addi %add3A_591, %and3A_595 : vector<16xi32>
      %and3A_597 = vector.broadcast %while3A_15 : i32 to vector<16xi32>
      %and3A_598 = arith.andi %add3A_596, %and3A_597 : vector<16xi32>
      %add3A_599 = arith.constant 41 : i32
      %add3A_600 = vector.broadcast %add3A_599 : i32 to vector<16xi32>
      %add3A_601 = arith.addi %mul3A_11, %add3A_600 : vector<16xi32>
      tpu.vector_store_idx %arg10[%add3A_55, %add3A_601], %and3A_598 : memref<256x128xi32, #tpu.memory_space<vmem>>[vector<16xi32>, vector<16xi32>], vector<16xi32>,
      %add3A_602 = arith.constant -151917093 : i32
      %add3A_603 = vector.broadcast %add3A_602 : i32 to vector<16xi32>
      %add3A_604 = arith.addi %add3A_51, %add3A_603 : vector<16xi32>
      %shift_right_arithmetic3A_605 = vector.broadcast %while3A_13 : i32 to vector<16xi32>
      %shift_right_arithmetic3A_606 = arith.shrsi %add3A_604, %shift_right_arithmetic3A_605 : vector<16xi32>
      %and3A_607 = vector.broadcast %while3A_14 : i32 to vector<16xi32>
      %and3A_608 = arith.andi %and3A_607, %shift_right_arithmetic3A_606 : vector<16xi32>
      %add3A_609 = arith.addi %add3A_604, %and3A_608 : vector<16xi32>
      %and3A_610 = vector.broadcast %while3A_15 : i32 to vector<16xi32>
      %and3A_611 = arith.andi %add3A_609, %and3A_610 : vector<16xi32>
      %add3A_612 = arith.constant 42 : i32
      %add3A_613 = vector.broadcast %add3A_612 : i32 to vector<16xi32>
      %add3A_614 = arith.addi %mul3A_11, %add3A_613 : vector<16xi32>
      tpu.vector_store_idx %arg10[%add3A_55, %add3A_614], %and3A_611 : memref<256x128xi32, #tpu.memory_space<vmem>>[vector<16xi32>, vector<16xi32>], vector<16xi32>,
      %add3A_615 = arith.constant -364739595 : i32
      %add3A_616 = vector.broadcast %add3A_615 : i32 to vector<16xi32>
      %add3A_617 = arith.addi %add3A_51, %add3A_616 : vector<16xi32>
      %shift_right_arithmetic3A_618 = vector.broadcast %while3A_13 : i32 to vector<16xi32>
      %shift_right_arithmetic3A_619 = arith.shrsi %add3A_617, %shift_right_arithmetic3A_618 : vector<16xi32>
      %and3A_620 = vector.broadcast %while3A_14 : i32 to vector<16xi32>
      %and3A_621 = arith.andi %and3A_620, %shift_right_arithmetic3A_619 : vector<16xi32>
      %add3A_622 = arith.addi %add3A_617, %and3A_621 : vector<16xi32>
      %and3A_623 = vector.broadcast %while3A_15 : i32 to vector<16xi32>
      %and3A_624 = arith.andi %add3A_622, %and3A_623 : vector<16xi32>
      %add3A_625 = arith.constant 43 : i32
      %add3A_626 = vector.broadcast %add3A_625 : i32 to vector<16xi32>
      %add3A_627 = arith.addi %mul3A_11, %add3A_626 : vector<16xi32>
      tpu.vector_store_idx %arg10[%add3A_55, %add3A_627], %and3A_624 : memref<256x128xi32, #tpu.memory_space<vmem>>[vector<16xi32>, vector<16xi32>], vector<16xi32>,
      %add3A_628 = arith.constant -577562097 : i32
      %add3A_629 = vector.broadcast %add3A_628 : i32 to vector<16xi32>
      %add3A_630 = arith.addi %add3A_51, %add3A_629 : vector<16xi32>
      %shift_right_arithmetic3A_631 = vector.broadcast %while3A_13 : i32 to vector<16xi32>
      %shift_right_arithmetic3A_632 = arith.shrsi %add3A_630, %shift_right_arithmetic3A_631 : vector<16xi32>
      %and3A_633 = vector.broadcast %while3A_14 : i32 to vector<16xi32>
      %and3A_634 = arith.andi %and3A_633, %shift_right_arithmetic3A_632 : vector<16xi32>
      %add3A_635 = arith.addi %add3A_630, %and3A_634 : vector<16xi32>
      %and3A_636 = vector.broadcast %while3A_15 : i32 to vector<16xi32>
      %and3A_637 = arith.andi %add3A_635, %and3A_636 : vector<16xi32>
      %add3A_638 = arith.constant 44 : i32
      %add3A_639 = vector.broadcast %add3A_638 : i32 to vector<16xi32>
      %add3A_640 = arith.addi %mul3A_11, %add3A_639 : vector<16xi32>
      tpu.vector_store_idx %arg10[%add3A_55, %add3A_640], %and3A_637 : memref<256x128xi32, #tpu.memory_space<vmem>>[vector<16xi32>, vector<16xi32>], vector<16xi32>,
      %add3A_641 = arith.constant -790384599 : i32
      %add3A_642 = vector.broadcast %add3A_641 : i32 to vector<16xi32>
      %add3A_643 = arith.addi %add3A_51, %add3A_642 : vector<16xi32>
      %shift_right_arithmetic3A_644 = vector.broadcast %while3A_13 : i32 to vector<16xi32>
      %shift_right_arithmetic3A_645 = arith.shrsi %add3A_643, %shift_right_arithmetic3A_644 : vector<16xi32>
      %and3A_646 = vector.broadcast %while3A_14 : i32 to vector<16xi32>
      %and3A_647 = arith.andi %and3A_646, %shift_right_arithmetic3A_645 : vector<16xi32>
      %add3A_648 = arith.addi %add3A_643, %and3A_647 : vector<16xi32>
      %and3A_649 = vector.broadcast %while3A_15 : i32 to vector<16xi32>
      %and3A_650 = arith.andi %add3A_648, %and3A_649 : vector<16xi32>
      %add3A_651 = arith.constant 45 : i32
      %add3A_652 = vector.broadcast %add3A_651 : i32 to vector<16xi32>
      %add3A_653 = arith.addi %mul3A_11, %add3A_652 : vector<16xi32>
      tpu.vector_store_idx %arg10[%add3A_55, %add3A_653], %and3A_650 : memref<256x128xi32, #tpu.memory_space<vmem>>[vector<16xi32>, vector<16xi32>], vector<16xi32>,
      %add3A_654 = arith.constant -1003207101 : i32
      %add3A_655 = vector.broadcast %add3A_654 : i32 to vector<16xi32>
      %add3A_656 = arith.addi %add3A_51, %add3A_655 : vector<16xi32>
      %shift_right_arithmetic3A_657 = vector.broadcast %while3A_13 : i32 to vector<16xi32>
      %shift_right_arithmetic3A_658 = arith.shrsi %add3A_656, %shift_right_arithmetic3A_657 : vector<16xi32>
      %and3A_659 = vector.broadcast %while3A_14 : i32 to vector<16xi32>
      %and3A_660 = arith.andi %and3A_659, %shift_right_arithmetic3A_658 : vector<16xi32>
      %add3A_661 = arith.addi %add3A_656, %and3A_660 : vector<16xi32>
      %and3A_662 = vector.broadcast %while3A_15 : i32 to vector<16xi32>
      %and3A_663 = arith.andi %add3A_661, %and3A_662 : vector<16xi32>
      %add3A_664 = arith.constant 46 : i32
      %add3A_665 = vector.broadcast %add3A_664 : i32 to vector<16xi32>
      %add3A_666 = arith.addi %mul3A_11, %add3A_665 : vector<16xi32>
      tpu.vector_store_idx %arg10[%add3A_55, %add3A_666], %and3A_663 : memref<256x128xi32, #tpu.memory_space<vmem>>[vector<16xi32>, vector<16xi32>], vector<16xi32>,
      %add3A_667 = arith.constant -1216029603 : i32
      %add3A_668 = vector.broadcast %add3A_667 : i32 to vector<16xi32>
      %add3A_669 = arith.addi %add3A_51, %add3A_668 : vector<16xi32>
      %shift_right_arithmetic3A_670 = vector.broadcast %while3A_13 : i32 to vector<16xi32>
      %shift_right_arithmetic3A_671 = arith.shrsi %add3A_669, %shift_right_arithmetic3A_670 : vector<16xi32>
      %and3A_672 = vector.broadcast %while3A_14 : i32 to vector<16xi32>
      %and3A_673 = arith.andi %and3A_672, %shift_right_arithmetic3A_671 : vector<16xi32>
      %add3A_674 = arith.addi %add3A_669, %and3A_673 : vector<16xi32>
      %and3A_675 = vector.broadcast %while3A_15 : i32 to vector<16xi32>
      %and3A_676 = arith.andi %add3A_674, %and3A_675 : vector<16xi32>
      %add3A_677 = arith.constant 47 : i32
      %add3A_678 = vector.broadcast %add3A_677 : i32 to vector<16xi32>
      %add3A_679 = arith.addi %mul3A_11, %add3A_678 : vector<16xi32>
      tpu.vector_store_idx %arg10[%add3A_55, %add3A_679], %and3A_676 : memref<256x128xi32, #tpu.memory_space<vmem>>[vector<16xi32>, vector<16xi32>], vector<16xi32>,
      %add3A_680 = arith.constant -1428852105 : i32
      %add3A_681 = vector.broadcast %add3A_680 : i32 to vector<16xi32>
      %add3A_682 = arith.addi %add3A_51, %add3A_681 : vector<16xi32>
      %shift_right_arithmetic3A_683 = vector.broadcast %while3A_13 : i32 to vector<16xi32>
      %shift_right_arithmetic3A_684 = arith.shrsi %add3A_682, %shift_right_arithmetic3A_683 : vector<16xi32>
      %and3A_685 = vector.broadcast %while3A_14 : i32 to vector<16xi32>
      %and3A_686 = arith.andi %and3A_685, %shift_right_arithmetic3A_684 : vector<16xi32>
      %add3A_687 = arith.addi %add3A_682, %and3A_686 : vector<16xi32>
      %and3A_688 = vector.broadcast %while3A_15 : i32 to vector<16xi32>
      %and3A_689 = arith.andi %add3A_687, %and3A_688 : vector<16xi32>
      %add3A_690 = arith.constant 48 : i32
      %add3A_691 = vector.broadcast %add3A_690 : i32 to vector<16xi32>
      %add3A_692 = arith.addi %mul3A_11, %add3A_691 : vector<16xi32>
      tpu.vector_store_idx %arg10[%add3A_55, %add3A_692], %and3A_689 : memref<256x128xi32, #tpu.memory_space<vmem>>[vector<16xi32>, vector<16xi32>], vector<16xi32>,
      %add3A_693 = arith.constant -1641674607 : i32
      %add3A_694 = vector.broadcast %add3A_693 : i32 to vector<16xi32>
      %add3A_695 = arith.addi %add3A_51, %add3A_694 : vector<16xi32>
      %shift_right_arithmetic3A_696 = vector.broadcast %while3A_13 : i32 to vector<16xi32>
      %shift_right_arithmetic3A_697 = arith.shrsi %add3A_695, %shift_right_arithmetic3A_696 : vector<16xi32>
      %and3A_698 = vector.broadcast %while3A_14 : i32 to vector<16xi32>
      %and3A_699 = arith.andi %and3A_698, %shift_right_arithmetic3A_697 : vector<16xi32>
      %add3A_700 = arith.addi %add3A_695, %and3A_699 : vector<16xi32>
      %and3A_701 = vector.broadcast %while3A_15 : i32 to vector<16xi32>
      %and3A_702 = arith.andi %add3A_700, %and3A_701 : vector<16xi32>
      %add3A_703 = arith.constant 49 : i32
      %add3A_704 = vector.broadcast %add3A_703 : i32 to vector<16xi32>
      %add3A_705 = arith.addi %mul3A_11, %add3A_704 : vector<16xi32>
      tpu.vector_store_idx %arg10[%add3A_55, %add3A_705], %and3A_702 : memref<256x128xi32, #tpu.memory_space<vmem>>[vector<16xi32>, vector<16xi32>], vector<16xi32>,
      %add3A_706 = arith.constant -1854497109 : i32
      %add3A_707 = vector.broadcast %add3A_706 : i32 to vector<16xi32>
      %add3A_708 = arith.addi %add3A_51, %add3A_707 : vector<16xi32>
      %shift_right_arithmetic3A_709 = vector.broadcast %while3A_13 : i32 to vector<16xi32>
      %shift_right_arithmetic3A_710 = arith.shrsi %add3A_708, %shift_right_arithmetic3A_709 : vector<16xi32>
      %and3A_711 = vector.broadcast %while3A_14 : i32 to vector<16xi32>
      %and3A_712 = arith.andi %and3A_711, %shift_right_arithmetic3A_710 : vector<16xi32>
      %add3A_713 = arith.addi %add3A_708, %and3A_712 : vector<16xi32>
      %and3A_714 = vector.broadcast %while3A_15 : i32 to vector<16xi32>
      %and3A_715 = arith.andi %add3A_713, %and3A_714 : vector<16xi32>
      %add3A_716 = arith.constant 50 : i32
      %add3A_717 = vector.broadcast %add3A_716 : i32 to vector<16xi32>
      %add3A_718 = arith.addi %mul3A_11, %add3A_717 : vector<16xi32>
      tpu.vector_store_idx %arg10[%add3A_55, %add3A_718], %and3A_715 : memref<256x128xi32, #tpu.memory_space<vmem>>[vector<16xi32>, vector<16xi32>], vector<16xi32>,
      %add3A_719 = arith.constant -29244868 : i32
      %add3A_720 = vector.broadcast %add3A_719 : i32 to vector<16xi32>
      %add3A_721 = arith.addi %add3A_51, %add3A_720 : vector<16xi32>
      %shift_right_arithmetic3A_722 = vector.broadcast %while3A_13 : i32 to vector<16xi32>
      %shift_right_arithmetic3A_723 = arith.shrsi %add3A_721, %shift_right_arithmetic3A_722 : vector<16xi32>
      %and3A_724 = vector.broadcast %while3A_14 : i32 to vector<16xi32>
      %and3A_725 = arith.andi %and3A_724, %shift_right_arithmetic3A_723 : vector<16xi32>
      %add3A_726 = arith.addi %add3A_721, %and3A_725 : vector<16xi32>
      %and3A_727 = vector.broadcast %while3A_15 : i32 to vector<16xi32>
      %and3A_728 = arith.andi %add3A_726, %and3A_727 : vector<16xi32>
      %add3A_729 = arith.constant 51 : i32
      %add3A_730 = vector.broadcast %add3A_729 : i32 to vector<16xi32>
      %add3A_731 = arith.addi %mul3A_11, %add3A_730 : vector<16xi32>
      tpu.vector_store_idx %arg10[%add3A_55, %add3A_731], %and3A_728 : memref<256x128xi32, #tpu.memory_space<vmem>>[vector<16xi32>, vector<16xi32>], vector<16xi32>,
      %add3A_732 = arith.constant -242067370 : i32
      %add3A_733 = vector.broadcast %add3A_732 : i32 to vector<16xi32>
      %add3A_734 = arith.addi %add3A_51, %add3A_733 : vector<16xi32>
      %shift_right_arithmetic3A_735 = vector.broadcast %while3A_13 : i32 to vector<16xi32>
      %shift_right_arithmetic3A_736 = arith.shrsi %add3A_734, %shift_right_arithmetic3A_735 : vector<16xi32>
      %and3A_737 = vector.broadcast %while3A_14 : i32 to vector<16xi32>
      %and3A_738 = arith.andi %and3A_737, %shift_right_arithmetic3A_736 : vector<16xi32>
      %add3A_739 = arith.addi %add3A_734, %and3A_738 : vector<16xi32>
      %and3A_740 = vector.broadcast %while3A_15 : i32 to vector<16xi32>
      %and3A_741 = arith.andi %add3A_739, %and3A_740 : vector<16xi32>
      %add3A_742 = arith.constant 52 : i32
      %add3A_743 = vector.broadcast %add3A_742 : i32 to vector<16xi32>
      %add3A_744 = arith.addi %mul3A_11, %add3A_743 : vector<16xi32>
      tpu.vector_store_idx %arg10[%add3A_55, %add3A_744], %and3A_741 : memref<256x128xi32, #tpu.memory_space<vmem>>[vector<16xi32>, vector<16xi32>], vector<16xi32>,
      %add3A_745 = arith.constant -454889872 : i32
      %add3A_746 = vector.broadcast %add3A_745 : i32 to vector<16xi32>
      %add3A_747 = arith.addi %add3A_51, %add3A_746 : vector<16xi32>
      %shift_right_arithmetic3A_748 = vector.broadcast %while3A_13 : i32 to vector<16xi32>
      %shift_right_arithmetic3A_749 = arith.shrsi %add3A_747, %shift_right_arithmetic3A_748 : vector<16xi32>
      %and3A_750 = vector.broadcast %while3A_14 : i32 to vector<16xi32>
      %and3A_751 = arith.andi %and3A_750, %shift_right_arithmetic3A_749 : vector<16xi32>
      %add3A_752 = arith.addi %add3A_747, %and3A_751 : vector<16xi32>
      %and3A_753 = vector.broadcast %while3A_15 : i32 to vector<16xi32>
      %and3A_754 = arith.andi %add3A_752, %and3A_753 : vector<16xi32>
      %add3A_755 = arith.constant 53 : i32
      %add3A_756 = vector.broadcast %add3A_755 : i32 to vector<16xi32>
      %add3A_757 = arith.addi %mul3A_11, %add3A_756 : vector<16xi32>
      tpu.vector_store_idx %arg10[%add3A_55, %add3A_757], %and3A_754 : memref<256x128xi32, #tpu.memory_space<vmem>>[vector<16xi32>, vector<16xi32>], vector<16xi32>,
      %add3A_758 = arith.constant -667712374 : i32
      %add3A_759 = vector.broadcast %add3A_758 : i32 to vector<16xi32>
      %add3A_760 = arith.addi %add3A_51, %add3A_759 : vector<16xi32>
      %shift_right_arithmetic3A_761 = vector.broadcast %while3A_13 : i32 to vector<16xi32>
      %shift_right_arithmetic3A_762 = arith.shrsi %add3A_760, %shift_right_arithmetic3A_761 : vector<16xi32>
      %and3A_763 = vector.broadcast %while3A_14 : i32 to vector<16xi32>
      %and3A_764 = arith.andi %and3A_763, %shift_right_arithmetic3A_762 : vector<16xi32>
      %add3A_765 = arith.addi %add3A_760, %and3A_764 : vector<16xi32>
      %and3A_766 = vector.broadcast %while3A_15 : i32 to vector<16xi32>
      %and3A_767 = arith.andi %add3A_765, %and3A_766 : vector<16xi32>
      %add3A_768 = arith.constant 54 : i32
      %add3A_769 = vector.broadcast %add3A_768 : i32 to vector<16xi32>
      %add3A_770 = arith.addi %mul3A_11, %add3A_769 : vector<16xi32>
      tpu.vector_store_idx %arg10[%add3A_55, %add3A_770], %and3A_767 : memref<256x128xi32, #tpu.memory_space<vmem>>[vector<16xi32>, vector<16xi32>], vector<16xi32>,
      %add3A_771 = arith.constant -880534876 : i32
      %add3A_772 = vector.broadcast %add3A_771 : i32 to vector<16xi32>
      %add3A_773 = arith.addi %add3A_51, %add3A_772 : vector<16xi32>
      %shift_right_arithmetic3A_774 = vector.broadcast %while3A_13 : i32 to vector<16xi32>
      %shift_right_arithmetic3A_775 = arith.shrsi %add3A_773, %shift_right_arithmetic3A_774 : vector<16xi32>
      %and3A_776 = vector.broadcast %while3A_14 : i32 to vector<16xi32>
      %and3A_777 = arith.andi %and3A_776, %shift_right_arithmetic3A_775 : vector<16xi32>
      %add3A_778 = arith.addi %add3A_773, %and3A_777 : vector<16xi32>
      %and3A_779 = vector.broadcast %while3A_15 : i32 to vector<16xi32>
      %and3A_780 = arith.andi %add3A_778, %and3A_779 : vector<16xi32>
      %add3A_781 = arith.constant 55 : i32
      %add3A_782 = vector.broadcast %add3A_781 : i32 to vector<16xi32>
      %add3A_783 = arith.addi %mul3A_11, %add3A_782 : vector<16xi32>
      tpu.vector_store_idx %arg10[%add3A_55, %add3A_783], %and3A_780 : memref<256x128xi32, #tpu.memory_space<vmem>>[vector<16xi32>, vector<16xi32>], vector<16xi32>,
      %add3A_784 = arith.constant -1093357378 : i32
      %add3A_785 = vector.broadcast %add3A_784 : i32 to vector<16xi32>
      %add3A_786 = arith.addi %add3A_51, %add3A_785 : vector<16xi32>
      %shift_right_arithmetic3A_787 = vector.broadcast %while3A_13 : i32 to vector<16xi32>
      %shift_right_arithmetic3A_788 = arith.shrsi %add3A_786, %shift_right_arithmetic3A_787 : vector<16xi32>
      %and3A_789 = vector.broadcast %while3A_14 : i32 to vector<16xi32>
      %and3A_790 = arith.andi %and3A_789, %shift_right_arithmetic3A_788 : vector<16xi32>
      %add3A_791 = arith.addi %add3A_786, %and3A_790 : vector<16xi32>
      %and3A_792 = vector.broadcast %while3A_15 : i32 to vector<16xi32>
      %and3A_793 = arith.andi %add3A_791, %and3A_792 : vector<16xi32>
      %add3A_794 = arith.constant 56 : i32
      %add3A_795 = vector.broadcast %add3A_794 : i32 to vector<16xi32>
      %add3A_796 = arith.addi %mul3A_11, %add3A_795 : vector<16xi32>
      tpu.vector_store_idx %arg10[%add3A_55, %add3A_796], %and3A_793 : memref<256x128xi32, #tpu.memory_space<vmem>>[vector<16xi32>, vector<16xi32>], vector<16xi32>,
      %add3A_797 = arith.constant -1306179880 : i32
      %add3A_798 = vector.broadcast %add3A_797 : i32 to vector<16xi32>
      %add3A_799 = arith.addi %add3A_51, %add3A_798 : vector<16xi32>
      %shift_right_arithmetic3A_800 = vector.broadcast %while3A_13 : i32 to vector<16xi32>
      %shift_right_arithmetic3A_801 = arith.shrsi %add3A_799, %shift_right_arithmetic3A_800 : vector<16xi32>
      %and3A_802 = vector.broadcast %while3A_14 : i32 to vector<16xi32>
      %and3A_803 = arith.andi %and3A_802, %shift_right_arithmetic3A_801 : vector<16xi32>
      %add3A_804 = arith.addi %add3A_799, %and3A_803 : vector<16xi32>
      %and3A_805 = vector.broadcast %while3A_15 : i32 to vector<16xi32>
      %and3A_806 = arith.andi %add3A_804, %and3A_805 : vector<16xi32>
      %add3A_807 = arith.constant 57 : i32
      %add3A_808 = vector.broadcast %add3A_807 : i32 to vector<16xi32>
      %add3A_809 = arith.addi %mul3A_11, %add3A_808 : vector<16xi32>
      tpu.vector_store_idx %arg10[%add3A_55, %add3A_809], %and3A_806 : memref<256x128xi32, #tpu.memory_space<vmem>>[vector<16xi32>, vector<16xi32>], vector<16xi32>,
      %add3A_810 = arith.constant -1519002382 : i32
      %add3A_811 = vector.broadcast %add3A_810 : i32 to vector<16xi32>
      %add3A_812 = arith.addi %add3A_51, %add3A_811 : vector<16xi32>
      %shift_right_arithmetic3A_813 = vector.broadcast %while3A_13 : i32 to vector<16xi32>
      %shift_right_arithmetic3A_814 = arith.shrsi %add3A_812, %shift_right_arithmetic3A_813 : vector<16xi32>
      %and3A_815 = vector.broadcast %while3A_14 : i32 to vector<16xi32>
      %and3A_816 = arith.andi %and3A_815, %shift_right_arithmetic3A_814 : vector<16xi32>
      %add3A_817 = arith.addi %add3A_812, %and3A_816 : vector<16xi32>
      %and3A_818 = vector.broadcast %while3A_15 : i32 to vector<16xi32>
      %and3A_819 = arith.andi %add3A_817, %and3A_818 : vector<16xi32>
      %add3A_820 = arith.constant 58 : i32
      %add3A_821 = vector.broadcast %add3A_820 : i32 to vector<16xi32>
      %add3A_822 = arith.addi %mul3A_11, %add3A_821 : vector<16xi32>
      tpu.vector_store_idx %arg10[%add3A_55, %add3A_822], %and3A_819 : memref<256x128xi32, #tpu.memory_space<vmem>>[vector<16xi32>, vector<16xi32>], vector<16xi32>,
      %add3A_823 = arith.constant -1731824884 : i32
      %add3A_824 = vector.broadcast %add3A_823 : i32 to vector<16xi32>
      %add3A_825 = arith.addi %add3A_51, %add3A_824 : vector<16xi32>
      %shift_right_arithmetic3A_826 = vector.broadcast %while3A_13 : i32 to vector<16xi32>
      %shift_right_arithmetic3A_827 = arith.shrsi %add3A_825, %shift_right_arithmetic3A_826 : vector<16xi32>
      %and3A_828 = vector.broadcast %while3A_14 : i32 to vector<16xi32>
      %and3A_829 = arith.andi %and3A_828, %shift_right_arithmetic3A_827 : vector<16xi32>
      %add3A_830 = arith.addi %add3A_825, %and3A_829 : vector<16xi32>
      %and3A_831 = vector.broadcast %while3A_15 : i32 to vector<16xi32>
      %and3A_832 = arith.andi %add3A_830, %and3A_831 : vector<16xi32>
      %add3A_833 = arith.constant 59 : i32
      %add3A_834 = vector.broadcast %add3A_833 : i32 to vector<16xi32>
      %add3A_835 = arith.addi %mul3A_11, %add3A_834 : vector<16xi32>
      tpu.vector_store_idx %arg10[%add3A_55, %add3A_835], %and3A_832 : memref<256x128xi32, #tpu.memory_space<vmem>>[vector<16xi32>, vector<16xi32>], vector<16xi32>,
      %add3A_836 = arith.constant -1944647386 : i32
      %add3A_837 = vector.broadcast %add3A_836 : i32 to vector<16xi32>
      %add3A_838 = arith.addi %add3A_51, %add3A_837 : vector<16xi32>
      %shift_right_arithmetic3A_839 = vector.broadcast %while3A_13 : i32 to vector<16xi32>
      %shift_right_arithmetic3A_840 = arith.shrsi %add3A_838, %shift_right_arithmetic3A_839 : vector<16xi32>
      %and3A_841 = vector.broadcast %while3A_14 : i32 to vector<16xi32>
      %and3A_842 = arith.andi %and3A_841, %shift_right_arithmetic3A_840 : vector<16xi32>
      %add3A_843 = arith.addi %add3A_838, %and3A_842 : vector<16xi32>
      %and3A_844 = vector.broadcast %while3A_15 : i32 to vector<16xi32>
      %and3A_845 = arith.andi %add3A_843, %and3A_844 : vector<16xi32>
      %add3A_846 = arith.constant 60 : i32
      %add3A_847 = vector.broadcast %add3A_846 : i32 to vector<16xi32>
      %add3A_848 = arith.addi %mul3A_11, %add3A_847 : vector<16xi32>
      tpu.vector_store_idx %arg10[%add3A_55, %add3A_848], %and3A_845 : memref<256x128xi32, #tpu.memory_space<vmem>>[vector<16xi32>, vector<16xi32>], vector<16xi32>,
      %add3A_849 = arith.constant -119395145 : i32
      %add3A_850 = vector.broadcast %add3A_849 : i32 to vector<16xi32>
      %add3A_851 = arith.addi %add3A_51, %add3A_850 : vector<16xi32>
      %shift_right_arithmetic3A_852 = vector.broadcast %while3A_13 : i32 to vector<16xi32>
      %shift_right_arithmetic3A_853 = arith.shrsi %add3A_851, %shift_right_arithmetic3A_852 : vector<16xi32>
      %and3A_854 = vector.broadcast %while3A_14 : i32 to vector<16xi32>
      %and3A_855 = arith.andi %and3A_854, %shift_right_arithmetic3A_853 : vector<16xi32>
      %add3A_856 = arith.addi %add3A_851, %and3A_855 : vector<16xi32>
      %and3A_857 = vector.broadcast %while3A_15 : i32 to vector<16xi32>
      %and3A_858 = arith.andi %add3A_856, %and3A_857 : vector<16xi32>
      %add3A_859 = arith.constant 61 : i32
      %add3A_860 = vector.broadcast %add3A_859 : i32 to vector<16xi32>
      %add3A_861 = arith.addi %mul3A_11, %add3A_860 : vector<16xi32>
      tpu.vector_store_idx %arg10[%add3A_55, %add3A_861], %and3A_858 : memref<256x128xi32, #tpu.memory_space<vmem>>[vector<16xi32>, vector<16xi32>], vector<16xi32>,
      %add3A_862 = arith.constant -332217647 : i32
      %add3A_863 = vector.broadcast %add3A_862 : i32 to vector<16xi32>
      %add3A_864 = arith.addi %add3A_51, %add3A_863 : vector<16xi32>
      %shift_right_arithmetic3A_865 = vector.broadcast %while3A_13 : i32 to vector<16xi32>
      %shift_right_arithmetic3A_866 = arith.shrsi %add3A_864, %shift_right_arithmetic3A_865 : vector<16xi32>
      %and3A_867 = vector.broadcast %while3A_14 : i32 to vector<16xi32>
      %and3A_868 = arith.andi %and3A_867, %shift_right_arithmetic3A_866 : vector<16xi32>
      %add3A_869 = arith.addi %add3A_864, %and3A_868 : vector<16xi32>
      %and3A_870 = vector.broadcast %while3A_15 : i32 to vector<16xi32>
      %and3A_871 = arith.andi %add3A_869, %and3A_870 : vector<16xi32>
      %add3A_872 = arith.constant 62 : i32
      %add3A_873 = vector.broadcast %add3A_872 : i32 to vector<16xi32>
      %add3A_874 = arith.addi %mul3A_11, %add3A_873 : vector<16xi32>
      tpu.vector_store_idx %arg10[%add3A_55, %add3A_874], %and3A_871 : memref<256x128xi32, #tpu.memory_space<vmem>>[vector<16xi32>, vector<16xi32>], vector<16xi32>,
      %add3A_875 = arith.constant -545040149 : i32
      %add3A_876 = vector.broadcast %add3A_875 : i32 to vector<16xi32>
      %add3A_877 = arith.addi %add3A_51, %add3A_876 : vector<16xi32>
      %shift_right_arithmetic3A_878 = vector.broadcast %while3A_13 : i32 to vector<16xi32>
      %shift_right_arithmetic3A_879 = arith.shrsi %add3A_877, %shift_right_arithmetic3A_878 : vector<16xi32>
      %and3A_880 = vector.broadcast %while3A_14 : i32 to vector<16xi32>
      %and3A_881 = arith.andi %and3A_880, %shift_right_arithmetic3A_879 : vector<16xi32>
      %add3A_882 = arith.addi %add3A_877, %and3A_881 : vector<16xi32>
      %and3A_883 = vector.broadcast %while3A_15 : i32 to vector<16xi32>
      %and3A_884 = arith.andi %add3A_882, %and3A_883 : vector<16xi32>
      %add3A_885 = arith.constant 63 : i32
      %add3A_886 = vector.broadcast %add3A_885 : i32 to vector<16xi32>
      %add3A_887 = arith.addi %mul3A_11, %add3A_886 : vector<16xi32>
      tpu.vector_store_idx %arg10[%add3A_55, %add3A_887], %and3A_884 : memref<256x128xi32, #tpu.memory_space<vmem>>[vector<16xi32>, vector<16xi32>], vector<16xi32>,
      %mul3A_888 = arith.constant 8 : i32
      %mul3A_889 = arith.muli %while3A_38, %mul3A_888 : i32
      %mul3A_890 = arith.constant 16 : i32
      %mul3A_891 = arith.muli %while3A_38, %mul3A_890 : i32
      %add3A_892 = arith.constant 0 : i32
      %add3A_893 = arith.addi %mul3A_889, %add3A_892 : i32
      %add3A_894 = arith.constant 0 : i32
      %add3A_895 = arith.addi %mul3A_891, %add3A_894 : i32
      %dma_start3A_896 = arith.constant 0 : i32
      %dma_start3A_897 = tpu.memref_slice %arg11[%add3A_895, %dma_start3A_896] : memref<512x128xf32, #tpu.memory_space<vmem>> -> memref<1x64xf32, #tpu.memory_space<vmem>>
      %dma_start3A_898 = tpu.memref_squeeze %dma_start3A_897 : memref<1x64xf32, #tpu.memory_space<vmem>> -> memref<64xf32, #tpu.memory_space<vmem>>
      %dma_start3A_899 = arith.constant 0 : i32
      %dma_start3A_900 = tpu.memref_slice %arg10[%add3A_893, %dma_start3A_899] : memref<256x128xi32, #tpu.memory_space<vmem>> -> memref<1x64xi32, #tpu.memory_space<vmem>>
      %dma_start3A_901 = tpu.memref_squeeze %dma_start3A_900 : memref<1x64xi32, #tpu.memory_space<vmem>> -> memref<64xi32, #tpu.memory_space<vmem>>
      %dma_start3A_902 = arith.constant 0 : i32
      %dma_start3A_903 = tpu.memref_slice %arg3[%dma_start3A_902] : memref<4194304xf32, #tpu.memory_space<hbm>> -> memref<4194304xf32, #tpu.memory_space<hbm>>
      tpu.enqueue_indirect_dma source(%dma_start3A_903 : memref<4194304xf32, #tpu.memory_space<hbm>>) target(%dma_start3A_898 : memref<64xf32, #tpu.memory_space<vmem>>) offsets(%dma_start3A_901 : memref<64xi32, #tpu.memory_space<vmem>>) semaphore(%arg12 : memref<!tpu.dma_semaphore, #tpu.memory_space<semaphore_mem>>)
      %add3A_904 = arith.constant 0 : i32
      %add3A_905 = arith.addi %mul3A_889, %add3A_904 : i32
      %add3A_906 = arith.constant 1 : i32
      %add3A_907 = arith.addi %mul3A_891, %add3A_906 : i32
      %dma_start3A_908 = arith.constant 0 : i32
      %dma_start3A_909 = tpu.memref_slice %arg11[%add3A_907, %dma_start3A_908] : memref<512x128xf32, #tpu.memory_space<vmem>> -> memref<1x64xf32, #tpu.memory_space<vmem>>
      %dma_start3A_910 = tpu.memref_squeeze %dma_start3A_909 : memref<1x64xf32, #tpu.memory_space<vmem>> -> memref<64xf32, #tpu.memory_space<vmem>>
      %dma_start3A_911 = arith.constant 64 : i32
      %dma_start3A_912 = tpu.memref_slice %arg10[%add3A_905, %dma_start3A_911] : memref<256x128xi32, #tpu.memory_space<vmem>> -> memref<1x64xi32, #tpu.memory_space<vmem>>
      %dma_start3A_913 = tpu.memref_squeeze %dma_start3A_912 : memref<1x64xi32, #tpu.memory_space<vmem>> -> memref<64xi32, #tpu.memory_space<vmem>>
      %dma_start3A_914 = arith.constant 0 : i32
      %dma_start3A_915 = tpu.memref_slice %arg3[%dma_start3A_914] : memref<4194304xf32, #tpu.memory_space<hbm>> -> memref<4194304xf32, #tpu.memory_space<hbm>>
      tpu.enqueue_indirect_dma source(%dma_start3A_915 : memref<4194304xf32, #tpu.memory_space<hbm>>) target(%dma_start3A_910 : memref<64xf32, #tpu.memory_space<vmem>>) offsets(%dma_start3A_913 : memref<64xi32, #tpu.memory_space<vmem>>) semaphore(%arg12 : memref<!tpu.dma_semaphore, #tpu.memory_space<semaphore_mem>>)
      %add3A_916 = arith.constant 1 : i32
      %add3A_917 = arith.addi %mul3A_889, %add3A_916 : i32
      %add3A_918 = arith.constant 2 : i32
      %add3A_919 = arith.addi %mul3A_891, %add3A_918 : i32
      %dma_start3A_920 = arith.constant 0 : i32
      %dma_start3A_921 = tpu.memref_slice %arg11[%add3A_919, %dma_start3A_920] : memref<512x128xf32, #tpu.memory_space<vmem>> -> memref<1x64xf32, #tpu.memory_space<vmem>>
      %dma_start3A_922 = tpu.memref_squeeze %dma_start3A_921 : memref<1x64xf32, #tpu.memory_space<vmem>> -> memref<64xf32, #tpu.memory_space<vmem>>
      %dma_start3A_923 = arith.constant 0 : i32
      %dma_start3A_924 = tpu.memref_slice %arg10[%add3A_917, %dma_start3A_923] : memref<256x128xi32, #tpu.memory_space<vmem>> -> memref<1x64xi32, #tpu.memory_space<vmem>>
      %dma_start3A_925 = tpu.memref_squeeze %dma_start3A_924 : memref<1x64xi32, #tpu.memory_space<vmem>> -> memref<64xi32, #tpu.memory_space<vmem>>
      %dma_start3A_926 = arith.constant 0 : i32
      %dma_start3A_927 = tpu.memref_slice %arg3[%dma_start3A_926] : memref<4194304xf32, #tpu.memory_space<hbm>> -> memref<4194304xf32, #tpu.memory_space<hbm>>
      tpu.enqueue_indirect_dma source(%dma_start3A_927 : memref<4194304xf32, #tpu.memory_space<hbm>>) target(%dma_start3A_922 : memref<64xf32, #tpu.memory_space<vmem>>) offsets(%dma_start3A_925 : memref<64xi32, #tpu.memory_space<vmem>>) semaphore(%arg12 : memref<!tpu.dma_semaphore, #tpu.memory_space<semaphore_mem>>)
      %add3A_928 = arith.constant 1 : i32
      %add3A_929 = arith.addi %mul3A_889, %add3A_928 : i32
      %add3A_930 = arith.constant 3 : i32
      %add3A_931 = arith.addi %mul3A_891, %add3A_930 : i32
      %dma_start3A_932 = arith.constant 0 : i32
      %dma_start3A_933 = tpu.memref_slice %arg11[%add3A_931, %dma_start3A_932] : memref<512x128xf32, #tpu.memory_space<vmem>> -> memref<1x64xf32, #tpu.memory_space<vmem>>
      %dma_start3A_934 = tpu.memref_squeeze %dma_start3A_933 : memref<1x64xf32, #tpu.memory_space<vmem>> -> memref<64xf32, #tpu.memory_space<vmem>>
      %dma_start3A_935 = arith.constant 64 : i32
      %dma_start3A_936 = tpu.memref_slice %arg10[%add3A_929, %dma_start3A_935] : memref<256x128xi32, #tpu.memory_space<vmem>> -> memref<1x64xi32, #tpu.memory_space<vmem>>
      %dma_start3A_937 = tpu.memref_squeeze %dma_start3A_936 : memref<1x64xi32, #tpu.memory_space<vmem>> -> memref<64xi32, #tpu.memory_space<vmem>>
      %dma_start3A_938 = arith.constant 0 : i32
      %dma_start3A_939 = tpu.memref_slice %arg3[%dma_start3A_938] : memref<4194304xf32, #tpu.memory_space<hbm>> -> memref<4194304xf32, #tpu.memory_space<hbm>>
      tpu.enqueue_indirect_dma source(%dma_start3A_939 : memref<4194304xf32, #tpu.memory_space<hbm>>) target(%dma_start3A_934 : memref<64xf32, #tpu.memory_space<vmem>>) offsets(%dma_start3A_937 : memref<64xi32, #tpu.memory_space<vmem>>) semaphore(%arg12 : memref<!tpu.dma_semaphore, #tpu.memory_space<semaphore_mem>>)
      %add3A_940 = arith.constant 2 : i32
      %add3A_941 = arith.addi %mul3A_889, %add3A_940 : i32
      %add3A_942 = arith.constant 4 : i32
      %add3A_943 = arith.addi %mul3A_891, %add3A_942 : i32
      %dma_start3A_944 = arith.constant 0 : i32
      %dma_start3A_945 = tpu.memref_slice %arg11[%add3A_943, %dma_start3A_944] : memref<512x128xf32, #tpu.memory_space<vmem>> -> memref<1x64xf32, #tpu.memory_space<vmem>>
      %dma_start3A_946 = tpu.memref_squeeze %dma_start3A_945 : memref<1x64xf32, #tpu.memory_space<vmem>> -> memref<64xf32, #tpu.memory_space<vmem>>
      %dma_start3A_947 = arith.constant 0 : i32
      %dma_start3A_948 = tpu.memref_slice %arg10[%add3A_941, %dma_start3A_947] : memref<256x128xi32, #tpu.memory_space<vmem>> -> memref<1x64xi32, #tpu.memory_space<vmem>>
      %dma_start3A_949 = tpu.memref_squeeze %dma_start3A_948 : memref<1x64xi32, #tpu.memory_space<vmem>> -> memref<64xi32, #tpu.memory_space<vmem>>
      %dma_start3A_950 = arith.constant 0 : i32
      %dma_start3A_951 = tpu.memref_slice %arg3[%dma_start3A_950] : memref<4194304xf32, #tpu.memory_space<hbm>> -> memref<4194304xf32, #tpu.memory_space<hbm>>
      tpu.enqueue_indirect_dma source(%dma_start3A_951 : memref<4194304xf32, #tpu.memory_space<hbm>>) target(%dma_start3A_946 : memref<64xf32, #tpu.memory_space<vmem>>) offsets(%dma_start3A_949 : memref<64xi32, #tpu.memory_space<vmem>>) semaphore(%arg12 : memref<!tpu.dma_semaphore, #tpu.memory_space<semaphore_mem>>)
      %add3A_952 = arith.constant 2 : i32
      %add3A_953 = arith.addi %mul3A_889, %add3A_952 : i32
      %add3A_954 = arith.constant 5 : i32
      %add3A_955 = arith.addi %mul3A_891, %add3A_954 : i32
      %dma_start3A_956 = arith.constant 0 : i32
      %dma_start3A_957 = tpu.memref_slice %arg11[%add3A_955, %dma_start3A_956] : memref<512x128xf32, #tpu.memory_space<vmem>> -> memref<1x64xf32, #tpu.memory_space<vmem>>
      %dma_start3A_958 = tpu.memref_squeeze %dma_start3A_957 : memref<1x64xf32, #tpu.memory_space<vmem>> -> memref<64xf32, #tpu.memory_space<vmem>>
      %dma_start3A_959 = arith.constant 64 : i32
      %dma_start3A_960 = tpu.memref_slice %arg10[%add3A_953, %dma_start3A_959] : memref<256x128xi32, #tpu.memory_space<vmem>> -> memref<1x64xi32, #tpu.memory_space<vmem>>
      %dma_start3A_961 = tpu.memref_squeeze %dma_start3A_960 : memref<1x64xi32, #tpu.memory_space<vmem>> -> memref<64xi32, #tpu.memory_space<vmem>>
      %dma_start3A_962 = arith.constant 0 : i32
      %dma_start3A_963 = tpu.memref_slice %arg3[%dma_start3A_962] : memref<4194304xf32, #tpu.memory_space<hbm>> -> memref<4194304xf32, #tpu.memory_space<hbm>>
      tpu.enqueue_indirect_dma source(%dma_start3A_963 : memref<4194304xf32, #tpu.memory_space<hbm>>) target(%dma_start3A_958 : memref<64xf32, #tpu.memory_space<vmem>>) offsets(%dma_start3A_961 : memref<64xi32, #tpu.memory_space<vmem>>) semaphore(%arg12 : memref<!tpu.dma_semaphore, #tpu.memory_space<semaphore_mem>>)
      %add3A_964 = arith.constant 3 : i32
      %add3A_965 = arith.addi %mul3A_889, %add3A_964 : i32
      %add3A_966 = arith.constant 6 : i32
      %add3A_967 = arith.addi %mul3A_891, %add3A_966 : i32
      %dma_start3A_968 = arith.constant 0 : i32
      %dma_start3A_969 = tpu.memref_slice %arg11[%add3A_967, %dma_start3A_968] : memref<512x128xf32, #tpu.memory_space<vmem>> -> memref<1x64xf32, #tpu.memory_space<vmem>>
      %dma_start3A_970 = tpu.memref_squeeze %dma_start3A_969 : memref<1x64xf32, #tpu.memory_space<vmem>> -> memref<64xf32, #tpu.memory_space<vmem>>
      %dma_start3A_971 = arith.constant 0 : i32
      %dma_start3A_972 = tpu.memref_slice %arg10[%add3A_965, %dma_start3A_971] : memref<256x128xi32, #tpu.memory_space<vmem>> -> memref<1x64xi32, #tpu.memory_space<vmem>>
      %dma_start3A_973 = tpu.memref_squeeze %dma_start3A_972 : memref<1x64xi32, #tpu.memory_space<vmem>> -> memref<64xi32, #tpu.memory_space<vmem>>
      %dma_start3A_974 = arith.constant 0 : i32
      %dma_start3A_975 = tpu.memref_slice %arg3[%dma_start3A_974] : memref<4194304xf32, #tpu.memory_space<hbm>> -> memref<4194304xf32, #tpu.memory_space<hbm>>
      tpu.enqueue_indirect_dma source(%dma_start3A_975 : memref<4194304xf32, #tpu.memory_space<hbm>>) target(%dma_start3A_970 : memref<64xf32, #tpu.memory_space<vmem>>) offsets(%dma_start3A_973 : memref<64xi32, #tpu.memory_space<vmem>>) semaphore(%arg12 : memref<!tpu.dma_semaphore, #tpu.memory_space<semaphore_mem>>)
      %add3A_976 = arith.constant 3 : i32
      %add3A_977 = arith.addi %mul3A_889, %add3A_976 : i32
      %add3A_978 = arith.constant 7 : i32
      %add3A_979 = arith.addi %mul3A_891, %add3A_978 : i32
      %dma_start3A_980 = arith.constant 0 : i32
      %dma_start3A_981 = tpu.memref_slice %arg11[%add3A_979, %dma_start3A_980] : memref<512x128xf32, #tpu.memory_space<vmem>> -> memref<1x64xf32, #tpu.memory_space<vmem>>
      %dma_start3A_982 = tpu.memref_squeeze %dma_start3A_981 : memref<1x64xf32, #tpu.memory_space<vmem>> -> memref<64xf32, #tpu.memory_space<vmem>>
      %dma_start3A_983 = arith.constant 64 : i32
      %dma_start3A_984 = tpu.memref_slice %arg10[%add3A_977, %dma_start3A_983] : memref<256x128xi32, #tpu.memory_space<vmem>> -> memref<1x64xi32, #tpu.memory_space<vmem>>
      %dma_start3A_985 = tpu.memref_squeeze %dma_start3A_984 : memref<1x64xi32, #tpu.memory_space<vmem>> -> memref<64xi32, #tpu.memory_space<vmem>>
      %dma_start3A_986 = arith.constant 0 : i32
      %dma_start3A_987 = tpu.memref_slice %arg3[%dma_start3A_986] : memref<4194304xf32, #tpu.memory_space<hbm>> -> memref<4194304xf32, #tpu.memory_space<hbm>>
      tpu.enqueue_indirect_dma source(%dma_start3A_987 : memref<4194304xf32, #tpu.memory_space<hbm>>) target(%dma_start3A_982 : memref<64xf32, #tpu.memory_space<vmem>>) offsets(%dma_start3A_985 : memref<64xi32, #tpu.memory_space<vmem>>) semaphore(%arg12 : memref<!tpu.dma_semaphore, #tpu.memory_space<semaphore_mem>>)
      %add3A_988 = arith.constant 4 : i32
      %add3A_989 = arith.addi %mul3A_889, %add3A_988 : i32
      %add3A_990 = arith.constant 8 : i32
      %add3A_991 = arith.addi %mul3A_891, %add3A_990 : i32
      %dma_start3A_992 = arith.constant 0 : i32
      %dma_start3A_993 = tpu.memref_slice %arg11[%add3A_991, %dma_start3A_992] : memref<512x128xf32, #tpu.memory_space<vmem>> -> memref<1x64xf32, #tpu.memory_space<vmem>>
      %dma_start3A_994 = tpu.memref_squeeze %dma_start3A_993 : memref<1x64xf32, #tpu.memory_space<vmem>> -> memref<64xf32, #tpu.memory_space<vmem>>
      %dma_start3A_995 = arith.constant 0 : i32
      %dma_start3A_996 = tpu.memref_slice %arg10[%add3A_989, %dma_start3A_995] : memref<256x128xi32, #tpu.memory_space<vmem>> -> memref<1x64xi32, #tpu.memory_space<vmem>>
      %dma_start3A_997 = tpu.memref_squeeze %dma_start3A_996 : memref<1x64xi32, #tpu.memory_space<vmem>> -> memref<64xi32, #tpu.memory_space<vmem>>
      %dma_start3A_998 = arith.constant 0 : i32
      %dma_start3A_999 = tpu.memref_slice %arg3[%dma_start3A_998] : memref<4194304xf32, #tpu.memory_space<hbm>> -> memref<4194304xf32, #tpu.memory_space<hbm>>
      tpu.enqueue_indirect_dma source(%dma_start3A_999 : memref<4194304xf32, #tpu.memory_space<hbm>>) target(%dma_start3A_994 : memref<64xf32, #tpu.memory_space<vmem>>) offsets(%dma_start3A_997 : memref<64xi32, #tpu.memory_space<vmem>>) semaphore(%arg12 : memref<!tpu.dma_semaphore, #tpu.memory_space<semaphore_mem>>)
      %add3A_1000 = arith.constant 4 : i32
      %add3A_1001 = arith.addi %mul3A_889, %add3A_1000 : i32
      %add3A_1002 = arith.constant 9 : i32
      %add3A_1003 = arith.addi %mul3A_891, %add3A_1002 : i32
      %dma_start3A_1004 = arith.constant 0 : i32
      %dma_start3A_1005 = tpu.memref_slice %arg11[%add3A_1003, %dma_start3A_1004] : memref<512x128xf32, #tpu.memory_space<vmem>> -> memref<1x64xf32, #tpu.memory_space<vmem>>
      %dma_start3A_1006 = tpu.memref_squeeze %dma_start3A_1005 : memref<1x64xf32, #tpu.memory_space<vmem>> -> memref<64xf32, #tpu.memory_space<vmem>>
      %dma_start3A_1007 = arith.constant 64 : i32
      %dma_start3A_1008 = tpu.memref_slice %arg10[%add3A_1001, %dma_start3A_1007] : memref<256x128xi32, #tpu.memory_space<vmem>> -> memref<1x64xi32, #tpu.memory_space<vmem>>
      %dma_start3A_1009 = tpu.memref_squeeze %dma_start3A_1008 : memref<1x64xi32, #tpu.memory_space<vmem>> -> memref<64xi32, #tpu.memory_space<vmem>>
      %dma_start3A_1010 = arith.constant 0 : i32
      %dma_start3A_1011 = tpu.memref_slice %arg3[%dma_start3A_1010] : memref<4194304xf32, #tpu.memory_space<hbm>> -> memref<4194304xf32, #tpu.memory_space<hbm>>
      tpu.enqueue_indirect_dma source(%dma_start3A_1011 : memref<4194304xf32, #tpu.memory_space<hbm>>) target(%dma_start3A_1006 : memref<64xf32, #tpu.memory_space<vmem>>) offsets(%dma_start3A_1009 : memref<64xi32, #tpu.memory_space<vmem>>) semaphore(%arg12 : memref<!tpu.dma_semaphore, #tpu.memory_space<semaphore_mem>>)
      %add3A_1012 = arith.constant 5 : i32
      %add3A_1013 = arith.addi %mul3A_889, %add3A_1012 : i32
      %add3A_1014 = arith.constant 10 : i32
      %add3A_1015 = arith.addi %mul3A_891, %add3A_1014 : i32
      %dma_start3A_1016 = arith.constant 0 : i32
      %dma_start3A_1017 = tpu.memref_slice %arg11[%add3A_1015, %dma_start3A_1016] : memref<512x128xf32, #tpu.memory_space<vmem>> -> memref<1x64xf32, #tpu.memory_space<vmem>>
      %dma_start3A_1018 = tpu.memref_squeeze %dma_start3A_1017 : memref<1x64xf32, #tpu.memory_space<vmem>> -> memref<64xf32, #tpu.memory_space<vmem>>
      %dma_start3A_1019 = arith.constant 0 : i32
      %dma_start3A_1020 = tpu.memref_slice %arg10[%add3A_1013, %dma_start3A_1019] : memref<256x128xi32, #tpu.memory_space<vmem>> -> memref<1x64xi32, #tpu.memory_space<vmem>>
      %dma_start3A_1021 = tpu.memref_squeeze %dma_start3A_1020 : memref<1x64xi32, #tpu.memory_space<vmem>> -> memref<64xi32, #tpu.memory_space<vmem>>
      %dma_start3A_1022 = arith.constant 0 : i32
      %dma_start3A_1023 = tpu.memref_slice %arg3[%dma_start3A_1022] : memref<4194304xf32, #tpu.memory_space<hbm>> -> memref<4194304xf32, #tpu.memory_space<hbm>>
      tpu.enqueue_indirect_dma source(%dma_start3A_1023 : memref<4194304xf32, #tpu.memory_space<hbm>>) target(%dma_start3A_1018 : memref<64xf32, #tpu.memory_space<vmem>>) offsets(%dma_start3A_1021 : memref<64xi32, #tpu.memory_space<vmem>>) semaphore(%arg12 : memref<!tpu.dma_semaphore, #tpu.memory_space<semaphore_mem>>)
      %add3A_1024 = arith.constant 5 : i32
      %add3A_1025 = arith.addi %mul3A_889, %add3A_1024 : i32
      %add3A_1026 = arith.constant 11 : i32
      %add3A_1027 = arith.addi %mul3A_891, %add3A_1026 : i32
      %dma_start3A_1028 = arith.constant 0 : i32
      %dma_start3A_1029 = tpu.memref_slice %arg11[%add3A_1027, %dma_start3A_1028] : memref<512x128xf32, #tpu.memory_space<vmem>> -> memref<1x64xf32, #tpu.memory_space<vmem>>
      %dma_start3A_1030 = tpu.memref_squeeze %dma_start3A_1029 : memref<1x64xf32, #tpu.memory_space<vmem>> -> memref<64xf32, #tpu.memory_space<vmem>>
      %dma_start3A_1031 = arith.constant 64 : i32
      %dma_start3A_1032 = tpu.memref_slice %arg10[%add3A_1025, %dma_start3A_1031] : memref<256x128xi32, #tpu.memory_space<vmem>> -> memref<1x64xi32, #tpu.memory_space<vmem>>
      %dma_start3A_1033 = tpu.memref_squeeze %dma_start3A_1032 : memref<1x64xi32, #tpu.memory_space<vmem>> -> memref<64xi32, #tpu.memory_space<vmem>>
      %dma_start3A_1034 = arith.constant 0 : i32
      %dma_start3A_1035 = tpu.memref_slice %arg3[%dma_start3A_1034] : memref<4194304xf32, #tpu.memory_space<hbm>> -> memref<4194304xf32, #tpu.memory_space<hbm>>
      tpu.enqueue_indirect_dma source(%dma_start3A_1035 : memref<4194304xf32, #tpu.memory_space<hbm>>) target(%dma_start3A_1030 : memref<64xf32, #tpu.memory_space<vmem>>) offsets(%dma_start3A_1033 : memref<64xi32, #tpu.memory_space<vmem>>) semaphore(%arg12 : memref<!tpu.dma_semaphore, #tpu.memory_space<semaphore_mem>>)
      %add3A_1036 = arith.constant 6 : i32
      %add3A_1037 = arith.addi %mul3A_889, %add3A_1036 : i32
      %add3A_1038 = arith.constant 12 : i32
      %add3A_1039 = arith.addi %mul3A_891, %add3A_1038 : i32
      %dma_start3A_1040 = arith.constant 0 : i32
      %dma_start3A_1041 = tpu.memref_slice %arg11[%add3A_1039, %dma_start3A_1040] : memref<512x128xf32, #tpu.memory_space<vmem>> -> memref<1x64xf32, #tpu.memory_space<vmem>>
      %dma_start3A_1042 = tpu.memref_squeeze %dma_start3A_1041 : memref<1x64xf32, #tpu.memory_space<vmem>> -> memref<64xf32, #tpu.memory_space<vmem>>
      %dma_start3A_1043 = arith.constant 0 : i32
      %dma_start3A_1044 = tpu.memref_slice %arg10[%add3A_1037, %dma_start3A_1043] : memref<256x128xi32, #tpu.memory_space<vmem>> -> memref<1x64xi32, #tpu.memory_space<vmem>>
      %dma_start3A_1045 = tpu.memref_squeeze %dma_start3A_1044 : memref<1x64xi32, #tpu.memory_space<vmem>> -> memref<64xi32, #tpu.memory_space<vmem>>
      %dma_start3A_1046 = arith.constant 0 : i32
      %dma_start3A_1047 = tpu.memref_slice %arg3[%dma_start3A_1046] : memref<4194304xf32, #tpu.memory_space<hbm>> -> memref<4194304xf32, #tpu.memory_space<hbm>>
      tpu.enqueue_indirect_dma source(%dma_start3A_1047 : memref<4194304xf32, #tpu.memory_space<hbm>>) target(%dma_start3A_1042 : memref<64xf32, #tpu.memory_space<vmem>>) offsets(%dma_start3A_1045 : memref<64xi32, #tpu.memory_space<vmem>>) semaphore(%arg12 : memref<!tpu.dma_semaphore, #tpu.memory_space<semaphore_mem>>)
      %add3A_1048 = arith.constant 6 : i32
      %add3A_1049 = arith.addi %mul3A_889, %add3A_1048 : i32
      %add3A_1050 = arith.constant 13 : i32
      %add3A_1051 = arith.addi %mul3A_891, %add3A_1050 : i32
      %dma_start3A_1052 = arith.constant 0 : i32
      %dma_start3A_1053 = tpu.memref_slice %arg11[%add3A_1051, %dma_start3A_1052] : memref<512x128xf32, #tpu.memory_space<vmem>> -> memref<1x64xf32, #tpu.memory_space<vmem>>
      %dma_start3A_1054 = tpu.memref_squeeze %dma_start3A_1053 : memref<1x64xf32, #tpu.memory_space<vmem>> -> memref<64xf32, #tpu.memory_space<vmem>>
      %dma_start3A_1055 = arith.constant 64 : i32
      %dma_start3A_1056 = tpu.memref_slice %arg10[%add3A_1049, %dma_start3A_1055] : memref<256x128xi32, #tpu.memory_space<vmem>> -> memref<1x64xi32, #tpu.memory_space<vmem>>
      %dma_start3A_1057 = tpu.memref_squeeze %dma_start3A_1056 : memref<1x64xi32, #tpu.memory_space<vmem>> -> memref<64xi32, #tpu.memory_space<vmem>>
      %dma_start3A_1058 = arith.constant 0 : i32
      %dma_start3A_1059 = tpu.memref_slice %arg3[%dma_start3A_1058] : memref<4194304xf32, #tpu.memory_space<hbm>> -> memref<4194304xf32, #tpu.memory_space<hbm>>
      tpu.enqueue_indirect_dma source(%dma_start3A_1059 : memref<4194304xf32, #tpu.memory_space<hbm>>) target(%dma_start3A_1054 : memref<64xf32, #tpu.memory_space<vmem>>) offsets(%dma_start3A_1057 : memref<64xi32, #tpu.memory_space<vmem>>) semaphore(%arg12 : memref<!tpu.dma_semaphore, #tpu.memory_space<semaphore_mem>>)
      %add3A_1060 = arith.constant 7 : i32
      %add3A_1061 = arith.addi %mul3A_889, %add3A_1060 : i32
      %add3A_1062 = arith.constant 14 : i32
      %add3A_1063 = arith.addi %mul3A_891, %add3A_1062 : i32
      %dma_start3A_1064 = arith.constant 0 : i32
      %dma_start3A_1065 = tpu.memref_slice %arg11[%add3A_1063, %dma_start3A_1064] : memref<512x128xf32, #tpu.memory_space<vmem>> -> memref<1x64xf32, #tpu.memory_space<vmem>>
      %dma_start3A_1066 = tpu.memref_squeeze %dma_start3A_1065 : memref<1x64xf32, #tpu.memory_space<vmem>> -> memref<64xf32, #tpu.memory_space<vmem>>
      %dma_start3A_1067 = arith.constant 0 : i32
      %dma_start3A_1068 = tpu.memref_slice %arg10[%add3A_1061, %dma_start3A_1067] : memref<256x128xi32, #tpu.memory_space<vmem>> -> memref<1x64xi32, #tpu.memory_space<vmem>>
      %dma_start3A_1069 = tpu.memref_squeeze %dma_start3A_1068 : memref<1x64xi32, #tpu.memory_space<vmem>> -> memref<64xi32, #tpu.memory_space<vmem>>
      %dma_start3A_1070 = arith.constant 0 : i32
      %dma_start3A_1071 = tpu.memref_slice %arg3[%dma_start3A_1070] : memref<4194304xf32, #tpu.memory_space<hbm>> -> memref<4194304xf32, #tpu.memory_space<hbm>>
      tpu.enqueue_indirect_dma source(%dma_start3A_1071 : memref<4194304xf32, #tpu.memory_space<hbm>>) target(%dma_start3A_1066 : memref<64xf32, #tpu.memory_space<vmem>>) offsets(%dma_start3A_1069 : memref<64xi32, #tpu.memory_space<vmem>>) semaphore(%arg12 : memref<!tpu.dma_semaphore, #tpu.memory_space<semaphore_mem>>)
      %add3A_1072 = arith.constant 7 : i32
      %add3A_1073 = arith.addi %mul3A_889, %add3A_1072 : i32
      %add3A_1074 = arith.constant 15 : i32
      %add3A_1075 = arith.addi %mul3A_891, %add3A_1074 : i32
      %dma_start3A_1076 = arith.constant 0 : i32
      %dma_start3A_1077 = tpu.memref_slice %arg11[%add3A_1075, %dma_start3A_1076] : memref<512x128xf32, #tpu.memory_space<vmem>> -> memref<1x64xf32, #tpu.memory_space<vmem>>
      %dma_start3A_1078 = tpu.memref_squeeze %dma_start3A_1077 : memref<1x64xf32, #tpu.memory_space<vmem>> -> memref<64xf32, #tpu.memory_space<vmem>>
      %dma_start3A_1079 = arith.constant 64 : i32
      %dma_start3A_1080 = tpu.memref_slice %arg10[%add3A_1073, %dma_start3A_1079] : memref<256x128xi32, #tpu.memory_space<vmem>> -> memref<1x64xi32, #tpu.memory_space<vmem>>
      %dma_start3A_1081 = tpu.memref_squeeze %dma_start3A_1080 : memref<1x64xi32, #tpu.memory_space<vmem>> -> memref<64xi32, #tpu.memory_space<vmem>>
      %dma_start3A_1082 = arith.constant 0 : i32
      %dma_start3A_1083 = tpu.memref_slice %arg3[%dma_start3A_1082] : memref<4194304xf32, #tpu.memory_space<hbm>> -> memref<4194304xf32, #tpu.memory_space<hbm>>
      tpu.enqueue_indirect_dma source(%dma_start3A_1083 : memref<4194304xf32, #tpu.memory_space<hbm>>) target(%dma_start3A_1078 : memref<64xf32, #tpu.memory_space<vmem>>) offsets(%dma_start3A_1081 : memref<64xi32, #tpu.memory_space<vmem>>) semaphore(%arg12 : memref<!tpu.dma_semaphore, #tpu.memory_space<semaphore_mem>>)
    }
    %dma_wait3A_26 = arith.constant 0 : i32
    %dma_wait3A_27 = arith.constant 0 : i32
    %dma_wait3A_28 = tpu.memref_slice %arg11[%dma_wait3A_26, %dma_wait3A_27] : memref<512x128xf32, #tpu.memory_space<vmem>> -> memref<256x128xf32, #tpu.memory_space<vmem>>
    %dma_wait3A_29 = arith.constant 0 : i32
    %dma_wait3A_30 = arith.constant 0 : i32
    %dma_wait3A_31 = tpu.memref_slice %arg6[%dma_wait3A_29, %dma_wait3A_30] : memref<16384x128xf32, #tpu.memory_space<hbm>> -> memref<256x128xf32, #tpu.memory_space<hbm>>
    %dma_wait3A_32 = arith.constant 0 : i32
    %dma_wait3A_33 = arith.constant 0 : i32
    %dma_wait3A_34 = tpu.memref_slice %arg11[%dma_wait3A_32, %dma_wait3A_33] : memref<512x128xf32, #tpu.memory_space<vmem>> -> memref<256x128xf32, #tpu.memory_space<vmem>>
    %dma_wait3A_35 = arith.constant 0 : i32
    %dma_wait3A_36 = arith.constant 0 : i32
    %dma_wait3A_37 = tpu.memref_slice %arg6[%dma_wait3A_35, %dma_wait3A_36] : memref<16384x128xf32, #tpu.memory_space<hbm>> -> memref<256x128xf32, #tpu.memory_space<hbm>>
    tpu.wait_dma2 semaphore(%arg12 : memref<!tpu.dma_semaphore, #tpu.memory_space<semaphore_mem>>) src(%dma_wait3A_37 : memref<256x128xf32, #tpu.memory_space<hbm>>) dst(%dma_wait3A_34 : memref<256x128xf32, #tpu.memory_space<vmem>>)
    "tpu.region"() ({
      %run_scoped3A = tpu.sem_alloc : memref<!tpu.dma_semaphore, #tpu.memory_space<semaphore_mem>>
      %dma_start3A_38 = arith.constant 0 : i32
      %dma_start3A_39 = tpu.memref_slice %arg6[%mul3A_2, %dma_start3A_38] : memref<16384x128xf32, #tpu.memory_space<hbm>> -> memref<512x128xf32, #tpu.memory_space<hbm>>
      %dma_start3A_40 = arith.constant 0 : i32
      %dma_start3A_41 = tpu.memref_slice %arg6[%mul3A_2, %dma_start3A_40] : memref<16384x128xf32, #tpu.memory_space<hbm>> -> memref<512x128xf32, #tpu.memory_space<hbm>>
      tpu.enqueue_dma source(%arg11 : memref<512x128xf32, #tpu.memory_space<vmem>>) target(%dma_start3A_41 : memref<512x128xf32, #tpu.memory_space<hbm>>) target_semaphore(%run_scoped3A : memref<!tpu.dma_semaphore, #tpu.memory_space<semaphore_mem>>)
      %dma_wait3A_42 = arith.constant 0 : i32
      %dma_wait3A_43 = tpu.memref_slice %arg6[%mul3A_2, %dma_wait3A_42] : memref<16384x128xf32, #tpu.memory_space<hbm>> -> memref<512x128xf32, #tpu.memory_space<hbm>>
      %dma_wait3A_44 = arith.constant 0 : i32
      %dma_wait3A_45 = tpu.memref_slice %arg6[%mul3A_2, %dma_wait3A_44] : memref<16384x128xf32, #tpu.memory_space<hbm>> -> memref<512x128xf32, #tpu.memory_space<hbm>>
      tpu.wait_dma2 semaphore(%run_scoped3A : memref<!tpu.dma_semaphore, #tpu.memory_space<semaphore_mem>>) src(%arg11 : memref<512x128xf32, #tpu.memory_space<vmem>>) dst(%dma_wait3A_45 : memref<512x128xf32, #tpu.memory_space<hbm>>)
      tpu.yield
    }) : () -> ()
    return
  }
}

</mosaic_0001>

<sc_bundles>
// kernel: kernel.3.cloned.1.call-start
scs
__scs_entry_jumppad:
0x0: {  	(pc) =	sbr.rel $0x88, $3  }
0x1: {  	(tag) =	ssettag $0x0;
	lr =	simm.s32 $0x1  }
0x2: {  	[smem:$0x3F9F] =	sst lr;
	_ =	strace $0xD0000000  }
0x3: {  	_ = 	snop  }
0x4: {  	_ = 	snop  }
0x5: {  	_ = 	snop  }
0x6: {  	_ = 	snop  }
0x7: {  	_ = 	snop  }
__scs_overlays_trampoline_lowered:
0x8: {  	[smem:$0x3FAE] =	sst s0  }
0x9: {  	[smem:$0x3FAF] =	sst s1  }
0xa: {  	[smem:$0x3FB0] =	sst s2  }
0xb: {  	[smem:$0x3FB1] =	sst s3  }
0xc: {  	[smem:$0x3FB2] =	sst s4  }
0xd: {  	[smem:$0x3FB3] =	sst s5  }
0xe: {  	[smem:$0x3FB4] =	sst s6  }
0xf: {  	[smem:$0x3FB5] =	sst s7  }
0x10: {  	[smem:$0x3FB6] =	sst s8  }
0x11: {  	[smem:$0x3FB7] =	sst s9;
	s0 =	simm.s32 @!p0 $0x0  }
0x12: {  	s1 =	sld [smem:$0x3F9D];
	s0 =	simm.s32 @p0 $0x1  }
0x13: {  	[smem:$0x3FB8] =	sst s0;
	s0 =	simm.s32 @!p1 $0x0  }
0x14: {  	s2 =	sld [smem:$0x3F9C];
	s0 =	simm.s32 @p1 $0x1  }
0x15: {  	[smem:$0x3FB9] =	sst s0;
	s0 =	simm.s32 @!p2 $0x0  }
0x16: {  	s3 =	sld [smem:$0x3FDB];
	s0 =	simm.s32 @p2 $0x1  }
0x17: {  	s4 =	simm.s32 $0x1BF5;
	[smem:$0x3FBB] =	sst s0  }
0x18: {  	s0 =	sld [smem:$0x3F9E];
	_ =	swait.ge [sflag:s4], $0x0  }
0x19: {  	s7 =	sld [smem:$0x3F9F]  }
0x1a: {  	s8 =	sadd.s32 $0xFFFFE003, lr  }
0x1b: {  	s9 =	sadd.s32 $0xFFFFFEF7, lr;
	s5 =	simm.s32 $0xFFFFFFFF;
	p2 =	slt.u32 s8, $0xFFFFF086  }
0x1c: {  	p1 =	slt.u32 s9, $0xF7A;
	s5 =	simm.s32 @!p2 $0x0  }
0x1d: {  	s5 =	simm.s32 @p1 $0x1;
	p0 =	seq.s32 s7, s2  }
0x1e: {  	s7 =	smul.u32 @!p0 $0xF7A, s2;
	p2 =	seq.s32 @!p0 s5, $0x0  }
0x1f: {  	s9 =	smul.u32 $0xF7A, s1;
	s8 =	simm.s32 @!p0 $0x1BF5;
	p2 =	por !p2, p0  }
0x20: {  	[sflag:s8] =	ssyncset.s32 @!p0 $0xFFFFF086;
	s6 =	sadd.s32 @!p0 s3, s7;
	s7 =	simm.s32 @!p0 $0x108  }
0x21: {  	s3 =	sadd.s32 s3, s9;
	s6 =	sadd.s32 @!p0 $0x88, s6;
	s7 =	simm.s32 @p2 $0x1082  }
0x22: {  	[simem:s7], [sflag:s8] =	dma.local @!p0 [hbm:s6], $0xF7A  }
0x23: {  	s9 =	sor.u32 $0xD0000000, s2;
	s6 =	simm.s32 $0x108;
	_ =	swait.ge @!p0 [sflag:s8], $0x0  }
0x24: {  	s3 =	sadd.s32 $0x88, s3;
	s6 =	simm.s32 @!p1 $0x1082;
	[sflag:s4] =	ssyncset.s32 $0xFFFFF086  }
0x25: {  	[simem:s6], [sflag:s4] =	dma.local [hbm:s3], $0xF7A  }
0x26: {  	[smem:$0x3F9F] =	sst s1;
	(tag) =	ssettag s2;
	_ =	strace s9  }
0x27: {  	s1 =	sld [smem:$0x3FAF]  }
0x28: {  	s2 =	sld [smem:$0x3FB0]  }
0x29: {  	s4 =	sld [smem:$0x3FB2]  }
0x2a: {  	p0 =	seq.s32 s5, $0x0;
	s5 =	sld [smem:$0x3FB3]  }
0x2b: {  	s6 =	sld [smem:$0x3FB4]  }
0x2c: {  	s7 =	sld [smem:$0x3FB5]  }
0x2d: {  	s3 =	simm.s32 $0x108;
	s8 =	sld [smem:$0x3FB6]  }
0x2e: {  	s3 =	simm.s32 @!p0 $0x1082;
	s9 =	sld [smem:$0x3FB7]  }
0x2f: {  	lr =	sadd.s32 s0, s3;
	s0 =	sld [smem:$0x3FAE]  }
0x30: {  	s3 =	sld [smem:$0x3FB1]  }
0x31: {  	[smem:$0x3FBA] =	sst s10  }
0x32: {  	s10 =	sld [smem:$0x3FB8];
	_ =	sdelay $0x3  }
0x33: {  	p0 =	seq.s32 s10, $0x1;
	s10 =	sld [smem:$0x3FBA];
	_ =	sdelay $0x3  }
0x34: {  	[smem:$0x3FBA] =	sst s10  }
0x35: {  	s10 =	sld [smem:$0x3FB9];
	_ =	sdelay $0x3  }
0x36: {  	p1 =	seq.s32 s10, $0x1;
	s10 =	sld [smem:$0x3FBA];
	_ =	sdelay $0x3  }
0x37: {  	[smem:$0x3FBA] =	sst s10  }
0x38: {  	s10 =	sld [smem:$0x3FBB]  }
0x39: {  	_ = 	snop;
	(pc) =	sbr.ind lr, $3  }
0x3a: {  	_ = 	snop  }
0x3b: {  	_ = 	snop  }
0x3c: {  	p2 =	seq.s32 s10, $0x1;
	s10 =	sld [smem:$0x3FBA]  }
0x3d: {  	_ =	shalt  }
0x3e: {  	_ =	shalt  }
0x3f: {  	_ =	shalt  }
0x40: {  	_ =	shalt  }
0x41: {  	_ =	shalt  }
0x42: {  	_ =	shalt  }
0x43: {  	_ =	shalt  }
0x44: {  	_ =	shalt  }
0x45: {  	_ =	shalt  }
0x46: {  	_ =	shalt  }
0x47: {  	_ =	shalt  }
0x48: {  	_ =	shalt  }
0x49: {  	_ =	shalt  }
0x4a: {  	_ =	shalt  }
0x4b: {  	_ =	shalt  }
0x4c: {  	_ =	shalt  }
0x4d: {  	_ =	shalt  }
0x4e: {  	_ =	shalt  }
0x4f: {  	_ =	shalt  }
0x50: {  	_ =	shalt  }
0x51: {  	_ =	shalt  }
0x52: {  	_ =	shalt  }
0x53: {  	_ =	shalt  }
0x54: {  	_ =	shalt  }
0x55: {  	_ =	shalt  }
0x56: {  	_ =	shalt  }
0x57: {  	_ =	shalt  }
0x58: {  	_ =	shalt  }
0x59: {  	_ =	shalt  }
0x5a: {  	_ =	shalt  }
0x5b: {  	_ =	shalt  }
0x5c: {  	_ =	shalt  }
0x5d: {  	_ =	shalt  }
0x5e: {  	_ =	shalt  }
0x5f: {  	_ =	shalt  }
0x60: {  	_ =	shalt  }
0x61: {  	_ =	shalt  }
0x62: {  	_ =	shalt  }
0x63: {  	_ =	shalt  }
0x64: {  	_ =	shalt  }
0x65: {  	_ =	shalt  }
0x66: {  	_ =	shalt  }
0x67: {  	_ =	shalt  }
0x68: {  	_ =	shalt  }
0x69: {  	_ =	shalt  }
0x6a: {  	_ =	shalt  }
0x6b: {  	_ =	shalt  }
0x6c: {  	_ =	shalt  }
0x6d: {  	_ =	shalt  }
0x6e: {  	_ =	shalt  }
0x6f: {  	_ =	shalt  }
0x70: {  	_ =	shalt  }
0x71: {  	_ =	shalt  }
0x72: {  	_ =	shalt  }
0x73: {  	_ =	shalt  }
0x74: {  	_ =	shalt  }
0x75: {  	_ =	shalt  }
0x76: {  	_ =	shalt  }
0x77: {  	_ =	shalt  }
0x78: {  	_ =	shalt  }
0x79: {  	_ =	shalt  }
0x7a: {  	_ =	shalt  }
0x7b: {  	_ =	shalt  }
0x7c: {  	_ =	shalt  }
0x7d: {  	_ =	shalt  }
0x7e: {  	_ =	shalt  }
0x7f: {  	_ =	shalt  }
0x80: {  	_ =	shalt  }
0x81: {  	_ =	shalt  }
0x82: {  	_ =	shalt  }
0x83: {  	_ =	shalt  }
0x84: {  	_ =	shalt  }
0x85: {  	_ =	shalt  }
0x86: {  	_ =	shalt  }
0x87: {  	_ =	shalt  }
.Lfunc_end0:
.L_simem_size_0:
called_computation_lowered:
.L_overlay_start_0:
0x88: {  	s2 =	sld [smem:$0x3FD9]  }
0x89: {  	s3 =	sld [smem:$0x3FFE];
	_ =	sdelay $0x1  }
0x8a: {  	s1 =	srdreg.scid  }
0x8b: {  	s0 =	sand.u32 $0x1, s1  }
0x8c: {  	s17 =	sshll.u32 s0, $0xA;
	s2 =	sadd.s32 s3, s2  }
0x8d: {  	s2 =	sadd.s32 s2, s17  }
0x8e: {  	[smem:$0x3FC6] =	sst s2  }
0x8f: {  	_ = 	snop  }
0x90: {  	s2 =	sld [smem:$0x3FC8]  }
0x91: {  	s18 =	sld [smem:$0x3FD0];
	(tm) =	ssettm $0x1  }
0x92: {  	s4 =	sld [smem:$0x3FFB];
	_ =	sdelay $0x3  }
0x93: {  	_ =	strace s4  }
0x94: {  	s4 =	sld [smem:$0x3FFC];
	_ =	sdelay $0x3  }
0x95: {  	_ =	strace s4  }
0x96: {  	s4 =	sld [smem:$0x3FFD];
	_ =	sdelay $0x3  }
0x97: {  	_ =	strace s4  }
0x98: {  	_ =	strace $0x8FFFFFFF  }
0x99: {  	s19 =	sld [smem:$0x3FDB];
	_ =	sdelay $0x1  }
0x9a: {  	s5 =	simm.s32 $_scs_section_size  }
0x9b: {  	s6 =	simm.s32 $_size__tile_overlayer_lowered;
	s7 =	simm.s32 $_tile_overlayer_lowered  }
0x9c: {  	s22 =	simm.s32 $0x1BFF;
	s21 =	sshll.u32 s7, $0x1;
	s4 =	sadd.s32 s5, s19  }
0x9d: {  	s8 =	simm.s32 $0x0;
	s20 =	sshll.u32 s6, $0x1;
	s6 =	sadd.s32 s21, s4  }
0x9e: {  	[timem:s8], [sflag:s22] =	dma.local [hbm:s6], s20  }
0x9f: {  	_ =	swait.ge [sflag:s22], s20  }
0xa0: {  	s5 =	ssub.s32 $0x0, s20;
	[sflag:s22] =	ssyncset.done $0x0  }
0xa1: {  	[sflag:s22] =	ssyncadd.s32 s5;
	_ =	sdelay $0x1  }
0xa2: {  	s23 =	simm.s32 $0x1B8B  }
0xa3: {  	_ =	swait.ge [sflag:s23], $0x1  }
0xa4: {  	[sflag:s23] =	ssyncset.done $0x0  }
0xa5: {  	s25 =	simm.s32 $0x1B8E;
	s24 =	sld [smem:$0x3FFE];
	[sflag:s23] =	ssyncadd.s32 $0xFFFFFFFF  }
0xa6: {  	s26 =	simm.s32 $execute0_lowered;
	[smem:$0x3FD2] =	sst s25  }
0xa7: {  	s6 =	sshll.u32 s26, $0x1;
	_ =	strace $0x80000046;
	[dreg:$0x1] =	wrdreg $0xFFFFFFFF  }
0xa8: {  	s28 =	simm.s32 $_size_execute0_lowered;
	s4 =	sadd.s32 s4, s6;
	[dreg:$0x0] =	wrdreg $0x0  }
0xa9: {  	s6 =	sshll.u32 s28, $0x1;
	[dreg:$0x2] =	wrdreg s4  }
0xaa: {  	[dreg:$0x3] =	wrdreg s6  }
0xab: {  	[dreg:$0x4] =	wrdreg $0xC0  }
0xac: {  	_ =	task [dreg:s8], $0x5FFFF  }
0xad: {  	[dreg:$0x1] =	wrdreg $0xFFFFFFFF  }
0xae: {  	[dreg:$0x0] =	wrdreg $0x60  }
0xaf: {  	[dreg:$0x2] =	wrdreg s18  }
0xb0: {  	[dreg:$0x3] =	wrdreg s2  }
0xb1: {  	[dreg:$0x4] =	wrdreg s24  }
0xb2: {  	[dreg:$0x5] =	wrdreg $0x9  }
0xb3: {  	_ =	task.clear_ibuf [dreg:s8], $0x6FFFF;
	_ =	strace $0x90000046  }
0xb4: {  	s29 =	simm.s32 $0x9;
	_ =	strace $0x80000048  }
0xb5: {  	_ =	swait.ge [sflag:s29], $0x1  }
0xb6: {  	[sflag:s29] =	ssyncadd.s32 $0xFFFFFFFF  }
0xb7: {  	_ =	strace $0x90000048  }
0xb8: {  	_ =	sfence  }
0xb9: {  	s30 =	sld [smem:$0x0];
	_ =	sdelay $0x2  }
0xba: {  	s31 =	sshll.u32 s1, $0xD;
	s1 =	sshrl.u32 s1, $0x2  }
0xbb: {  	s3 =	sand.u32 $0x4000, s31;
	s1 =	sadd.s32 s1, s30  }
0xbc: {  	s0 =	sor.u32 s3, s0;
	s1 =	sshll.u32 s1, $0x11  }
0xbd: {  	s0 =	sor.u32 s1, s0  }
0xbe: {  	s0 =	sadd.s32 $0x8F2B, s0  }
0xbf: {  	[sflag:s0] =	ssyncadd.remote.s32 $0x1  }
0xc0: {  	_ =	sfence.sel $0xFFFF  }
0xc1: {  	[dreg:$0x0] =	wrdreg $0xFFFFFFFF;
	(pc) =	sbr.abs _section_cstart, $3  }
0xc2: {  	[dreg:$0x1] =	wrdreg $0xFFFFFFFF  }
0xc3: {  	_ =	task.clear_ibuf [dreg:s8], $0x2FFFF;
	_ =	strace $0x9FFFFFFF  }
0xc4: {  	(tm) =	ssettm $0x7FFFFFFF  }
0xc5: {  	_ =	shalt  }
tec
execute0_lowered:
.L_overlay_start_1:
0x0: {  	(tag) =	ssettag $0x1  }
0x1: {  	v1 =	vlaneseq.u32  }
0x2: {  	v0 =	vand.u32 $0x1, v1  }
0x3: {  	v13 =	vmul.u32 $0x40, v0  }
0x4: {  	v1 =	vshrl.u32 v1, $0x1  }
0x5: {  	v0 =	vmul.u32 $0x80, v1;
	v1 =	vor.u32 $0x11, v13  }
0x6: {  	[tilespmem:$0x1FCA0] =	vst v1;
	v1 =	vor.u32 $0x19, v13  }
0x7: {  	[tilespmem:$0x1FCB0] =	vst v1;
	v1 =	vor.u32 $0x1A, v13  }
0x8: {  	[tilespmem:$0x1FCC0] =	vst v1;
	v1 =	vor.u32 $0x1B, v13  }
0x9: {  	[tilespmem:$0x1FCD0] =	vst v1;
	v1 =	vor.u32 $0x1C, v13  }
0xa: {  	[tilespmem:$0x1FCE0] =	vst v1;
	v1 =	vor.u32 $0x1D, v13  }
0xb: {  	[tilespmem:$0x1FCF0] =	vst v1;
	v1 =	vor.u32 $0x1E, v13  }
0xc: {  	[tilespmem:$0x1FD00] =	vst v1;
	v1 =	vor.u32 $0x1F, v13  }
0xd: {  	s6 =	rddreg [dreg:$0x0];
	[tilespmem:$0x1FD10] =	vst v1;
	v1 =	vor.u32 $0x20, v13  }
0xe: {  	s0 =	rddreg [dreg:$0x1];
	[tilespmem:$0x1FD20] =	vst v1;
	v1 =	vor.u32 $0x21, v13  }
0xf: {  	s7 =	rddreg [dreg:$0x2];
	s2 =	simm.s32 $0x0;
	[tilespmem:$0x1FD30] =	vst v1;
	v1 =	vor.u32 $0x22, v13  }
0x10: {  	[smem:$0x7FF] =	sst s2;
	[tilespmem:$0x1FD40] =	vst v1;
	v1 =	vor.u32 $0x23, v13  }
0x11: {  	s1 =	rddreg [dreg:$0x3];
	_ =	strace $0x80000047;
	[tilespmem:$0x1FD50] =	vst v1  }
0x12: {  	[tilespmem:$0x1FDB0] =	vst v13  }
0x13: {  	v9 =	vor.u32 $0x1, v13;
	[tilespmem:$0x1FDC0] =	vst v0  }
0x14: {  	v10 =	vor.u32 $0x2, v13;
	[tilespmem:$0x1FDD0] =	vst v9  }
0x15: {  	v12 =	vor.u32 $0x3, v13;
	[tilespmem:$0x1FDE0] =	vst v10  }
0x16: {  	v15 =	vor.u32 $0x4, v13;
	[tilespmem:$0x1FDF0] =	vst v12  }
0x17: {  	v14 =	vor.u32 $0x5, v13;
	[tilespmem:$0x1FE00] =	vst v15  }
0x18: {  	v18 =	vor.u32 $0x6, v13;
	[tilespmem:$0x1FE10] =	vst v14  }
0x19: {  	v21 =	vor.u32 $0x7, v13;
	[tilespmem:$0x1FE20] =	vst v18  }
0x1a: {  	v22 =	vor.u32 $0x8, v13;
	[tilespmem:$0x1FE30] =	vst v21  }
0x1b: {  	v24 =	vor.u32 $0x9, v13;
	[tilespmem:$0x1FE40] =	vst v22  }
0x1c: {  	v27 =	vor.u32 $0xA, v13;
	[tilespmem:$0x1FE50] =	vst v24  }
0x1d: {  	v25 =	vor.u32 $0xB, v13;
	[tilespmem:$0x1FE60] =	vst v27  }
0x1e: {  	v30 =	vor.u32 $0xC, v13;
	[tilespmem:$0x1FE70] =	vst v25  }
0x1f: {  	v33 =	vor.u32 $0xD, v13;
	[tilespmem:$0x1FE80] =	vst v30  }
0x20: {  	v23 =	vor.u32 $0xE, v13;
	[tilespmem:$0x1FE90] =	vst v33  }
0x21: {  	v36 =	vor.u32 $0xF, v13;
	[tilespmem:$0x1FEA0] =	vst v23  }
0x22: {  	v40 =	vor.u32 $0x10, v13;
	[tilespmem:$0x1FEB0] =	vst v36  }
0x23: {  	v37 =	vor.u32 $0x29, v13;
	[tilespmem:$0x1FEC0] =	vst v40  }
0x24: {  	v38 =	vor.u32 $0x2A, v13;
	[tilespmem:$0x1FED0] =	vst v37  }
0x25: {  	v41 =	vor.u32 $0x2B, v13;
	[tilespmem:$0x1FEE0] =	vst v38  }
0x26: {  	v43 =	vor.u32 $0x2C, v13;
	[tilespmem:$0x1FEF0] =	vst v41  }
0x27: {  	v44 =	vor.u32 $0x2D, v13;
	[tilespmem:$0x1FF00] =	vst v43  }
0x28: {  	v50 =	vor.u32 $0x30, v13;
	[tilespmem:$0x1FF10] =	vst v44  }
0x29: {  	v29 =	vor.u32 $0x31, v13;
	[tilespmem:$0x1FF20] =	vst v50  }
0x2a: {  	v32 =	vor.u32 $0x32, v13;
	[tilespmem:$0x1FF30] =	vst v29  }
0x2b: {  	v47 =	vor.u32 $0x2E, v13;
	[tilespmem:$0x1FF40] =	vst v32  }
0x2c: {  	v28 =	vor.u32 $0x35, v13;
	[tilespmem:$0x1FF50] =	vst v47  }
0x2d: {  	v26 =	vor.u32 $0x36, v13;
	[tilespmem:$0x1FF60] =	vst v28  }
0x2e: {  	v31 =	vor.u32 $0x37, v13;
	[tilespmem:$0x1FF70] =	vst v26  }
0x2f: {  	v34 =	vor.u32 $0x38, v13;
	[tilespmem:$0x1FF80] =	vst v31  }
0x30: {  	v20 =	vor.u32 $0x39, v13;
	[tilespmem:$0x1FF90] =	vst v34  }
0x31: {  	v16 =	vor.u32 $0x3A, v13;
	[tilespmem:$0x1FFA0] =	vst v20  }
0x32: {  	v17 =	vor.u32 $0x3B, v13;
	[tilespmem:$0x1FFB0] =	vst v16  }
0x33: {  	s4 =	srdreg.scid;
	s3 =	stileid.u32;
	v19 =	vor.u32 $0x3C, v13;
	[tilespmem:$0x1FFC0] =	vst v17  }
0x34: {  	s12 =	simm.s32 $0xA00;
	s13 =	simm.s32 $0x40;
	s14 =	simm.s32 $0x1;
	v35 =	vor.u32 $0x3D, v13;
	[tilespmem:$0x1FFD0] =	vst v19  }
0x35: {  	s15 =	simm.s32 $0x8A00;
	s16 =	simm.s32 $0x3;
	s5 =	sand.u32 $0x1, s4;
	v42 =	vor.u32 $0x12, v13;
	[tilespmem:$0x1FFE0] =	vst v35  }
0x36: {  	s17 =	simm.s32 $0x0;
	s8 =	sshll.u32 s3, $0xA;
	s9 =	sshll.u32 s5, $0x9;
	v1 =	vor.u32 $0x24, v13;
	[tilespmem:$0x1FFF0] =	vst v42  }
0x37: {  	s4 =	sadd.s32 $0x600, s7;
	s31 =	ssub.s32 $0x2, s5;
	s8 =	sor.u32 s9, s8;
	v45 =	vor.u32 $0x13, v13;
	[tilespmem:$0x1FD60] =	vst v1;
	v1 =	vor.u32 $0x25, v13  }
0x38: {  	s5 =	sadd.s32 $0x400, s7;
	s11 =	sshrl.u32 s31, $0x1;
	v46 =	vor.u32 $0x14, v13;
	v48 =	vor.u32 $0x15, v13;
	s10 =	sshll.u32 s8, $0x4;
	[tilespmem:$0x1FD70] =	vst v1;
	v1 =	vor.u32 $0x26, v13  }
0x39: {  	v51 =	vor.u32 $0x16, v13;
	v52 =	vor.u32 $0x17, v13;
	s9 =	ssub.s32 s31, s11;
	s8 =	sshrl.u32 s8, $0x3;
	s11 =	simm.s32 $0x2;
	[tilespmem:$0x1FD80] =	vst v1;
	v1 =	vor.u32 $0x27, v13  }
0x3a: {  	v54 =	vor.u32 $0x18, v13;
	v49 =	vor.u32 $0x2F, v13;
	s7 =	sadd.s32 s10, s7;
	s6 =	sadd.s32 s6, s8;
	s8 =	smax.u32 s9, $0x1;
	[tilespmem:$0x1FD90] =	vst v1;
	v1 =	vor.u32 $0x28, v13  }
0x3b: {  	v53 =	vor.u32 $0x33, v13;
	v55 =	vor.u32 $0x34, v13;
	s9 =	simm.s32 $0x200;
	s10 =	simm.s32 $0x600;
	s7 =	sadd.s32 $0x800, s7;
	[tilespmem:$0x1FDA0] =	vst v1  }
.LBB2_1:
0x3c: {  	[tilespmem:s2], [sflag:$0x2] =	stream.linear.gather [hbm4b:s6+s2], $0x200, $0x38;
	[tilespmem:$0x18A00] =	vst v63  }
0x3d: {  	_ = 	snop  }
0x3e: {  	[tilespmem:s9], [sflag:$0x2] =	stream.linear.gather [hbm4b:s4+s2], $0x400, $0x38;
	[tilespmem:$0x18A00] =	vst v63  }
0x3f: {  	_ = 	snop  }
0x40: {  	[tilespmem:s10], [sflag:$0x2] =	stream.linear.gather [hbm4b:s5+s2], $0x400, $0x38;
	[tilespmem:$0x18A00] =	vst v63  }
0x41: {  	_ =	swait.ge [sflag:s11], $0x200  }
0x42: {  	[sflag:s11] =	ssyncset.done $0x0  }
0x43: {  	[sflag:s11] =	ssyncadd.s32 $0xFFFFFE00  }
0x44: {  	_ =	swait.ge [sflag:s11], $0x400  }
0x45: {  	[sflag:s11] =	ssyncset.done $0x0  }
0x46: {  	[sflag:s11] =	ssyncadd.s32 $0xFFFFFC00  }
0x47: {  	_ =	swait.ge [sflag:s11], $0x400  }
0x48: {  	s18 =	simm.s32 $0xA00;
	s19 =	simm.s32 $0x0;
	[sflag:s11] =	ssyncset.done $0x0  }
0x49: {  	s20 =	simm.s32 $0x0;
	s21 =	simm.s32 $0x0;
	[sflag:s11] =	ssyncadd.s32 $0xFFFFFC00  }
.LBB2_2:
0x4a: {  	v1 =	vld [tilespmem:s19+$0x0];
	_ =	sdelay $0x4  }
0x4b: {  	v2 =	vshrl.u32 v1, $0xA  }
0x4c: {  	v1 =	vand.u32 $0x3FF, v1;
	_ =	sdelay $0x3  }
0x4d: {  	v2 =	vld.idx.msk [tilespmem:v2+s9+$0x0], $0xffff  }
0x4e: {  	v1 =	vld.idx.msk [tilespmem:v1+s10+$0x0], $0xffff;
	_ =	sdelay $0x4  }
0x4f: {  	v1 =	vadd.s32 v2, v1  }
0x50: {  	v2 =	vshra.s32 v1, $0x1F  }
0x51: {  	v2 =	vand.u32 $0x797A8D77, v2  }
0x52: {  	v63 =	vadd.s32 v1, v2  }
0x53: {  	v1 =	vadd.s32 $0xAC548A44, v63  }
0x54: {  	v2 =	vshra.s32 v1, $0x1F  }
0x55: {  	v2 =	vand.u32 $0x3A8D77, v2  }
0x56: {  	v3 =	vmov s20;
	v1 =	vadd.s32 v1, v2  }
0x57: {  	v3 =	vshll.u32 v3, $0x7;
	v6 =	vadd.s32 $0x92F5B678, v63;
	v1 =	vand.u32 $0x3FFFFF, v1  }
0x58: {  	v7 =	vshra.s32 v6, $0x1F;
	[tilespmem:$0x1FB40] =	vst v1;
	v1 =	vor.u32 v0, v3  }
0x59: {  	v7 =	vand.u32 $0x3A8D77, v7;
	v0 =	vor.u32 v13, v1  }
0x5a: {  	v6 =	vadd.s32 v6, v7;
	[tilespmem:$0x1FB50] =	vst v0;
	v0 =	vor.u32 v9, v1  }
0x5b: {  	[tilespmem:$0x1FB60] =	vst v0;
	v0 =	vand.u32 $0x3FFFFF, v6  }
0x5c: {  	v8 =	vadd.s32 $0xFFC0DA09, v63;
	[tilespmem:$0x1FB70] =	vst v0;
	v0 =	vld [tilespmem:$0x1FDE0]  }
0x5d: {  	v9 =	vshra.s32 v8, $0x1F  }
0x5e: {  	v11 =	vadd.s32 $0xF3117023, v63;
	v39 =	vand.u32 $0x3A8D77, v9;
	v9 =	vor.u32 v12, v1  }
0x5f: {  	v12 =	vadd.s32 $0xE662063D, v63;
	v7 =	vadd.s32 v8, v39;
	v8 =	vshra.s32 v11, $0x1F  }
0x60: {  	v13 =	vshra.s32 v12, $0x1F;
	v8 =	vand.u32 $0x3A8D77, v8  }
0x61: {  	v8 =	vadd.s32 v11, v8;
	v10 =	vor.u32 v0, v1;
	v0 =	vand.u32 $0x3FFFFF, v7  }
0x62: {  	v13 =	vand.u32 $0x3A8D77, v13;
	[tilespmem:$0x1FB80] =	vst v0;
	v0 =	vand.u32 $0x3FFFFF, v8  }
0x63: {  	v12 =	vadd.s32 v12, v13;
	[tilespmem:$0x1FB90] =	vst v0;
	v0 =	vor.u32 v15, v1  }
0x64: {  	[tilespmem:$0x1FBA0] =	vst v0;
	v0 =	vand.u32 $0x3FFFFF, v12  }
0x65: {  	[tilespmem:$0x1FBB0] =	vst v0;
	v0 =	vld [tilespmem:$0x1FE10]  }
0x66: {  	v14 =	vadd.s32 $0xD9B29C57, v63  }
0x67: {  	v15 =	vshra.s32 v14, $0x1F  }
0x68: {  	v17 =	vadd.s32 $0xCD033271, v63;
	v13 =	vand.u32 $0x3A8D77, v15  }
0x69: {  	v13 =	vadd.s32 v14, v13;
	v14 =	vshra.s32 v17, $0x1F  }
0x6a: {  	v14 =	vand.u32 $0x3A8D77, v14;
	v12 =	vor.u32 v0, v1;
	v0 =	vand.u32 $0x3FFFFF, v13  }
0x6b: {  	v5 =	vadd.s32 $0x9FA5205E, v63;
	v14 =	vadd.s32 v17, v14;
	[tilespmem:$0x1FBC0] =	vst v0;
	v0 =	vor.u32 v18, v1  }
0x6c: {  	v20 =	vadd.s32 $0xB3A45EA5, v63;
	[tilespmem:$0x1FBD0] =	vst v0;
	v0 =	vand.u32 $0x3FFFFF, v14  }
0x6d: {  	v23 =	vadd.s32 $0xA6F4F4BF, v63;
	v18 =	vadd.s32 $0xC053C88B, v63;
	[tilespmem:$0x1FBE0] =	vst v0;
	v0 =	vld [tilespmem:$0x1FE40]  }
0x6e: {  	v26 =	vadd.s32 $0x8D9620F3, v63;
	v29 =	vadd.s32 $0xFA614484, v63;
	v19 =	vshra.s32 v18, $0x1F  }
0x6f: {  	v14 =	vor.u32 v21, v1;
	v21 =	vshra.s32 v20, $0x1F;
	v19 =	vand.u32 $0x3A8D77, v19  }
0x70: {  	v32 =	vadd.s32 $0xE10270B8, v63;
	v18 =	vadd.s32 v18, v19;
	v19 =	vand.u32 $0x3A8D77, v21  }
0x71: {  	v35 =	vadd.s32 $0xD45306D2, v63;
	v44 =	vadd.s32 $0xC7A39CEC, v63;
	v19 =	vadd.s32 v20, v19  }
0x72: {  	v20 =	vshra.s32 v23, $0x1F;
	v16 =	vor.u32 v0, v1;
	v0 =	vand.u32 $0x3FFFFF, v19  }
0x73: {  	v20 =	vand.u32 $0x3A8D77, v20;
	[tilespmem:$0x1FBF0] =	vst v0;
	v0 =	vor.u32 v24, v1;
	v24 =	vadd.s32 $0x9A458AD9, v63  }
0x74: {  	v38 =	vadd.s32 $0xBAF43306, v63;
	v20 =	vadd.s32 v23, v20;
	v25 =	vshra.s32 v24, $0x1F  }
0x75: {  	[tilespmem:$0x1FC00] =	vst v0;
	v0 =	vand.u32 $0x3FFFFF, v20;
	v25 =	vand.u32 $0x3A8D77, v25  }
0x76: {  	v56 =	vadd.s32 $0xA1955F3A, v63;
	[tilespmem:$0x1FC10] =	vst v0;
	v0 =	vor.u32 v27, v1;
	v24 =	vadd.s32 v24, v25  }
0x77: {  	v60 =	vadd.s32 $0xF501AEFF, v63;
	[tilespmem:$0x1FC20] =	vst v0;
	v0 =	vand.u32 $0x3FFFFF, v24  }
0x78: {  	v4 =	vshra.s32 v5, $0x1F;
	v41 =	vshra.s32 v32, $0x1F;
	v43 =	vshra.s32 v35, $0x1F;
	[tilespmem:$0x1FC30] =	vst v0;
	v0 =	vld [tilespmem:$0x1FE70]  }
0x79: {  	v37 =	vshra.s32 v44, $0x1F;
	v61 =	vshra.s32 v60, $0x1F;
	v3 =	vand.u32 $0x3A8D77, v4  }
0x7a: {  	v37 =	vand.u32 $0x3A8D77, v37;
	v3 =	vadd.s32 v5, v3;
	v27 =	vshra.s32 v26, $0x1F  }
0x7b: {  	v5 =	vadd.s32 $0xDBA2DB33, v63;
	v39 =	vshra.s32 v38, $0x1F;
	v25 =	vand.u32 $0x3A8D77, v27  }
0x7c: {  	v17 =	vand.u32 $0x3FFFFF, v18;
	v25 =	vadd.s32 v26, v25;
	v26 =	vshra.s32 v29, $0x1F  }
0x7d: {  	v26 =	vand.u32 $0x3A8D77, v26;
	v18 =	vor.u32 v0, v1;
	v0 =	vand.u32 $0x3FFFFF, v25  }
0x7e: {  	v47 =	vand.u32 $0x3A8D77, v39;
	v26 =	vadd.s32 v29, v26;
	[tilespmem:$0x1FC40] =	vst v0;
	v0 =	vor.u32 v30, v1  }
0x7f: {  	v6 =	vshra.s32 v5, $0x1F;
	v30 =	vadd.s32 $0xEDB1DA9E, v63;
	[tilespmem:$0x1FC50] =	vst v0;
	v0 =	vand.u32 $0x3FFFFF, v26  }
0x80: {  	v7 =	vadd.s32 $0xCEF3714D, v63;
	v20 =	vor.u32 v33, v1;
	v31 =	vshra.s32 v30, $0x1F;
	[tilespmem:$0x1FC60] =	vst v0;
	v0 =	vld [tilespmem:$0x1FEA0]  }
0x81: {  	v33 =	vmovc v49;
	v49 =	vand.u32 $0x3A8D77, v61;
	v26 =	vor.u32 v40, v1;
	v31 =	vand.u32 $0x3A8D77, v31  }
0x82: {  	v40 =	vor.u32 v42, v1;
	v30 =	vadd.s32 v30, v31;
	v31 =	vand.u32 $0x3A8D77, v41  }
0x83: {  	v41 =	vadd.s32 $0xAE44C920, v63;
	v31 =	vadd.s32 v32, v31;
	v32 =	vand.u32 $0x3A8D77, v43  }
0x84: {  	v50 =	vshra.s32 v41, $0x1F;
	v43 =	vshra.s32 v56, $0x1F;
	v32 =	vadd.s32 v35, v32  }
0x85: {  	v43 =	vand.u32 $0x3A8D77, v43;
	v22 =	vor.u32 v0, v1;
	v0 =	vand.u32 $0x3FFFFF, v31  }
0x86: {  	[tilespmem:$0x1FC70] =	vst v0;
	v0 =	vor.u32 v36, v1;
	v36 =	vadd.s32 v44, v37;
	v37 =	vadd.s32 v38, v47  }
0x87: {  	v38 =	vand.u32 $0x3A8D77, v50;
	v44 =	vadd.s32 $0x94E5F554, v63;
	v47 =	vadd.s32 $0x88368B6E, v63  }
0x88: {  	v42 =	vadd.s32 v56, v43;
	v50 =	vadd.s32 $0xE8524519, v63;
	[tilespmem:$0x1FC80] =	vst v0;
	v0 =	vand.u32 $0x3FFFFF, v32  }
0x89: {  	v25 =	vand.u32 $0x3FFFFF, v36;
	v38 =	vadd.s32 v41, v38;
	v41 =	vor.u32 v45, v1  }
0x8a: {  	v35 =	vmovc v45;
	v57 =	vshra.s32 v44, $0x1F;
	v59 =	vshra.s32 v47, $0x1F;
	v45 =	vor.u32 v48, v1  }
0x8b: {  	v32 =	vmovc v48;
	v62 =	vshra.s32 v50, $0x1F;
	v48 =	vadd.s32 v60, v49;
	v60 =	vadd.s32 $0xC2440767, v63  }
0x8c: {  	v58 =	vand.u32 $0x3A8D77, v57;
	v4 =	vand.u32 $0x3A8D77, v62;
	v56 =	vshra.s32 v60, $0x1F  }
0x8d: {  	v57 =	vadd.s32 $0xB5949D81, v63;
	v43 =	vadd.s32 v44, v58;
	v44 =	vand.u32 $0x3A8D77, v59  }
0x8e: {  	v49 =	vadd.s32 v50, v4;
	v50 =	vand.u32 $0x3A8D77, v6;
	v59 =	vshra.s32 v7, $0x1F  }
0x8f: {  	v31 =	vmovc v51;
	v61 =	vand.u32 $0x3A8D77, v56;
	v62 =	vshra.s32 v57, $0x1F;
	v58 =	vadd.s32 $0x9C35C9B5, v63  }
0x90: {  	[tilespmem:$0x1FC90] =	vst v0;
	v0 =	vld [tilespmem:$0x1FCA0];
	v44 =	vadd.s32 v47, v44;
	v47 =	vor.u32 v51, v1;
	v51 =	vor.u32 v54, v1  }
0x91: {  	v36 =	vmovc v54;
	v50 =	vadd.s32 v5, v50;
	v54 =	vand.u32 $0x3A8D77, v59;
	v4 =	vand.u32 $0x3A8D77, v62  }
0x92: {  	v34 =	vmovc v53;
	v5 =	vadd.s32 $0xA8E5339B, v63;
	v59 =	vshra.s32 v58, $0x1F;
	v53 =	vadd.s32 v7, v54  }
0x93: {  	v39 =	vmovc v55;
	v54 =	vadd.s32 v60, v61;
	v55 =	vadd.s32 v57, v4;
	v6 =	vshra.s32 v5, $0x1F  }
0x94: {  	v60 =	vadd.s32 $0x8F865FCF, v63;
	v7 =	vand.u32 $0x3A8D77, v59;
	v4 =	vadd.s32 $0xFC518360, v63  }
0x95: {  	v57 =	vand.u32 $0x3A8D77, v6;
	v61 =	vshra.s32 v60, $0x1F;
	v24 =	vor.u32 v0, v1  }
0x96: {  	v56 =	vadd.s32 v5, v57;
	v57 =	vadd.s32 v58, v7;
	v62 =	vand.u32 $0x3A8D77, v61  }
0x97: {  	v5 =	vshra.s32 v4, $0x1F;
	v61 =	vadd.s32 $0xEFA2197A, v63;
	v0 =	vadd.s32 $0xE2F2AF94, v63  }
0x98: {  	v58 =	vadd.s32 v60, v62;
	v62 =	vshra.s32 v61, $0x1F;
	v7 =	vshra.s32 v0, $0x1F  }
0x99: {  	v60 =	vand.u32 $0x3A8D77, v5;
	v6 =	vand.u32 $0x3A8D77, v62;
	v62 =	vand.u32 $0x3A8D77, v7  }
0x9a: {  	v59 =	vadd.s32 v4, v60;
	v4 =	vadd.s32 v0, v62;
	v0 =	vld [tilespmem:$0x1FCC0];
	_ =	sdelay $0x4  }
0x9b: {  	v62 =	vor.u32 v0, v1;
	v0 =	vld [tilespmem:$0x1FCD0];
	_ =	sdelay $0x1  }
0x9c: {  	v2 =	vld [tilespmem:$0x1FCB0];
	_ =	sdelay $0x2  }
0x9d: {  	v5 =	vor.u32 v0, v1;
	v0 =	vld [tilespmem:$0x1FCE0];
	_ =	sdelay $0x1  }
0x9e: {  	v60 =	vadd.s32 v61, v6;
	v61 =	vor.u32 v2, v1;
	v2 =	vld [tilespmem:$0x1FB50];
	_ =	sdelay $0x2  }
0x9f: {  	v6 =	vor.u32 v0, v1;
	v0 =	vld [tilespmem:$0x1FB40];
	_ =	sdelay $0x4  }
0xa0: {  	[tilespmem:v2+s12+$0x0] =	vst.idx.msk $0xffff, v0;
	v0 =	vld [tilespmem:$0x1FCF0];
	_ =	sdelay $0x4  }
0xa1: {  	v11 =	vand.u32 $0x3FFFFF, v58;
	v58 =	vor.u32 v0, v1;
	v0 =	vld [tilespmem:$0x1FD00];
	_ =	sdelay $0x4  }
0xa2: {  	v7 =	vor.u32 v0, v1;
	v0 =	vld [tilespmem:$0x1FB60];
	_ =	sdelay $0x5  }
0xa3: {  	v15 =	vld [tilespmem:$0x1FBA0]  }
0xa4: {  	v3 =	vand.u32 $0x3FFFFF, v3;
	v2 =	vld [tilespmem:$0x1FB70]  }
0xa5: {  	[tilespmem:v0+s12+$0x0] =	vst.idx.msk $0xffff, v3;
	v3 =	vld [tilespmem:$0x1FB80]  }
0xa6: {  	v13 =	vld [tilespmem:$0x1FB90];
	_ =	sdelay $0x2  }
0xa7: {  	[tilespmem:v10+s12+$0x0] =	vst.idx.msk $0xffff, v2  }
0xa8: {  	[tilespmem:v9+s12+$0x0] =	vst.idx.msk $0xffff, v3  }
0xa9: {  	[tilespmem:v15+s12+$0x0] =	vst.idx.msk $0xffff, v13;
	v13 =	vld [tilespmem:$0x1FBB0];
	_ =	sdelay $0x1  }
0xaa: {  	v15 =	vld [tilespmem:$0x1FBD0];
	_ =	sdelay $0x2  }
0xab: {  	[tilespmem:v12+s12+$0x0] =	vst.idx.msk $0xffff, v13;
	v13 =	vld [tilespmem:$0x1FBC0];
	_ =	sdelay $0x3  }
0xac: {  	v19 =	vld [tilespmem:$0x1FC00]  }
0xad: {  	[tilespmem:v15+s12+$0x0] =	vst.idx.msk $0xffff, v13;
	v15 =	vld [tilespmem:$0x1FBE0];
	_ =	sdelay $0x1  }
0xae: {  	v21 =	vld [tilespmem:$0x1FBF0];
	_ =	sdelay $0x2  }
0xaf: {  	[tilespmem:v14+s12+$0x0] =	vst.idx.msk $0xffff, v15  }
0xb0: {  	[tilespmem:v16+s12+$0x0] =	vst.idx.msk $0xffff, v17  }
0xb1: {  	[tilespmem:v19+s12+$0x0] =	vst.idx.msk $0xffff, v21;
	v19 =	vld [tilespmem:$0x1FC20];
	_ =	sdelay $0x2  }
0xb2: {  	v21 =	vld [tilespmem:$0x1FC10];
	_ =	sdelay $0x2  }
0xb3: {  	v0 =	vld [tilespmem:$0x1FD10]  }
0xb4: {  	v2 =	vld [tilespmem:$0x1FD20]  }
0xb5: {  	[tilespmem:v19+s12+$0x0] =	vst.idx.msk $0xffff, v21;
	v19 =	vld [tilespmem:$0x1FC30];
	_ =	sdelay $0x1  }
0xb6: {  	v21 =	vld [tilespmem:$0x1FC50];
	_ =	sdelay $0x1  }
0xb7: {  	v8 =	vor.u32 v0, v1;
	v0 =	vadd.s32 $0xD64345AE, v63  }
0xb8: {  	v10 =	vand.u32 $0x3FFFFF, v60;
	v60 =	vor.u32 v2, v1;
	v2 =	vshra.s32 v0, $0x1F;
	[tilespmem:v18+s12+$0x0] =	vst.idx.msk $0xffff, v19;
	v19 =	vld [tilespmem:$0x1FC40]  }
0xb9: {  	v3 =	vand.u32 $0x3A8D77, v2;
	v2 =	vld [tilespmem:$0x1FD30];
	_ =	sdelay $0x1  }
0xba: {  	v28 =	vor.u32 v46, v1;
	v23 =	vand.u32 $0x3FFFFF, v30;
	v30 =	vor.u32 v52, v1  }
0xbb: {  	v42 =	vand.u32 $0x3FFFFF, v42;
	v37 =	vand.u32 $0x3FFFFF, v37;
	v38 =	vand.u32 $0x3FFFFF, v38;
	v29 =	vld [tilespmem:$0x1FC80]  }
0xbc: {  	v48 =	vand.u32 $0x3FFFFF, v48;
	v43 =	vand.u32 $0x3FFFFF, v43;
	v49 =	vand.u32 $0x3FFFFF, v49;
	[tilespmem:v21+s12+$0x0] =	vst.idx.msk $0xffff, v19;
	v21 =	vld [tilespmem:$0x1FC60]  }
0xbd: {  	v44 =	vand.u32 $0x3FFFFF, v44;
	v9 =	vor.u32 v2, v1;
	v2 =	vadd.s32 $0xC993DBC8, v63  }
0xbe: {  	v27 =	vld [tilespmem:$0x1FC70];
	v50 =	vand.u32 $0x3FFFFF, v50;
	v0 =	vadd.s32 v0, v3;
	v3 =	vshra.s32 v2, $0x1F  }
0xbf: {  	v53 =	vand.u32 $0x3FFFFF, v53;
	v54 =	vand.u32 $0x3FFFFF, v54;
	v3 =	vand.u32 $0x3A8D77, v3  }
0xc0: {  	v55 =	vand.u32 $0x3FFFFF, v55;
	v2 =	vadd.s32 v2, v3;
	v3 =	vadd.s32 $0xBCE471E2, v63  }
0xc1: {  	v56 =	vand.u32 $0x3FFFFF, v56;
	v12 =	vld [tilespmem:$0x1FD40];
	v14 =	vshra.s32 v3, $0x1F;
	v15 =	vadd.s32 $0xB03507FC, v63;
	[tilespmem:v20+s12+$0x0] =	vst.idx.msk $0xffff, v21  }
0xc2: {  	v57 =	vand.u32 $0x3FFFFF, v57;
	v13 =	vld [tilespmem:$0x1FD50];
	v14 =	vand.u32 $0x3A8D77, v14;
	v17 =	vshra.s32 v15, $0x1F;
	[tilespmem:v22+s12+$0x0] =	vst.idx.msk $0xffff, v23  }
0xc3: {  	v3 =	vadd.s32 v3, v14;
	v14 =	vand.u32 $0x3A8D77, v17;
	v17 =	vadd.s32 $0xA3859E16, v63;
	[tilespmem:v29+s12+$0x0] =	vst.idx.msk $0xffff, v27;
	v27 =	vld [tilespmem:$0x1FC90]  }
0xc4: {  	v59 =	vand.u32 $0x3FFFFF, v59;
	v14 =	vadd.s32 v15, v14;
	v15 =	vshra.s32 v17, $0x1F  }
0xc5: {  	v4 =	vand.u32 $0x3FFFFF, v4;
	v0 =	vand.u32 $0x3FFFFF, v0;
	v15 =	vand.u32 $0x3A8D77, v15  }
0xc6: {  	v12 =	vor.u32 v12, v1;
	v16 =	vld [tilespmem:$0x1FD60];
	v15 =	vadd.s32 v17, v15;
	v17 =	vadd.s32 $0x96D63430, v63  }
0xc7: {  	v2 =	vand.u32 $0x3FFFFF, v2;
	v18 =	vld [tilespmem:$0x1FD70];
	v20 =	vshra.s32 v17, $0x1F;
	v21 =	vadd.s32 $0x8A26CA4A, v63  }
0xc8: {  	v13 =	vor.u32 v13, v1;
	v19 =	vld [tilespmem:$0x1FD80];
	v20 =	vand.u32 $0x3A8D77, v20;
	v23 =	vshra.s32 v21, $0x1F;
	[tilespmem:v26+s12+$0x0] =	vst.idx.msk $0xffff, v27  }
0xc9: {  	v17 =	vadd.s32 v17, v20;
	v20 =	vand.u32 $0x3A8D77, v23;
	v23 =	vadd.s32 $0xF6F1EDDB, v63;
	[tilespmem:v24+s12+$0x0] =	vst.idx.msk $0xffff, v25  }
0xca: {  	v3 =	vand.u32 $0x3FFFFF, v3;
	v20 =	vadd.s32 v21, v20;
	v21 =	vshra.s32 v23, $0x1F;
	[tilespmem:v40+s12+$0x0] =	vst.idx.msk $0xffff, v37;
	v37 =	vld [tilespmem:$0x1FED0]  }
0xcb: {  	v14 =	vand.u32 $0x3FFFFF, v14;
	v16 =	vor.u32 v16, v1;
	v21 =	vand.u32 $0x3A8D77, v21;
	[tilespmem:v41+s12+$0x0] =	vst.idx.msk $0xffff, v38;
	v38 =	vld [tilespmem:$0x1FEE0]  }
0xcc: {  	v15 =	vand.u32 $0x3FFFFF, v15;
	v21 =	vadd.s32 v23, v21;
	v23 =	vadd.s32 $0xEA4283F5, v63;
	[tilespmem:v28+s12+$0x0] =	vst.idx.msk $0xffff, v42  }
0xcd: {  	v18 =	vor.u32 v18, v1;
	v19 =	vor.u32 v19, v1;
	v22 =	vld [tilespmem:$0x1FD90];
	v26 =	vshra.s32 v23, $0x1F;
	[tilespmem:v45+s12+$0x0] =	vst.idx.msk $0xffff, v43  }
0xce: {  	v17 =	vand.u32 $0x3FFFFF, v17;
	v27 =	vadd.s32 $0xDD931A0F, v63;
	v26 =	vand.u32 $0x3A8D77, v26;
	[tilespmem:v47+s12+$0x0] =	vst.idx.msk $0xffff, v44  }
0xcf: {  	v29 =	vshra.s32 v27, $0x1F;
	v23 =	vadd.s32 v23, v26;
	v25 =	vor.u32 v37, v1;
	v37 =	vld [tilespmem:$0x1FF00];
	[tilespmem:v30+s12+$0x0] =	vst.idx.msk $0xffff, v48  }
0xd0: {  	v26 =	vand.u32 $0x3A8D77, v29;
	v29 =	vadd.s32 $0xD0E3B029, v63;
	v28 =	vor.u32 v38, v1;
	v38 =	vld [tilespmem:$0x1FF10];
	[tilespmem:v51+s12+$0x0] =	vst.idx.msk $0xffff, v49  }
0xd1: {  	v20 =	vand.u32 $0x3FFFFF, v20;
	v41 =	vld [tilespmem:$0x1FEF0];
	v26 =	vadd.s32 v27, v26;
	v27 =	vshra.s32 v29, $0x1F;
	[tilespmem:v61+s12+$0x0] =	vst.idx.msk $0xffff, v50  }
0xd2: {  	v22 =	vor.u32 v22, v1;
	v21 =	vand.u32 $0x3FFFFF, v21;
	v27 =	vand.u32 $0x3A8D77, v27;
	[tilespmem:v62+s12+$0x0] =	vst.idx.msk $0xffff, v53  }
0xd3: {  	v24 =	vld [tilespmem:$0x1FDA0];
	v27 =	vadd.s32 v29, v27;
	v29 =	vadd.s32 $0xC4344643, v63;
	v43 =	vadd.s32 $0xAAD57277, v63;
	v48 =	vmovc v32;
	[tilespmem:v5+s12+$0x0] =	vst.idx.msk $0xffff, v54  }
0xd4: {  	v51 =	vmovc v31;
	v61 =	vshra.s32 v29, $0x1F;
	v31 =	vor.u32 v37, v1;
	v37 =	vadd.s32 $0xB784DC5D, v63;
	[tilespmem:v6+s12+$0x0] =	vst.idx.msk $0xffff, v55  }
0xd5: {  	v53 =	vmovc v34;
	v32 =	vand.u32 $0x3A8D77, v61;
	v34 =	vor.u32 v38, v1;
	v38 =	vshra.s32 v37, $0x1F;
	[tilespmem:v58+s12+$0x0] =	vst.idx.msk $0xffff, v56  }
0xd6: {  	v30 =	vor.u32 v41, v1;
	v41 =	vadd.s32 v29, v32;
	v29 =	vand.u32 $0x3A8D77, v38;
	[tilespmem:v7+s12+$0x0] =	vst.idx.msk $0xffff, v57  }
0xd7: {  	v23 =	vand.u32 $0x3FFFFF, v23;
	v44 =	vadd.s32 v37, v29;
	v29 =	vshra.s32 v43, $0x1F;
	[tilespmem:v8+s12+$0x0] =	vst.idx.msk $0xffff, v11  }
0xd8: {  	v26 =	vand.u32 $0x3FFFFF, v26;
	v24 =	vor.u32 v24, v1;
	v29 =	vand.u32 $0x3A8D77, v29;
	[tilespmem:v60+s12+$0x0] =	vst.idx.msk $0xffff, v59  }
0xd9: {  	v47 =	vld [tilespmem:$0x1FF50];
	v27 =	vand.u32 $0x3FFFFF, v27;
	v58 =	vadd.s32 $0x9E260891, v63;
	v29 =	vadd.s32 v43, v29;
	[tilespmem:v9+s12+$0x0] =	vst.idx.msk $0xffff, v10  }
0xda: {  	v11 =	vshra.s32 v58, $0x1F;
	v8 =	vand.u32 $0x3FFFFF, v29;
	v29 =	vadd.s32 $0x91769EAB, v63;
	[tilespmem:v12+s12+$0x0] =	vst.idx.msk $0xffff, v4  }
0xdb: {  	v5 =	vand.u32 $0x3FFFFF, v41;
	v11 =	vand.u32 $0x3A8D77, v11;
	v61 =	vshra.s32 v29, $0x1F;
	[tilespmem:v13+s12+$0x0] =	vst.idx.msk $0xffff, v0  }
0xdc: {  	v50 =	vld [tilespmem:$0x1FF20];
	v9 =	vadd.s32 v58, v11;
	v11 =	vadd.s32 $0xFE41C23C, v63;
	v10 =	vand.u32 $0x3A8D77, v61;
	[tilespmem:v16+s12+$0x0] =	vst.idx.msk $0xffff, v2  }
0xdd: {  	v49 =	vmovc v33;
	v38 =	vand.u32 $0x3FFFFF, v9;
	v9 =	vadd.s32 v29, v10;
	v10 =	vshra.s32 v11, $0x1F;
	[tilespmem:v18+s12+$0x0] =	vst.idx.msk $0xffff, v3  }
0xde: {  	v62 =	vld [tilespmem:$0x1FF40];
	v56 =	vor.u32 v47, v1;
	v57 =	vor.u32 v49, v1;
	v10 =	vand.u32 $0x3A8D77, v10;
	[tilespmem:v19+s12+$0x0] =	vst.idx.msk $0xffff, v14  }
0xdf: {  	v6 =	vand.u32 $0x3FFFFF, v44;
	v29 =	vld [tilespmem:$0x1FF30];
	v10 =	vadd.s32 v11, v10;
	v11 =	vadd.s32 $0xF1925856, v63;
	[tilespmem:v22+s12+$0x0] =	vst.idx.msk $0xffff, v15  }
0xe0: {  	v12 =	vadd.s32 $0xE4E2EE70, v63;
	v3 =	vand.u32 $0x3FFFFF, v10;
	v10 =	vshra.s32 v11, $0x1F;
	[tilespmem:v24+s12+$0x0] =	vst.idx.msk $0xffff, v17  }
0xe1: {  	v60 =	vor.u32 v50, v1;
	v14 =	vshra.s32 v12, $0x1F;
	v10 =	vand.u32 $0x3A8D77, v10;
	[tilespmem:v25+s12+$0x0] =	vst.idx.msk $0xffff, v20  }
0xe2: {  	v10 =	vadd.s32 v11, v10;
	v11 =	vand.u32 $0x3A8D77, v14;
	v14 =	vadd.s32 $0xD833848A, v63;
	[tilespmem:v28+s12+$0x0] =	vst.idx.msk $0xffff, v21;
	v28 =	vld [tilespmem:$0x1FF60]  }
0xe3: {  	v13 =	vor.u32 v53, v1;
	v11 =	vadd.s32 v12, v11;
	v12 =	vshra.s32 v14, $0x1F;
	[tilespmem:v30+s12+$0x0] =	vst.idx.msk $0xffff, v23  }
0xe4: {  	v2 =	vor.u32 v62, v1;
	v0 =	vor.u32 v29, v1;
	v12 =	vand.u32 $0x3A8D77, v12;
	[tilespmem:v31+s12+$0x0] =	vst.idx.msk $0xffff, v26  }
0xe5: {  	v18 =	vadd.s32 $0xBED4B0BE, v63;
	v26 =	vld [tilespmem:$0x1FF70];
	v12 =	vadd.s32 v14, v12;
	v14 =	vadd.s32 $0xCB841AA4, v63;
	[tilespmem:v34+s12+$0x0] =	vst.idx.msk $0xffff, v27  }
0xe6: {  	v9 =	vand.u32 $0x3FFFFF, v9;
	v15 =	vor.u32 v39, v1;
	v17 =	vshra.s32 v14, $0x1F;
	[tilespmem:v56+s12+$0x0] =	vst.idx.msk $0xffff, v5  }
0xe7: {  	v20 =	vshra.s32 v18, $0x1F;
	v16 =	vor.u32 v28, v1;
	v17 =	vand.u32 $0x3A8D77, v17;
	[tilespmem:v57+s12+$0x0] =	vst.idx.msk $0xffff, v6  }
0xe8: {  	v41 =	vld [tilespmem:$0x1FF90];
	v14 =	vadd.s32 v14, v17;
	v17 =	vand.u32 $0x3A8D77, v20;
	v20 =	vadd.s32 $0xB22546D8, v63;
	[tilespmem:v60+s12+$0x0] =	vst.idx.msk $0xffff, v8  }
0xe9: {  	v50 =	vld [tilespmem:$0x1FFE0];
	v43 =	vand.u32 $0x3FFFFF, v14;
	v14 =	vadd.s32 v18, v17;
	v17 =	vshra.s32 v20, $0x1F;
	[tilespmem:v0+s12+$0x0] =	vst.idx.msk $0xffff, v38  }
0xea: {  	v31 =	vld [tilespmem:$0x1FF80];
	v19 =	vor.u32 v26, v1;
	v47 =	vand.u32 $0x3FFFFF, v14;
	v14 =	vand.u32 $0x3A8D77, v17;
	[tilespmem:v2+s12+$0x0] =	vst.idx.msk $0xffff, v9  }
0xeb: {  	v10 =	vand.u32 $0x3FFFFF, v10;
	v17 =	vadd.s32 $0xA575DCF2, v63;
	v14 =	vadd.s32 v20, v14;
	v20 =	vld [tilespmem:$0x1FFA0];
	[tilespmem:v13+s12+$0x0] =	vst.idx.msk $0xffff, v3  }
0xec: {  	v11 =	vand.u32 $0x3FFFFF, v11;
	v56 =	vshra.s32 v17, $0x1F;
	v13 =	vld [tilespmem:$0x1FDB0];
	[tilespmem:v15+s12+$0x0] =	vst.idx.msk $0xffff, v10  }
0xed: {  	v12 =	vand.u32 $0x3FFFFF, v12;
	v4 =	vand.u32 $0x3A8D77, v56;
	[tilespmem:v16+s12+$0x0] =	vst.idx.msk $0xffff, v11;
	v16 =	vld [tilespmem:$0x1FFB0]  }
0xee: {  	v0 =	vand.u32 $0x3FFFFF, v14;
	v14 =	vadd.s32 $0x98C6730C, v63;
	v3 =	vadd.s32 v17, v4;
	v17 =	vld [tilespmem:$0x1FFC0]  }
0xef: {  	v8 =	vor.u32 v41, v1;
	v44 =	vor.u32 v31, v1;
	v9 =	vshra.s32 v14, $0x1F;
	[tilespmem:v19+s12+$0x0] =	vst.idx.msk $0xffff, v12;
	v19 =	vld [tilespmem:$0x1FFD0]  }
0xf0: {  	v57 =	vand.u32 $0x3A8D77, v9;
	v9 =	vadd.s32 $0x8C170926, v63;
	v3 =	vand.u32 $0x3FFFFF, v3  }
0xf1: {  	v4 =	vadd.s32 v14, v57;
	v10 =	vshra.s32 v9, $0x1F;
	v2 =	vor.u32 v20, v1  }
0xf2: {  	v4 =	vand.u32 $0x3FFFFF, v4;
	v10 =	vand.u32 $0x3A8D77, v10;
	v11 =	vor.u32 v16, v1  }
0xf3: {  	v9 =	vadd.s32 v9, v10;
	v10 =	vadd.s32 $0xF8E22CB7, v63;
	v12 =	vor.u32 v17, v1  }
0xf4: {  	[tilespmem:v44+s12+$0x0] =	vst.idx.msk $0xffff, v43;
	v58 =	vand.u32 $0x3FFFFF, v9;
	v9 =	vshra.s32 v10, $0x1F;
	v59 =	vor.u32 v19, v1  }
0xf5: {  	[tilespmem:v8+s12+$0x0] =	vst.idx.msk $0xffff, v47;
	v8 =	vor.u32 v50, v1;
	v60 =	vand.u32 $0x3A8D77, v9;
	v9 =	vor.u32 $0x3E, v13  }
0xf6: {  	[tilespmem:v2+s12+$0x0] =	vst.idx.msk $0xffff, v0;
	v0 =	vadd.s32 $0xEC32C2D1, v63;
	v2 =	vor.u32 v9, v1;
	v9 =	vor.u32 $0x3F, v13  }
0xf7: {  	v1 =	vor.u32 v9, v1;
	v9 =	vadd.s32 $0xDF8358EB, v63;
	[tilespmem:v11+s12+$0x0] =	vst.idx.msk $0xffff, v3;
	v3 =	vshra.s32 v0, $0x1F  }
0xf8: {  	v61 =	vadd.s32 v10, v60;
	v62 =	vshra.s32 v9, $0x1F;
	[tilespmem:v12+s12+$0x0] =	vst.idx.msk $0xffff, v4;
	v3 =	vand.u32 $0x3A8D77, v3  }
0xf9: {  	v63 =	vand.u32 $0x3A8D77, v62;
	[tilespmem:v59+s12+$0x0] =	vst.idx.msk $0xffff, v58;
	v0 =	vadd.s32 v0, v3;
	v3 =	vand.u32 $0x3FFFFF, v61  }
0xfa: {  	[tilespmem:v8+s12+$0x0] =	vst.idx.msk $0xffff, v3;
	v3 =	vadd.s32 v9, v63;
	v0 =	vand.u32 $0x3FFFFF, v0  }
0xfb: {  	s22 =	sshra.s32 s21, $0x2;
	[tilespmem:v2+s12+$0x0] =	vst.idx.msk $0xffff, v0;
	v0 =	vand.u32 $0x3FFFFF, v3  }
0xfc: {  	s23 =	sadd.s32 $0x8A00, s22;
	[tilespmem:v1+s12+$0x0] =	vst.idx.msk $0xffff, v0  }
0xfd: {  	[tilespmem:s23], [sflag:$0x1] =	stream.indirect.gather [hbm4b:s0+s13], $0x1, s18, s13, $0xb8;
	[tilespmem:$0x18A00] =	vst v63  }
0xfe: {  	s24 =	sadd.s32 $0x40, s18;
	s29 =	sadd.s32 $0x8A80, s22  }
0xff: {  	[tilespmem:s29], [sflag:$0x1] =	stream.indirect.gather [hbm4b:s0+s13], $0x1, s24, s13, $0xb8;
	[tilespmem:$0x18A00] =	vst v63  }
0x100: {  	s31 =	sadd.s32 $0x80, s18;
	s30 =	sadd.s32 $0x8B00, s22  }
0x101: {  	[tilespmem:s30], [sflag:$0x1] =	stream.indirect.gather [hbm4b:s0+s13], $0x1, s31, s13, $0xb8;
	[tilespmem:$0x18A00] =	vst v63  }
0x102: {  	s26 =	sadd.s32 $0xC0, s18;
	s25 =	sadd.s32 $0x8B80, s22  }
0x103: {  	[tilespmem:s25], [sflag:$0x1] =	stream.indirect.gather [hbm4b:s0+s13], $0x1, s26, s13, $0xb8;
	[tilespmem:$0x18A00] =	vst v63  }
0x104: {  	s28 =	sadd.s32 $0x8C00, s22;
	s29 =	sadd.s32 $0x100, s18  }
0x105: {  	[tilespmem:s28], [sflag:$0x1] =	stream.indirect.gather [hbm4b:s0+s13], $0x1, s29, s13, $0xb8;
	[tilespmem:$0x18A00] =	vst v63  }
0x106: {  	s30 =	sadd.s32 $0x8C80, s22;
	s31 =	sadd.s32 $0x140, s18  }
0x107: {  	[tilespmem:s30], [sflag:$0x1] =	stream.indirect.gather [hbm4b:s0+s13], $0x1, s31, s13, $0xb8;
	[tilespmem:$0x18A00] =	vst v63  }
0x108: {  	s25 =	sadd.s32 $0x8D00, s22;
	s26 =	sadd.s32 $0x180, s18  }
0x109: {  	[tilespmem:s25], [sflag:$0x1] =	stream.indirect.gather [hbm4b:s0+s13], $0x1, s26, s13, $0xb8;
	[tilespmem:$0x18A00] =	vst v63  }
0x10a: {  	s28 =	sadd.s32 $0x8D80, s22;
	s29 =	sadd.s32 $0x1C0, s18  }
0x10b: {  	[tilespmem:s28], [sflag:$0x1] =	stream.indirect.gather [hbm4b:s0+s13], $0x1, s29, s13, $0xb8;
	[tilespmem:$0x18A00] =	vst v63  }
0x10c: {  	s30 =	sadd.s32 $0x8E00, s22;
	s31 =	sadd.s32 $0x200, s18  }
0x10d: {  	[tilespmem:s30], [sflag:$0x1] =	stream.indirect.gather [hbm4b:s0+s13], $0x1, s31, s13, $0xb8;
	[tilespmem:$0x18A00] =	vst v63  }
0x10e: {  	s25 =	sadd.s32 $0x8E80, s22;
	s26 =	sadd.s32 $0x240, s18  }
0x10f: {  	[tilespmem:s25], [sflag:$0x1] =	stream.indirect.gather [hbm4b:s0+s13], $0x1, s26, s13, $0xb8;
	[tilespmem:$0x18A00] =	vst v63  }
0x110: {  	v40 =	vld [tilespmem:$0x1FEC0];
	s28 =	sadd.s32 $0x8F00, s22;
	s29 =	sadd.s32 $0x280, s18  }
0x111: {  	v42 =	vld [tilespmem:$0x1FFF0];
	[tilespmem:s28], [sflag:$0x1] =	stream.indirect.gather [hbm4b:s0+s13], $0x1, s29, s13, $0xb8  }
0x112: {  	v33 =	vld [tilespmem:$0x1FE90];
	s30 =	sadd.s32 $0x8F80, s22;
	s31 =	sadd.s32 $0x2C0, s18  }
0x113: {  	v54 =	vmov v36;
	v36 =	vld [tilespmem:$0x1FEB0];
	[tilespmem:s30], [sflag:$0x1] =	stream.indirect.gather [hbm4b:s0+s13], $0x1, s31, s13, $0xb8  }
0x114: {  	v24 =	vld [tilespmem:$0x1FE50];
	s24 =	sadd.s32 $0x9000, s22;
	s25 =	sadd.s32 $0x300, s18  }
0x115: {  	v21 =	vld [tilespmem:$0x1FE30];
	[tilespmem:s24], [sflag:$0x1] =	stream.indirect.gather [hbm4b:s0+s13], $0x1, s25, s13, $0xb8  }
0x116: {  	p0 =	sne.s32 s21, $0x3E000;
	v30 =	vld [tilespmem:$0x1FE80];
	s26 =	sadd.s32 $0x9080, s22;
	s28 =	sadd.s32 $0x340, s18  }
0x117: {  	v27 =	vld [tilespmem:$0x1FE60];
	[tilespmem:s26], [sflag:$0x1] =	stream.indirect.gather [hbm4b:s0+s13], $0x1, s28, s13, $0xb8  }
.Ltmp0:
0x118: {  	s20 =	sadd.s32 $0x8, s20;
	s19 =	sadd.s32 $0x10, s19;
	v18 =	vld [tilespmem:$0x1FE20];
	(pc) =	sbr.rel @p0 .LBB2_2-.Ltmp0, $4  }
0x119: {  	s21 =	sadd.s32 $0x2000, s21;
	v15 =	vld [tilespmem:$0x1FE00];
	s29 =	sadd.s32 $0x9100, s22;
	s30 =	sadd.s32 $0x380, s18  }
0x11a: {  	v12 =	vld [tilespmem:$0x1FDF0];
	[tilespmem:s29], [sflag:$0x1] =	stream.indirect.gather [hbm4b:s0+s13], $0x1, s30, s13, $0xb8  }
0x11b: {  	v9 =	vld [tilespmem:$0x1FDD0];
	s22 =	sadd.s32 $0x9180, s22;
	s31 =	sadd.s32 $0x3C0, s18;
	s18 =	sadd.s32 $0x400, s18  }
0x11c: {  	v45 =	vmov v35;
	v55 =	vmov v39;
	v0 =	vld [tilespmem:$0x1FDC0];
	[tilespmem:s22], [sflag:$0x1] =	stream.indirect.gather [hbm4b:s0+s13], $0x1, s31, s13, $0xb8  }
0x11d: {  	_ =	swait.ge [sflag:s14], $0x8000;
	s17 =	sadd.s32 $0x1, s17  }
0x11e: {  	[sflag:s14] =	ssyncset.done $0x0;
	p0 =	sne.s32 s17, s8  }
.Ltmp1:
0x11f: {  	[sflag:s14] =	ssyncadd.s32 $0xFFFF8000;
	(pc) =	sbr.rel @p0 .LBB2_1-.Ltmp1, $4  }
0x120: {  	[hbm4b:s7+s2] =	stream.linear.scatter [tilespmem:s15], [sflag:$0x3], $0x10000, $0x38;
	[tilespmem:$0x18A00] =	vst v63  }
0x121: {  	_ =	swait.ge [sflag:s16], $0x10000  }
0x122: {  	[sflag:s16] =	ssyncset.done $0x0  }
0x123: {  	[sflag:s16] =	ssyncadd.s32 $0xFFFF0000  }
0x124: {  	_ =	sfence.sel $0x180000  }
0x125: {  	[bflag:$0x0] =	sbarrier.arrive $0xFFFF  }
0x126: {  	p0 =	sne.s32 s3, $0x0;
	_ =	strace $0x90000047  }
0x127: {  	s0 =	sadd.s32 @!p0 $0x100000, s1;
	[bflag:$0x2] =	sbarrier.arrive $0xFFFF  }
0x128: {  	[sflag:s0] =	ssyncadd.tile.s32 @!p0 $0x1;
	_ =	shalt  }
.Lfunc_end2:
_tile_overlayer_lowered:
.L_overlay_start_2:
0x129: {  	(tag) =	ssettag $0x2  }
0x12a: {  	s0 =	rddreg [dreg:$0x0];
	s2 =	stileid.u32  }
0x12b: {  	s1 =	rddreg [dreg:$0x1];
	p0 =	sne.s32 s2, $0x0  }
0x12c: {  	s3 =	rddreg [dreg:$0x2];
	[bflag:$0x3] =	sbarrier.arrive $0xFFFF;
	s2 =	simm.s32 @!p0 $0x1C03  }
0x12d: {  	[timem:s3], [sflag:s2] =	dma.local @!p0 [hbm:s0], s1  }
0x12e: {  	s0 =	simm.s32 @!p0 $0x3  }
0x12f: {  	_ =	swait.ge @!p0 [sflag:s0], s1  }
0x130: {  	s1 =	ssub.s32 @!p0 $0x0, s1;
	[sflag:s0] =	ssyncset.done @!p0 $0x0  }
0x131: {  	[sflag:s0] =	ssyncadd.s32 @!p0 s1  }
0x132: {  	[bflag:$0x3] =	sbarrier.arrive $0xFFFF  }
0x133: {  	_ =	shalt  }

</sc_bundles>
